<compile_context>
chip_gen: v7x
topology: tpu7x:2x2x1
jax: 0.10.2.dev20260603
libtpu: 0.0.44.dev20260713+nightly
codegen_flags: <defaults>
</compile_context>

<pallas_src>
import functools

import jax
import jax.numpy as jnp
from jax import lax
from jax.experimental import pallas as pl
from jax.experimental.pallas import tpu as pltpu
from jax.experimental.pallas import tpu_sc as plsc

_NF = 1_000_000
_B = 16384
_D = 32
_NC = 2
_NS = 16
_NW = _NC * _NS
_BPW = _B // _NW
_W = _D * _BPW

_mesh = plsc.VectorSubcoreMesh(core_axis_name="c", subcore_axis_name="s")


@functools.partial(
    pl.kernel,
    mesh=_mesh,
    out_type=(
        jax.ShapeDtypeStruct((_B,), jnp.float32),
        jax.ShapeDtypeStruct((_D * _B,), jnp.float32),
    ),
    scratch_types=[
        pltpu.VMEM((_BPW,), jnp.int32),
        pltpu.VMEM((_W,), jnp.float32),
        pltpu.VMEM((_BPW,), jnp.float32),
        pltpu.SemaphoreType.DMA,
        pltpu.SemaphoreType.DMA,
    ],
    compiler_params=pltpu.CompilerParams(use_tc_tiling_on_sc=False),
)
def _emb(idx_hbm, vt_hbm, bias_hbm, out_b, out_v,
         idx_v, vbuf, bb, sem_v, sem_b):
    wid = lax.axis_index("s") * _NC + lax.axis_index("c")
    base = wid * _BPW
    pltpu.sync_copy(idx_hbm.at[pl.ds(base, _BPW)], idx_v)

    bias_cp = pltpu.async_copy(bias_hbm.at[idx_v], bb, sem_b)
    copies = [
        pltpu.async_copy(
            vt_hbm.at[d].at[idx_v], vbuf.at[pl.ds(d * _BPW, _BPW)], sem_v)
        for d in range(_D)
    ]

    bias_cp.wait()
    pltpu.sync_copy(bb, out_b.at[pl.ds(base, _BPW)])

    for d in range(_D):
        copies[d].wait()
        pltpu.sync_copy(
            vbuf.at[pl.ds(d * _BPW, _BPW)],
            out_v.at[pl.ds(d * _B + base, _BPW)],
        )


def kernel(index, vect, bias):
    idx = index.astype(jnp.int32)
    vt = vect.T
    bflat = bias.reshape(-1)
    out_b, out_v = _emb(idx, vt, bflat)
    return (out_b, out_v.reshape(_D, _B).T)

# --- scband reference (transcript-rebuilt; emitter-appended) ---
"""Pipeline reference for scband-biased-embedding-12412455485894 (READ-ONLY COPY).

The authoritative reference and input builder live on the scoring server;
editing this copy changes nothing except your own understanding.
"""

import jax, jax.numpy as jnp
import numpy as np

N_FEAT = 1000000
N_DIM = 32
BATCH = 16384

def setup_inputs(seed: int = 0) -> dict:
    key = jax.random.key(seed)
    k1, k2, k3 = jax.random.split(key, 3)
    index = jax.random.randint(k1, (BATCH,), 0, N_FEAT, dtype=jnp.int64 if jax.config.jax_enable_x64 else jnp.int32)
    vect = jax.random.normal(k2, (N_FEAT, N_DIM), dtype=jnp.float32)
    bias = jax.random.normal(k3, (N_FEAT, 1), dtype=jnp.float32)
    return {"index": index, "vect": vect, "bias": bias}

def reference(index, vect, bias):
    # BiasedEmbedding.__call__: (bias(index).squeeze(), vect(index))
    b = jnp.take(bias, index, axis=0)  # [B, 1]
    v = jnp.take(vect, index, axis=0)  # [B, n_dim]
    return (jnp.squeeze(b, axis=-1), v)

if __name__ == "__main__":
    import jax
    _d = setup_inputs()
    print(jax.jit(kernel)(*tuple(_d.values())))

</pallas_src>

<mosaic_0001>
#map = affine_map<(d0, d1) -> (0)>
#map1 = affine_map<(d0, d1) -> (0, 0)>
module attributes {stable_mosaic.version = 14 : i64} {
  func.func @_emb(%arg0: i32, %arg1: i32, %arg2: memref<16384xi32, #tpu.memory_space<hbm>>, %arg3: memref<32x1000000xf32, #tpu.memory_space<hbm>>, %arg4: memref<1000000xf32, #tpu.memory_space<hbm>>, %arg5: memref<16384xf32, #tpu.memory_space<hbm>>, %arg6: memref<524288xf32, #tpu.memory_space<hbm>>, %arg7: memref<512xi32, #tpu.memory_space<vmem>>, %arg8: memref<16384xf32, #tpu.memory_space<vmem>>, %arg9: memref<512xf32, #tpu.memory_space<vmem>>, %arg10: memref<!tpu.dma_semaphore, #tpu.memory_space<semaphore_mem>>, %arg11: memref<!tpu.dma_semaphore, #tpu.memory_space<semaphore_mem>>) attributes {dimension_semantics = [#tpu.dimension_semantics<core_parallel>, #tpu.dimension_semantics<subcore_parallel>], iteration_bounds = array<i64: 2, 16>, scalar_prefetch = 0 : i64, scratch_operands = 5 : i64, tpu.core_type = #tpu.core_type<sc_vector_subcore>, window_params = [{transform_indices = #map}, {transform_indices = #map1}, {transform_indices = #map}, {transform_indices = #map}, {transform_indices = #map}]} {
    %mul3A = arith.constant 2 : i32
    %mul3A_0 = arith.muli %arg1, %mul3A : i32
    %add3A = arith.addi %mul3A_0, %arg0 : i32
    %mul3A_1 = arith.constant 512 : i32
    %mul3A_2 = arith.muli %add3A, %mul3A_1 : i32
    "tpu.region"() ({
      %run_scoped3A = tpu.sem_alloc : memref<!tpu.dma_semaphore, #tpu.memory_space<semaphore_mem>>
      %dma_start3A_581 = tpu.memref_slice %arg2[%mul3A_2] : memref<16384xi32, #tpu.memory_space<hbm>> -> memref<512xi32, #tpu.memory_space<hbm>>
      %dma_start3A_582 = tpu.memref_slice %arg2[%mul3A_2] : memref<16384xi32, #tpu.memory_space<hbm>> -> memref<512xi32, #tpu.memory_space<hbm>>
      tpu.enqueue_dma source(%dma_start3A_582 : memref<512xi32, #tpu.memory_space<hbm>>) target(%arg7 : memref<512xi32, #tpu.memory_space<vmem>>) target_semaphore(%run_scoped3A : memref<!tpu.dma_semaphore, #tpu.memory_space<semaphore_mem>>)
      %dma_wait3A_583 = tpu.memref_slice %arg2[%mul3A_2] : memref<16384xi32, #tpu.memory_space<hbm>> -> memref<512xi32, #tpu.memory_space<hbm>>
      %dma_wait3A_584 = tpu.memref_slice %arg2[%mul3A_2] : memref<16384xi32, #tpu.memory_space<hbm>> -> memref<512xi32, #tpu.memory_space<hbm>>
      tpu.wait_dma2 semaphore(%run_scoped3A : memref<!tpu.dma_semaphore, #tpu.memory_space<semaphore_mem>>) src(%dma_wait3A_584 : memref<512xi32, #tpu.memory_space<hbm>>) dst(%arg7 : memref<512xi32, #tpu.memory_space<vmem>>)
      tpu.yield
    }) : () -> ()
    %dma_start3A = arith.constant 0 : i32
    %dma_start3A_3 = tpu.memref_slice %arg4[%dma_start3A] : memref<1000000xf32, #tpu.memory_space<hbm>> -> memref<1000000xf32, #tpu.memory_space<hbm>>
    tpu.enqueue_indirect_dma source(%dma_start3A_3 : memref<1000000xf32, #tpu.memory_space<hbm>>) target(%arg9 : memref<512xf32, #tpu.memory_space<vmem>>) offsets(%arg7 : memref<512xi32, #tpu.memory_space<vmem>>) semaphore(%arg11 : memref<!tpu.dma_semaphore, #tpu.memory_space<semaphore_mem>>)
    %dma_start3A_4 = arith.constant 0 : i32
    %dma_start3A_5 = arith.constant 0 : i32
    %dma_start3A_6 = tpu.memref_slice %arg8[%dma_start3A_5] : memref<16384xf32, #tpu.memory_space<vmem>> -> memref<512xf32, #tpu.memory_space<vmem>>
    %dma_start3A_7 = arith.constant 0 : i32
    %dma_start3A_8 = tpu.memref_slice %arg3[%dma_start3A_4, %dma_start3A_7] : memref<32x1000000xf32, #tpu.memory_space<hbm>> -> memref<1x1000000xf32, #tpu.memory_space<hbm>>
    %dma_start3A_9 = tpu.memref_squeeze %dma_start3A_8 : memref<1x1000000xf32, #tpu.memory_space<hbm>> -> memref<1000000xf32, #tpu.memory_space<hbm>>
    %dma_start3A_10 = arith.constant 0 : i32
    %dma_start3A_11 = tpu.memref_slice %dma_start3A_9[%dma_start3A_10] : memref<1000000xf32, #tpu.memory_space<hbm>> -> memref<1000000xf32, #tpu.memory_space<hbm>>
    tpu.enqueue_indirect_dma source(%dma_start3A_11 : memref<1000000xf32, #tpu.memory_space<hbm>>) target(%dma_start3A_6 : memref<512xf32, #tpu.memory_space<vmem>>) offsets(%arg7 : memref<512xi32, #tpu.memory_space<vmem>>) semaphore(%arg10 : memref<!tpu.dma_semaphore, #tpu.memory_space<semaphore_mem>>)
    %dma_start3A_12 = arith.constant 1 : i32
    %dma_start3A_13 = arith.constant 512 : i32
    %dma_start3A_14 = tpu.memref_slice %arg8[%dma_start3A_13] : memref<16384xf32, #tpu.memory_space<vmem>> -> memref<512xf32, #tpu.memory_space<vmem>>
    %dma_start3A_15 = arith.constant 0 : i32
    %dma_start3A_16 = tpu.memref_slice %arg3[%dma_start3A_12, %dma_start3A_15] : memref<32x1000000xf32, #tpu.memory_space<hbm>> -> memref<1x1000000xf32, #tpu.memory_space<hbm>>
    %dma_start3A_17 = tpu.memref_squeeze %dma_start3A_16 : memref<1x1000000xf32, #tpu.memory_space<hbm>> -> memref<1000000xf32, #tpu.memory_space<hbm>>
    %dma_start3A_18 = arith.constant 0 : i32
    %dma_start3A_19 = tpu.memref_slice %dma_start3A_17[%dma_start3A_18] : memref<1000000xf32, #tpu.memory_space<hbm>> -> memref<1000000xf32, #tpu.memory_space<hbm>>
    tpu.enqueue_indirect_dma source(%dma_start3A_19 : memref<1000000xf32, #tpu.memory_space<hbm>>) target(%dma_start3A_14 : memref<512xf32, #tpu.memory_space<vmem>>) offsets(%arg7 : memref<512xi32, #tpu.memory_space<vmem>>) semaphore(%arg10 : memref<!tpu.dma_semaphore, #tpu.memory_space<semaphore_mem>>)
    %dma_start3A_20 = arith.constant 2 : i32
    %dma_start3A_21 = arith.constant 1024 : i32
    %dma_start3A_22 = tpu.memref_slice %arg8[%dma_start3A_21] : memref<16384xf32, #tpu.memory_space<vmem>> -> memref<512xf32, #tpu.memory_space<vmem>>
    %dma_start3A_23 = arith.constant 0 : i32
    %dma_start3A_24 = tpu.memref_slice %arg3[%dma_start3A_20, %dma_start3A_23] : memref<32x1000000xf32, #tpu.memory_space<hbm>> -> memref<1x1000000xf32, #tpu.memory_space<hbm>>
    %dma_start3A_25 = tpu.memref_squeeze %dma_start3A_24 : memref<1x1000000xf32, #tpu.memory_space<hbm>> -> memref<1000000xf32, #tpu.memory_space<hbm>>
    %dma_start3A_26 = arith.constant 0 : i32
    %dma_start3A_27 = tpu.memref_slice %dma_start3A_25[%dma_start3A_26] : memref<1000000xf32, #tpu.memory_space<hbm>> -> memref<1000000xf32, #tpu.memory_space<hbm>>
    tpu.enqueue_indirect_dma source(%dma_start3A_27 : memref<1000000xf32, #tpu.memory_space<hbm>>) target(%dma_start3A_22 : memref<512xf32, #tpu.memory_space<vmem>>) offsets(%arg7 : memref<512xi32, #tpu.memory_space<vmem>>) semaphore(%arg10 : memref<!tpu.dma_semaphore, #tpu.memory_space<semaphore_mem>>)
    %dma_start3A_28 = arith.constant 3 : i32
    %dma_start3A_29 = arith.constant 1536 : i32
    %dma_start3A_30 = tpu.memref_slice %arg8[%dma_start3A_29] : memref<16384xf32, #tpu.memory_space<vmem>> -> memref<512xf32, #tpu.memory_space<vmem>>
    %dma_start3A_31 = arith.constant 0 : i32
    %dma_start3A_32 = tpu.memref_slice %arg3[%dma_start3A_28, %dma_start3A_31] : memref<32x1000000xf32, #tpu.memory_space<hbm>> -> memref<1x1000000xf32, #tpu.memory_space<hbm>>
    %dma_start3A_33 = tpu.memref_squeeze %dma_start3A_32 : memref<1x1000000xf32, #tpu.memory_space<hbm>> -> memref<1000000xf32, #tpu.memory_space<hbm>>
    %dma_start3A_34 = arith.constant 0 : i32
    %dma_start3A_35 = tpu.memref_slice %dma_start3A_33[%dma_start3A_34] : memref<1000000xf32, #tpu.memory_space<hbm>> -> memref<1000000xf32, #tpu.memory_space<hbm>>
    tpu.enqueue_indirect_dma source(%dma_start3A_35 : memref<1000000xf32, #tpu.memory_space<hbm>>) target(%dma_start3A_30 : memref<512xf32, #tpu.memory_space<vmem>>) offsets(%arg7 : memref<512xi32, #tpu.memory_space<vmem>>) semaphore(%arg10 : memref<!tpu.dma_semaphore, #tpu.memory_space<semaphore_mem>>)
    %dma_start3A_36 = arith.constant 4 : i32
    %dma_start3A_37 = arith.constant 2048 : i32
    %dma_start3A_38 = tpu.memref_slice %arg8[%dma_start3A_37] : memref<16384xf32, #tpu.memory_space<vmem>> -> memref<512xf32, #tpu.memory_space<vmem>>
    %dma_start3A_39 = arith.constant 0 : i32
    %dma_start3A_40 = tpu.memref_slice %arg3[%dma_start3A_36, %dma_start3A_39] : memref<32x1000000xf32, #tpu.memory_space<hbm>> -> memref<1x1000000xf32, #tpu.memory_space<hbm>>
    %dma_start3A_41 = tpu.memref_squeeze %dma_start3A_40 : memref<1x1000000xf32, #tpu.memory_space<hbm>> -> memref<1000000xf32, #tpu.memory_space<hbm>>
    %dma_start3A_42 = arith.constant 0 : i32
    %dma_start3A_43 = tpu.memref_slice %dma_start3A_41[%dma_start3A_42] : memref<1000000xf32, #tpu.memory_space<hbm>> -> memref<1000000xf32, #tpu.memory_space<hbm>>
    tpu.enqueue_indirect_dma source(%dma_start3A_43 : memref<1000000xf32, #tpu.memory_space<hbm>>) target(%dma_start3A_38 : memref<512xf32, #tpu.memory_space<vmem>>) offsets(%arg7 : memref<512xi32, #tpu.memory_space<vmem>>) semaphore(%arg10 : memref<!tpu.dma_semaphore, #tpu.memory_space<semaphore_mem>>)
    %dma_start3A_44 = arith.constant 5 : i32
    %dma_start3A_45 = arith.constant 2560 : i32
    %dma_start3A_46 = tpu.memref_slice %arg8[%dma_start3A_45] : memref<16384xf32, #tpu.memory_space<vmem>> -> memref<512xf32, #tpu.memory_space<vmem>>
    %dma_start3A_47 = arith.constant 0 : i32
    %dma_start3A_48 = tpu.memref_slice %arg3[%dma_start3A_44, %dma_start3A_47] : memref<32x1000000xf32, #tpu.memory_space<hbm>> -> memref<1x1000000xf32, #tpu.memory_space<hbm>>
    %dma_start3A_49 = tpu.memref_squeeze %dma_start3A_48 : memref<1x1000000xf32, #tpu.memory_space<hbm>> -> memref<1000000xf32, #tpu.memory_space<hbm>>
    %dma_start3A_50 = arith.constant 0 : i32
    %dma_start3A_51 = tpu.memref_slice %dma_start3A_49[%dma_start3A_50] : memref<1000000xf32, #tpu.memory_space<hbm>> -> memref<1000000xf32, #tpu.memory_space<hbm>>
    tpu.enqueue_indirect_dma source(%dma_start3A_51 : memref<1000000xf32, #tpu.memory_space<hbm>>) target(%dma_start3A_46 : memref<512xf32, #tpu.memory_space<vmem>>) offsets(%arg7 : memref<512xi32, #tpu.memory_space<vmem>>) semaphore(%arg10 : memref<!tpu.dma_semaphore, #tpu.memory_space<semaphore_mem>>)
    %dma_start3A_52 = arith.constant 6 : i32
    %dma_start3A_53 = arith.constant 3072 : i32
    %dma_start3A_54 = tpu.memref_slice %arg8[%dma_start3A_53] : memref<16384xf32, #tpu.memory_space<vmem>> -> memref<512xf32, #tpu.memory_space<vmem>>
    %dma_start3A_55 = arith.constant 0 : i32
    %dma_start3A_56 = tpu.memref_slice %arg3[%dma_start3A_52, %dma_start3A_55] : memref<32x1000000xf32, #tpu.memory_space<hbm>> -> memref<1x1000000xf32, #tpu.memory_space<hbm>>
    %dma_start3A_57 = tpu.memref_squeeze %dma_start3A_56 : memref<1x1000000xf32, #tpu.memory_space<hbm>> -> memref<1000000xf32, #tpu.memory_space<hbm>>
    %dma_start3A_58 = arith.constant 0 : i32
    %dma_start3A_59 = tpu.memref_slice %dma_start3A_57[%dma_start3A_58] : memref<1000000xf32, #tpu.memory_space<hbm>> -> memref<1000000xf32, #tpu.memory_space<hbm>>
    tpu.enqueue_indirect_dma source(%dma_start3A_59 : memref<1000000xf32, #tpu.memory_space<hbm>>) target(%dma_start3A_54 : memref<512xf32, #tpu.memory_space<vmem>>) offsets(%arg7 : memref<512xi32, #tpu.memory_space<vmem>>) semaphore(%arg10 : memref<!tpu.dma_semaphore, #tpu.memory_space<semaphore_mem>>)
    %dma_start3A_60 = arith.constant 7 : i32
    %dma_start3A_61 = arith.constant 3584 : i32
    %dma_start3A_62 = tpu.memref_slice %arg8[%dma_start3A_61] : memref<16384xf32, #tpu.memory_space<vmem>> -> memref<512xf32, #tpu.memory_space<vmem>>
    %dma_start3A_63 = arith.constant 0 : i32
    %dma_start3A_64 = tpu.memref_slice %arg3[%dma_start3A_60, %dma_start3A_63] : memref<32x1000000xf32, #tpu.memory_space<hbm>> -> memref<1x1000000xf32, #tpu.memory_space<hbm>>
    %dma_start3A_65 = tpu.memref_squeeze %dma_start3A_64 : memref<1x1000000xf32, #tpu.memory_space<hbm>> -> memref<1000000xf32, #tpu.memory_space<hbm>>
    %dma_start3A_66 = arith.constant 0 : i32
    %dma_start3A_67 = tpu.memref_slice %dma_start3A_65[%dma_start3A_66] : memref<1000000xf32, #tpu.memory_space<hbm>> -> memref<1000000xf32, #tpu.memory_space<hbm>>
    tpu.enqueue_indirect_dma source(%dma_start3A_67 : memref<1000000xf32, #tpu.memory_space<hbm>>) target(%dma_start3A_62 : memref<512xf32, #tpu.memory_space<vmem>>) offsets(%arg7 : memref<512xi32, #tpu.memory_space<vmem>>) semaphore(%arg10 : memref<!tpu.dma_semaphore, #tpu.memory_space<semaphore_mem>>)
    %dma_start3A_68 = arith.constant 8 : i32
    %dma_start3A_69 = arith.constant 4096 : i32
    %dma_start3A_70 = tpu.memref_slice %arg8[%dma_start3A_69] : memref<16384xf32, #tpu.memory_space<vmem>> -> memref<512xf32, #tpu.memory_space<vmem>>
    %dma_start3A_71 = arith.constant 0 : i32
    %dma_start3A_72 = tpu.memref_slice %arg3[%dma_start3A_68, %dma_start3A_71] : memref<32x1000000xf32, #tpu.memory_space<hbm>> -> memref<1x1000000xf32, #tpu.memory_space<hbm>>
    %dma_start3A_73 = tpu.memref_squeeze %dma_start3A_72 : memref<1x1000000xf32, #tpu.memory_space<hbm>> -> memref<1000000xf32, #tpu.memory_space<hbm>>
    %dma_start3A_74 = arith.constant 0 : i32
    %dma_start3A_75 = tpu.memref_slice %dma_start3A_73[%dma_start3A_74] : memref<1000000xf32, #tpu.memory_space<hbm>> -> memref<1000000xf32, #tpu.memory_space<hbm>>
    tpu.enqueue_indirect_dma source(%dma_start3A_75 : memref<1000000xf32, #tpu.memory_space<hbm>>) target(%dma_start3A_70 : memref<512xf32, #tpu.memory_space<vmem>>) offsets(%arg7 : memref<512xi32, #tpu.memory_space<vmem>>) semaphore(%arg10 : memref<!tpu.dma_semaphore, #tpu.memory_space<semaphore_mem>>)
    %dma_start3A_76 = arith.constant 9 : i32
    %dma_start3A_77 = arith.constant 4608 : i32
    %dma_start3A_78 = tpu.memref_slice %arg8[%dma_start3A_77] : memref<16384xf32, #tpu.memory_space<vmem>> -> memref<512xf32, #tpu.memory_space<vmem>>
    %dma_start3A_79 = arith.constant 0 : i32
    %dma_start3A_80 = tpu.memref_slice %arg3[%dma_start3A_76, %dma_start3A_79] : memref<32x1000000xf32, #tpu.memory_space<hbm>> -> memref<1x1000000xf32, #tpu.memory_space<hbm>>
    %dma_start3A_81 = tpu.memref_squeeze %dma_start3A_80 : memref<1x1000000xf32, #tpu.memory_space<hbm>> -> memref<1000000xf32, #tpu.memory_space<hbm>>
    %dma_start3A_82 = arith.constant 0 : i32
    %dma_start3A_83 = tpu.memref_slice %dma_start3A_81[%dma_start3A_82] : memref<1000000xf32, #tpu.memory_space<hbm>> -> memref<1000000xf32, #tpu.memory_space<hbm>>
    tpu.enqueue_indirect_dma source(%dma_start3A_83 : memref<1000000xf32, #tpu.memory_space<hbm>>) target(%dma_start3A_78 : memref<512xf32, #tpu.memory_space<vmem>>) offsets(%arg7 : memref<512xi32, #tpu.memory_space<vmem>>) semaphore(%arg10 : memref<!tpu.dma_semaphore, #tpu.memory_space<semaphore_mem>>)
    %dma_start3A_84 = arith.constant 10 : i32
    %dma_start3A_85 = arith.constant 5120 : i32
    %dma_start3A_86 = tpu.memref_slice %arg8[%dma_start3A_85] : memref<16384xf32, #tpu.memory_space<vmem>> -> memref<512xf32, #tpu.memory_space<vmem>>
    %dma_start3A_87 = arith.constant 0 : i32
    %dma_start3A_88 = tpu.memref_slice %arg3[%dma_start3A_84, %dma_start3A_87] : memref<32x1000000xf32, #tpu.memory_space<hbm>> -> memref<1x1000000xf32, #tpu.memory_space<hbm>>
    %dma_start3A_89 = tpu.memref_squeeze %dma_start3A_88 : memref<1x1000000xf32, #tpu.memory_space<hbm>> -> memref<1000000xf32, #tpu.memory_space<hbm>>
    %dma_start3A_90 = arith.constant 0 : i32
    %dma_start3A_91 = tpu.memref_slice %dma_start3A_89[%dma_start3A_90] : memref<1000000xf32, #tpu.memory_space<hbm>> -> memref<1000000xf32, #tpu.memory_space<hbm>>
    tpu.enqueue_indirect_dma source(%dma_start3A_91 : memref<1000000xf32, #tpu.memory_space<hbm>>) target(%dma_start3A_86 : memref<512xf32, #tpu.memory_space<vmem>>) offsets(%arg7 : memref<512xi32, #tpu.memory_space<vmem>>) semaphore(%arg10 : memref<!tpu.dma_semaphore, #tpu.memory_space<semaphore_mem>>)
    %dma_start3A_92 = arith.constant 11 : i32
    %dma_start3A_93 = arith.constant 5632 : i32
    %dma_start3A_94 = tpu.memref_slice %arg8[%dma_start3A_93] : memref<16384xf32, #tpu.memory_space<vmem>> -> memref<512xf32, #tpu.memory_space<vmem>>
    %dma_start3A_95 = arith.constant 0 : i32
    %dma_start3A_96 = tpu.memref_slice %arg3[%dma_start3A_92, %dma_start3A_95] : memref<32x1000000xf32, #tpu.memory_space<hbm>> -> memref<1x1000000xf32, #tpu.memory_space<hbm>>
    %dma_start3A_97 = tpu.memref_squeeze %dma_start3A_96 : memref<1x1000000xf32, #tpu.memory_space<hbm>> -> memref<1000000xf32, #tpu.memory_space<hbm>>
    %dma_start3A_98 = arith.constant 0 : i32
    %dma_start3A_99 = tpu.memref_slice %dma_start3A_97[%dma_start3A_98] : memref<1000000xf32, #tpu.memory_space<hbm>> -> memref<1000000xf32, #tpu.memory_space<hbm>>
    tpu.enqueue_indirect_dma source(%dma_start3A_99 : memref<1000000xf32, #tpu.memory_space<hbm>>) target(%dma_start3A_94 : memref<512xf32, #tpu.memory_space<vmem>>) offsets(%arg7 : memref<512xi32, #tpu.memory_space<vmem>>) semaphore(%arg10 : memref<!tpu.dma_semaphore, #tpu.memory_space<semaphore_mem>>)
    %dma_start3A_100 = arith.constant 12 : i32
    %dma_start3A_101 = arith.constant 6144 : i32
    %dma_start3A_102 = tpu.memref_slice %arg8[%dma_start3A_101] : memref<16384xf32, #tpu.memory_space<vmem>> -> memref<512xf32, #tpu.memory_space<vmem>>
    %dma_start3A_103 = arith.constant 0 : i32
    %dma_start3A_104 = tpu.memref_slice %arg3[%dma_start3A_100, %dma_start3A_103] : memref<32x1000000xf32, #tpu.memory_space<hbm>> -> memref<1x1000000xf32, #tpu.memory_space<hbm>>
    %dma_start3A_105 = tpu.memref_squeeze %dma_start3A_104 : memref<1x1000000xf32, #tpu.memory_space<hbm>> -> memref<1000000xf32, #tpu.memory_space<hbm>>
    %dma_start3A_106 = arith.constant 0 : i32
    %dma_start3A_107 = tpu.memref_slice %dma_start3A_105[%dma_start3A_106] : memref<1000000xf32, #tpu.memory_space<hbm>> -> memref<1000000xf32, #tpu.memory_space<hbm>>
    tpu.enqueue_indirect_dma source(%dma_start3A_107 : memref<1000000xf32, #tpu.memory_space<hbm>>) target(%dma_start3A_102 : memref<512xf32, #tpu.memory_space<vmem>>) offsets(%arg7 : memref<512xi32, #tpu.memory_space<vmem>>) semaphore(%arg10 : memref<!tpu.dma_semaphore, #tpu.memory_space<semaphore_mem>>)
    %dma_start3A_108 = arith.constant 13 : i32
    %dma_start3A_109 = arith.constant 6656 : i32
    %dma_start3A_110 = tpu.memref_slice %arg8[%dma_start3A_109] : memref<16384xf32, #tpu.memory_space<vmem>> -> memref<512xf32, #tpu.memory_space<vmem>>
    %dma_start3A_111 = arith.constant 0 : i32
    %dma_start3A_112 = tpu.memref_slice %arg3[%dma_start3A_108, %dma_start3A_111] : memref<32x1000000xf32, #tpu.memory_space<hbm>> -> memref<1x1000000xf32, #tpu.memory_space<hbm>>
    %dma_start3A_113 = tpu.memref_squeeze %dma_start3A_112 : memref<1x1000000xf32, #tpu.memory_space<hbm>> -> memref<1000000xf32, #tpu.memory_space<hbm>>
    %dma_start3A_114 = arith.constant 0 : i32
    %dma_start3A_115 = tpu.memref_slice %dma_start3A_113[%dma_start3A_114] : memref<1000000xf32, #tpu.memory_space<hbm>> -> memref<1000000xf32, #tpu.memory_space<hbm>>
    tpu.enqueue_indirect_dma source(%dma_start3A_115 : memref<1000000xf32, #tpu.memory_space<hbm>>) target(%dma_start3A_110 : memref<512xf32, #tpu.memory_space<vmem>>) offsets(%arg7 : memref<512xi32, #tpu.memory_space<vmem>>) semaphore(%arg10 : memref<!tpu.dma_semaphore, #tpu.memory_space<semaphore_mem>>)
    %dma_start3A_116 = arith.constant 14 : i32
    %dma_start3A_117 = arith.constant 7168 : i32
    %dma_start3A_118 = tpu.memref_slice %arg8[%dma_start3A_117] : memref<16384xf32, #tpu.memory_space<vmem>> -> memref<512xf32, #tpu.memory_space<vmem>>
    %dma_start3A_119 = arith.constant 0 : i32
    %dma_start3A_120 = tpu.memref_slice %arg3[%dma_start3A_116, %dma_start3A_119] : memref<32x1000000xf32, #tpu.memory_space<hbm>> -> memref<1x1000000xf32, #tpu.memory_space<hbm>>
    %dma_start3A_121 = tpu.memref_squeeze %dma_start3A_120 : memref<1x1000000xf32, #tpu.memory_space<hbm>> -> memref<1000000xf32, #tpu.memory_space<hbm>>
    %dma_start3A_122 = arith.constant 0 : i32
    %dma_start3A_123 = tpu.memref_slice %dma_start3A_121[%dma_start3A_122] : memref<1000000xf32, #tpu.memory_space<hbm>> -> memref<1000000xf32, #tpu.memory_space<hbm>>
    tpu.enqueue_indirect_dma source(%dma_start3A_123 : memref<1000000xf32, #tpu.memory_space<hbm>>) target(%dma_start3A_118 : memref<512xf32, #tpu.memory_space<vmem>>) offsets(%arg7 : memref<512xi32, #tpu.memory_space<vmem>>) semaphore(%arg10 : memref<!tpu.dma_semaphore, #tpu.memory_space<semaphore_mem>>)
    %dma_start3A_124 = arith.constant 15 : i32
    %dma_start3A_125 = arith.constant 7680 : i32
    %dma_start3A_126 = tpu.memref_slice %arg8[%dma_start3A_125] : memref<16384xf32, #tpu.memory_space<vmem>> -> memref<512xf32, #tpu.memory_space<vmem>>
    %dma_start3A_127 = arith.constant 0 : i32
    %dma_start3A_128 = tpu.memref_slice %arg3[%dma_start3A_124, %dma_start3A_127] : memref<32x1000000xf32, #tpu.memory_space<hbm>> -> memref<1x1000000xf32, #tpu.memory_space<hbm>>
    %dma_start3A_129 = tpu.memref_squeeze %dma_start3A_128 : memref<1x1000000xf32, #tpu.memory_space<hbm>> -> memref<1000000xf32, #tpu.memory_space<hbm>>
    %dma_start3A_130 = arith.constant 0 : i32
    %dma_start3A_131 = tpu.memref_slice %dma_start3A_129[%dma_start3A_130] : memref<1000000xf32, #tpu.memory_space<hbm>> -> memref<1000000xf32, #tpu.memory_space<hbm>>
    tpu.enqueue_indirect_dma source(%dma_start3A_131 : memref<1000000xf32, #tpu.memory_space<hbm>>) target(%dma_start3A_126 : memref<512xf32, #tpu.memory_space<vmem>>) offsets(%arg7 : memref<512xi32, #tpu.memory_space<vmem>>) semaphore(%arg10 : memref<!tpu.dma_semaphore, #tpu.memory_space<semaphore_mem>>)
    %dma_start3A_132 = arith.constant 16 : i32
    %dma_start3A_133 = arith.constant 8192 : i32
    %dma_start3A_134 = tpu.memref_slice %arg8[%dma_start3A_133] : memref<16384xf32, #tpu.memory_space<vmem>> -> memref<512xf32, #tpu.memory_space<vmem>>
    %dma_start3A_135 = arith.constant 0 : i32
    %dma_start3A_136 = tpu.memref_slice %arg3[%dma_start3A_132, %dma_start3A_135] : memref<32x1000000xf32, #tpu.memory_space<hbm>> -> memref<1x1000000xf32, #tpu.memory_space<hbm>>
    %dma_start3A_137 = tpu.memref_squeeze %dma_start3A_136 : memref<1x1000000xf32, #tpu.memory_space<hbm>> -> memref<1000000xf32, #tpu.memory_space<hbm>>
    %dma_start3A_138 = arith.constant 0 : i32
    %dma_start3A_139 = tpu.memref_slice %dma_start3A_137[%dma_start3A_138] : memref<1000000xf32, #tpu.memory_space<hbm>> -> memref<1000000xf32, #tpu.memory_space<hbm>>
    tpu.enqueue_indirect_dma source(%dma_start3A_139 : memref<1000000xf32, #tpu.memory_space<hbm>>) target(%dma_start3A_134 : memref<512xf32, #tpu.memory_space<vmem>>) offsets(%arg7 : memref<512xi32, #tpu.memory_space<vmem>>) semaphore(%arg10 : memref<!tpu.dma_semaphore, #tpu.memory_space<semaphore_mem>>)
    %dma_start3A_140 = arith.constant 17 : i32
    %dma_start3A_141 = arith.constant 8704 : i32
    %dma_start3A_142 = tpu.memref_slice %arg8[%dma_start3A_141] : memref<16384xf32, #tpu.memory_space<vmem>> -> memref<512xf32, #tpu.memory_space<vmem>>
    %dma_start3A_143 = arith.constant 0 : i32
    %dma_start3A_144 = tpu.memref_slice %arg3[%dma_start3A_140, %dma_start3A_143] : memref<32x1000000xf32, #tpu.memory_space<hbm>> -> memref<1x1000000xf32, #tpu.memory_space<hbm>>
    %dma_start3A_145 = tpu.memref_squeeze %dma_start3A_144 : memref<1x1000000xf32, #tpu.memory_space<hbm>> -> memref<1000000xf32, #tpu.memory_space<hbm>>
    %dma_start3A_146 = arith.constant 0 : i32
    %dma_start3A_147 = tpu.memref_slice %dma_start3A_145[%dma_start3A_146] : memref<1000000xf32, #tpu.memory_space<hbm>> -> memref<1000000xf32, #tpu.memory_space<hbm>>
    tpu.enqueue_indirect_dma source(%dma_start3A_147 : memref<1000000xf32, #tpu.memory_space<hbm>>) target(%dma_start3A_142 : memref<512xf32, #tpu.memory_space<vmem>>) offsets(%arg7 : memref<512xi32, #tpu.memory_space<vmem>>) semaphore(%arg10 : memref<!tpu.dma_semaphore, #tpu.memory_space<semaphore_mem>>)
    %dma_start3A_148 = arith.constant 18 : i32
    %dma_start3A_149 = arith.constant 9216 : i32
    %dma_start3A_150 = tpu.memref_slice %arg8[%dma_start3A_149] : memref<16384xf32, #tpu.memory_space<vmem>> -> memref<512xf32, #tpu.memory_space<vmem>>
    %dma_start3A_151 = arith.constant 0 : i32
    %dma_start3A_152 = tpu.memref_slice %arg3[%dma_start3A_148, %dma_start3A_151] : memref<32x1000000xf32, #tpu.memory_space<hbm>> -> memref<1x1000000xf32, #tpu.memory_space<hbm>>
    %dma_start3A_153 = tpu.memref_squeeze %dma_start3A_152 : memref<1x1000000xf32, #tpu.memory_space<hbm>> -> memref<1000000xf32, #tpu.memory_space<hbm>>
    %dma_start3A_154 = arith.constant 0 : i32
    %dma_start3A_155 = tpu.memref_slice %dma_start3A_153[%dma_start3A_154] : memref<1000000xf32, #tpu.memory_space<hbm>> -> memref<1000000xf32, #tpu.memory_space<hbm>>
    tpu.enqueue_indirect_dma source(%dma_start3A_155 : memref<1000000xf32, #tpu.memory_space<hbm>>) target(%dma_start3A_150 : memref<512xf32, #tpu.memory_space<vmem>>) offsets(%arg7 : memref<512xi32, #tpu.memory_space<vmem>>) semaphore(%arg10 : memref<!tpu.dma_semaphore, #tpu.memory_space<semaphore_mem>>)
    %dma_start3A_156 = arith.constant 19 : i32
    %dma_start3A_157 = arith.constant 9728 : i32
    %dma_start3A_158 = tpu.memref_slice %arg8[%dma_start3A_157] : memref<16384xf32, #tpu.memory_space<vmem>> -> memref<512xf32, #tpu.memory_space<vmem>>
    %dma_start3A_159 = arith.constant 0 : i32
    %dma_start3A_160 = tpu.memref_slice %arg3[%dma_start3A_156, %dma_start3A_159] : memref<32x1000000xf32, #tpu.memory_space<hbm>> -> memref<1x1000000xf32, #tpu.memory_space<hbm>>
    %dma_start3A_161 = tpu.memref_squeeze %dma_start3A_160 : memref<1x1000000xf32, #tpu.memory_space<hbm>> -> memref<1000000xf32, #tpu.memory_space<hbm>>
    %dma_start3A_162 = arith.constant 0 : i32
    %dma_start3A_163 = tpu.memref_slice %dma_start3A_161[%dma_start3A_162] : memref<1000000xf32, #tpu.memory_space<hbm>> -> memref<1000000xf32, #tpu.memory_space<hbm>>
    tpu.enqueue_indirect_dma source(%dma_start3A_163 : memref<1000000xf32, #tpu.memory_space<hbm>>) target(%dma_start3A_158 : memref<512xf32, #tpu.memory_space<vmem>>) offsets(%arg7 : memref<512xi32, #tpu.memory_space<vmem>>) semaphore(%arg10 : memref<!tpu.dma_semaphore, #tpu.memory_space<semaphore_mem>>)
    %dma_start3A_164 = arith.constant 20 : i32
    %dma_start3A_165 = arith.constant 10240 : i32
    %dma_start3A_166 = tpu.memref_slice %arg8[%dma_start3A_165] : memref<16384xf32, #tpu.memory_space<vmem>> -> memref<512xf32, #tpu.memory_space<vmem>>
    %dma_start3A_167 = arith.constant 0 : i32
    %dma_start3A_168 = tpu.memref_slice %arg3[%dma_start3A_164, %dma_start3A_167] : memref<32x1000000xf32, #tpu.memory_space<hbm>> -> memref<1x1000000xf32, #tpu.memory_space<hbm>>
    %dma_start3A_169 = tpu.memref_squeeze %dma_start3A_168 : memref<1x1000000xf32, #tpu.memory_space<hbm>> -> memref<1000000xf32, #tpu.memory_space<hbm>>
    %dma_start3A_170 = arith.constant 0 : i32
    %dma_start3A_171 = tpu.memref_slice %dma_start3A_169[%dma_start3A_170] : memref<1000000xf32, #tpu.memory_space<hbm>> -> memref<1000000xf32, #tpu.memory_space<hbm>>
    tpu.enqueue_indirect_dma source(%dma_start3A_171 : memref<1000000xf32, #tpu.memory_space<hbm>>) target(%dma_start3A_166 : memref<512xf32, #tpu.memory_space<vmem>>) offsets(%arg7 : memref<512xi32, #tpu.memory_space<vmem>>) semaphore(%arg10 : memref<!tpu.dma_semaphore, #tpu.memory_space<semaphore_mem>>)
    %dma_start3A_172 = arith.constant 21 : i32
    %dma_start3A_173 = arith.constant 10752 : i32
    %dma_start3A_174 = tpu.memref_slice %arg8[%dma_start3A_173] : memref<16384xf32, #tpu.memory_space<vmem>> -> memref<512xf32, #tpu.memory_space<vmem>>
    %dma_start3A_175 = arith.constant 0 : i32
    %dma_start3A_176 = tpu.memref_slice %arg3[%dma_start3A_172, %dma_start3A_175] : memref<32x1000000xf32, #tpu.memory_space<hbm>> -> memref<1x1000000xf32, #tpu.memory_space<hbm>>
    %dma_start3A_177 = tpu.memref_squeeze %dma_start3A_176 : memref<1x1000000xf32, #tpu.memory_space<hbm>> -> memref<1000000xf32, #tpu.memory_space<hbm>>
    %dma_start3A_178 = arith.constant 0 : i32
    %dma_start3A_179 = tpu.memref_slice %dma_start3A_177[%dma_start3A_178] : memref<1000000xf32, #tpu.memory_space<hbm>> -> memref<1000000xf32, #tpu.memory_space<hbm>>
    tpu.enqueue_indirect_dma source(%dma_start3A_179 : memref<1000000xf32, #tpu.memory_space<hbm>>) target(%dma_start3A_174 : memref<512xf32, #tpu.memory_space<vmem>>) offsets(%arg7 : memref<512xi32, #tpu.memory_space<vmem>>) semaphore(%arg10 : memref<!tpu.dma_semaphore, #tpu.memory_space<semaphore_mem>>)
    %dma_start3A_180 = arith.constant 22 : i32
    %dma_start3A_181 = arith.constant 11264 : i32
    %dma_start3A_182 = tpu.memref_slice %arg8[%dma_start3A_181] : memref<16384xf32, #tpu.memory_space<vmem>> -> memref<512xf32, #tpu.memory_space<vmem>>
    %dma_start3A_183 = arith.constant 0 : i32
    %dma_start3A_184 = tpu.memref_slice %arg3[%dma_start3A_180, %dma_start3A_183] : memref<32x1000000xf32, #tpu.memory_space<hbm>> -> memref<1x1000000xf32, #tpu.memory_space<hbm>>
    %dma_start3A_185 = tpu.memref_squeeze %dma_start3A_184 : memref<1x1000000xf32, #tpu.memory_space<hbm>> -> memref<1000000xf32, #tpu.memory_space<hbm>>
    %dma_start3A_186 = arith.constant 0 : i32
    %dma_start3A_187 = tpu.memref_slice %dma_start3A_185[%dma_start3A_186] : memref<1000000xf32, #tpu.memory_space<hbm>> -> memref<1000000xf32, #tpu.memory_space<hbm>>
    tpu.enqueue_indirect_dma source(%dma_start3A_187 : memref<1000000xf32, #tpu.memory_space<hbm>>) target(%dma_start3A_182 : memref<512xf32, #tpu.memory_space<vmem>>) offsets(%arg7 : memref<512xi32, #tpu.memory_space<vmem>>) semaphore(%arg10 : memref<!tpu.dma_semaphore, #tpu.memory_space<semaphore_mem>>)
    %dma_start3A_188 = arith.constant 23 : i32
    %dma_start3A_189 = arith.constant 11776 : i32
    %dma_start3A_190 = tpu.memref_slice %arg8[%dma_start3A_189] : memref<16384xf32, #tpu.memory_space<vmem>> -> memref<512xf32, #tpu.memory_space<vmem>>
    %dma_start3A_191 = arith.constant 0 : i32
    %dma_start3A_192 = tpu.memref_slice %arg3[%dma_start3A_188, %dma_start3A_191] : memref<32x1000000xf32, #tpu.memory_space<hbm>> -> memref<1x1000000xf32, #tpu.memory_space<hbm>>
    %dma_start3A_193 = tpu.memref_squeeze %dma_start3A_192 : memref<1x1000000xf32, #tpu.memory_space<hbm>> -> memref<1000000xf32, #tpu.memory_space<hbm>>
    %dma_start3A_194 = arith.constant 0 : i32
    %dma_start3A_195 = tpu.memref_slice %dma_start3A_193[%dma_start3A_194] : memref<1000000xf32, #tpu.memory_space<hbm>> -> memref<1000000xf32, #tpu.memory_space<hbm>>
    tpu.enqueue_indirect_dma source(%dma_start3A_195 : memref<1000000xf32, #tpu.memory_space<hbm>>) target(%dma_start3A_190 : memref<512xf32, #tpu.memory_space<vmem>>) offsets(%arg7 : memref<512xi32, #tpu.memory_space<vmem>>) semaphore(%arg10 : memref<!tpu.dma_semaphore, #tpu.memory_space<semaphore_mem>>)
    %dma_start3A_196 = arith.constant 24 : i32
    %dma_start3A_197 = arith.constant 12288 : i32
    %dma_start3A_198 = tpu.memref_slice %arg8[%dma_start3A_197] : memref<16384xf32, #tpu.memory_space<vmem>> -> memref<512xf32, #tpu.memory_space<vmem>>
    %dma_start3A_199 = arith.constant 0 : i32
    %dma_start3A_200 = tpu.memref_slice %arg3[%dma_start3A_196, %dma_start3A_199] : memref<32x1000000xf32, #tpu.memory_space<hbm>> -> memref<1x1000000xf32, #tpu.memory_space<hbm>>
    %dma_start3A_201 = tpu.memref_squeeze %dma_start3A_200 : memref<1x1000000xf32, #tpu.memory_space<hbm>> -> memref<1000000xf32, #tpu.memory_space<hbm>>
    %dma_start3A_202 = arith.constant 0 : i32
    %dma_start3A_203 = tpu.memref_slice %dma_start3A_201[%dma_start3A_202] : memref<1000000xf32, #tpu.memory_space<hbm>> -> memref<1000000xf32, #tpu.memory_space<hbm>>
    tpu.enqueue_indirect_dma source(%dma_start3A_203 : memref<1000000xf32, #tpu.memory_space<hbm>>) target(%dma_start3A_198 : memref<512xf32, #tpu.memory_space<vmem>>) offsets(%arg7 : memref<512xi32, #tpu.memory_space<vmem>>) semaphore(%arg10 : memref<!tpu.dma_semaphore, #tpu.memory_space<semaphore_mem>>)
    %dma_start3A_204 = arith.constant 25 : i32
    %dma_start3A_205 = arith.constant 12800 : i32
    %dma_start3A_206 = tpu.memref_slice %arg8[%dma_start3A_205] : memref<16384xf32, #tpu.memory_space<vmem>> -> memref<512xf32, #tpu.memory_space<vmem>>
    %dma_start3A_207 = arith.constant 0 : i32
    %dma_start3A_208 = tpu.memref_slice %arg3[%dma_start3A_204, %dma_start3A_207] : memref<32x1000000xf32, #tpu.memory_space<hbm>> -> memref<1x1000000xf32, #tpu.memory_space<hbm>>
    %dma_start3A_209 = tpu.memref_squeeze %dma_start3A_208 : memref<1x1000000xf32, #tpu.memory_space<hbm>> -> memref<1000000xf32, #tpu.memory_space<hbm>>
    %dma_start3A_210 = arith.constant 0 : i32
    %dma_start3A_211 = tpu.memref_slice %dma_start3A_209[%dma_start3A_210] : memref<1000000xf32, #tpu.memory_space<hbm>> -> memref<1000000xf32, #tpu.memory_space<hbm>>
    tpu.enqueue_indirect_dma source(%dma_start3A_211 : memref<1000000xf32, #tpu.memory_space<hbm>>) target(%dma_start3A_206 : memref<512xf32, #tpu.memory_space<vmem>>) offsets(%arg7 : memref<512xi32, #tpu.memory_space<vmem>>) semaphore(%arg10 : memref<!tpu.dma_semaphore, #tpu.memory_space<semaphore_mem>>)
    %dma_start3A_212 = arith.constant 26 : i32
    %dma_start3A_213 = arith.constant 13312 : i32
    %dma_start3A_214 = tpu.memref_slice %arg8[%dma_start3A_213] : memref<16384xf32, #tpu.memory_space<vmem>> -> memref<512xf32, #tpu.memory_space<vmem>>
    %dma_start3A_215 = arith.constant 0 : i32
    %dma_start3A_216 = tpu.memref_slice %arg3[%dma_start3A_212, %dma_start3A_215] : memref<32x1000000xf32, #tpu.memory_space<hbm>> -> memref<1x1000000xf32, #tpu.memory_space<hbm>>
    %dma_start3A_217 = tpu.memref_squeeze %dma_start3A_216 : memref<1x1000000xf32, #tpu.memory_space<hbm>> -> memref<1000000xf32, #tpu.memory_space<hbm>>
    %dma_start3A_218 = arith.constant 0 : i32
    %dma_start3A_219 = tpu.memref_slice %dma_start3A_217[%dma_start3A_218] : memref<1000000xf32, #tpu.memory_space<hbm>> -> memref<1000000xf32, #tpu.memory_space<hbm>>
    tpu.enqueue_indirect_dma source(%dma_start3A_219 : memref<1000000xf32, #tpu.memory_space<hbm>>) target(%dma_start3A_214 : memref<512xf32, #tpu.memory_space<vmem>>) offsets(%arg7 : memref<512xi32, #tpu.memory_space<vmem>>) semaphore(%arg10 : memref<!tpu.dma_semaphore, #tpu.memory_space<semaphore_mem>>)
    %dma_start3A_220 = arith.constant 27 : i32
    %dma_start3A_221 = arith.constant 13824 : i32
    %dma_start3A_222 = tpu.memref_slice %arg8[%dma_start3A_221] : memref<16384xf32, #tpu.memory_space<vmem>> -> memref<512xf32, #tpu.memory_space<vmem>>
    %dma_start3A_223 = arith.constant 0 : i32
    %dma_start3A_224 = tpu.memref_slice %arg3[%dma_start3A_220, %dma_start3A_223] : memref<32x1000000xf32, #tpu.memory_space<hbm>> -> memref<1x1000000xf32, #tpu.memory_space<hbm>>
    %dma_start3A_225 = tpu.memref_squeeze %dma_start3A_224 : memref<1x1000000xf32, #tpu.memory_space<hbm>> -> memref<1000000xf32, #tpu.memory_space<hbm>>
    %dma_start3A_226 = arith.constant 0 : i32
    %dma_start3A_227 = tpu.memref_slice %dma_start3A_225[%dma_start3A_226] : memref<1000000xf32, #tpu.memory_space<hbm>> -> memref<1000000xf32, #tpu.memory_space<hbm>>
    tpu.enqueue_indirect_dma source(%dma_start3A_227 : memref<1000000xf32, #tpu.memory_space<hbm>>) target(%dma_start3A_222 : memref<512xf32, #tpu.memory_space<vmem>>) offsets(%arg7 : memref<512xi32, #tpu.memory_space<vmem>>) semaphore(%arg10 : memref<!tpu.dma_semaphore, #tpu.memory_space<semaphore_mem>>)
    %dma_start3A_228 = arith.constant 28 : i32
    %dma_start3A_229 = arith.constant 14336 : i32
    %dma_start3A_230 = tpu.memref_slice %arg8[%dma_start3A_229] : memref<16384xf32, #tpu.memory_space<vmem>> -> memref<512xf32, #tpu.memory_space<vmem>>
    %dma_start3A_231 = arith.constant 0 : i32
    %dma_start3A_232 = tpu.memref_slice %arg3[%dma_start3A_228, %dma_start3A_231] : memref<32x1000000xf32, #tpu.memory_space<hbm>> -> memref<1x1000000xf32, #tpu.memory_space<hbm>>
    %dma_start3A_233 = tpu.memref_squeeze %dma_start3A_232 : memref<1x1000000xf32, #tpu.memory_space<hbm>> -> memref<1000000xf32, #tpu.memory_space<hbm>>
    %dma_start3A_234 = arith.constant 0 : i32
    %dma_start3A_235 = tpu.memref_slice %dma_start3A_233[%dma_start3A_234] : memref<1000000xf32, #tpu.memory_space<hbm>> -> memref<1000000xf32, #tpu.memory_space<hbm>>
    tpu.enqueue_indirect_dma source(%dma_start3A_235 : memref<1000000xf32, #tpu.memory_space<hbm>>) target(%dma_start3A_230 : memref<512xf32, #tpu.memory_space<vmem>>) offsets(%arg7 : memref<512xi32, #tpu.memory_space<vmem>>) semaphore(%arg10 : memref<!tpu.dma_semaphore, #tpu.memory_space<semaphore_mem>>)
    %dma_start3A_236 = arith.constant 29 : i32
    %dma_start3A_237 = arith.constant 14848 : i32
    %dma_start3A_238 = tpu.memref_slice %arg8[%dma_start3A_237] : memref<16384xf32, #tpu.memory_space<vmem>> -> memref<512xf32, #tpu.memory_space<vmem>>
    %dma_start3A_239 = arith.constant 0 : i32
    %dma_start3A_240 = tpu.memref_slice %arg3[%dma_start3A_236, %dma_start3A_239] : memref<32x1000000xf32, #tpu.memory_space<hbm>> -> memref<1x1000000xf32, #tpu.memory_space<hbm>>
    %dma_start3A_241 = tpu.memref_squeeze %dma_start3A_240 : memref<1x1000000xf32, #tpu.memory_space<hbm>> -> memref<1000000xf32, #tpu.memory_space<hbm>>
    %dma_start3A_242 = arith.constant 0 : i32
    %dma_start3A_243 = tpu.memref_slice %dma_start3A_241[%dma_start3A_242] : memref<1000000xf32, #tpu.memory_space<hbm>> -> memref<1000000xf32, #tpu.memory_space<hbm>>
    tpu.enqueue_indirect_dma source(%dma_start3A_243 : memref<1000000xf32, #tpu.memory_space<hbm>>) target(%dma_start3A_238 : memref<512xf32, #tpu.memory_space<vmem>>) offsets(%arg7 : memref<512xi32, #tpu.memory_space<vmem>>) semaphore(%arg10 : memref<!tpu.dma_semaphore, #tpu.memory_space<semaphore_mem>>)
    %dma_start3A_244 = arith.constant 30 : i32
    %dma_start3A_245 = arith.constant 15360 : i32
    %dma_start3A_246 = tpu.memref_slice %arg8[%dma_start3A_245] : memref<16384xf32, #tpu.memory_space<vmem>> -> memref<512xf32, #tpu.memory_space<vmem>>
    %dma_start3A_247 = arith.constant 0 : i32
    %dma_start3A_248 = tpu.memref_slice %arg3[%dma_start3A_244, %dma_start3A_247] : memref<32x1000000xf32, #tpu.memory_space<hbm>> -> memref<1x1000000xf32, #tpu.memory_space<hbm>>
    %dma_start3A_249 = tpu.memref_squeeze %dma_start3A_248 : memref<1x1000000xf32, #tpu.memory_space<hbm>> -> memref<1000000xf32, #tpu.memory_space<hbm>>
    %dma_start3A_250 = arith.constant 0 : i32
    %dma_start3A_251 = tpu.memref_slice %dma_start3A_249[%dma_start3A_250] : memref<1000000xf32, #tpu.memory_space<hbm>> -> memref<1000000xf32, #tpu.memory_space<hbm>>
    tpu.enqueue_indirect_dma source(%dma_start3A_251 : memref<1000000xf32, #tpu.memory_space<hbm>>) target(%dma_start3A_246 : memref<512xf32, #tpu.memory_space<vmem>>) offsets(%arg7 : memref<512xi32, #tpu.memory_space<vmem>>) semaphore(%arg10 : memref<!tpu.dma_semaphore, #tpu.memory_space<semaphore_mem>>)
    %dma_start3A_252 = arith.constant 31 : i32
    %dma_start3A_253 = arith.constant 15872 : i32
    %dma_start3A_254 = tpu.memref_slice %arg8[%dma_start3A_253] : memref<16384xf32, #tpu.memory_space<vmem>> -> memref<512xf32, #tpu.memory_space<vmem>>
    %dma_start3A_255 = arith.constant 0 : i32
    %dma_start3A_256 = tpu.memref_slice %arg3[%dma_start3A_252, %dma_start3A_255] : memref<32x1000000xf32, #tpu.memory_space<hbm>> -> memref<1x1000000xf32, #tpu.memory_space<hbm>>
    %dma_start3A_257 = tpu.memref_squeeze %dma_start3A_256 : memref<1x1000000xf32, #tpu.memory_space<hbm>> -> memref<1000000xf32, #tpu.memory_space<hbm>>
    %dma_start3A_258 = arith.constant 0 : i32
    %dma_start3A_259 = tpu.memref_slice %dma_start3A_257[%dma_start3A_258] : memref<1000000xf32, #tpu.memory_space<hbm>> -> memref<1000000xf32, #tpu.memory_space<hbm>>
    tpu.enqueue_indirect_dma source(%dma_start3A_259 : memref<1000000xf32, #tpu.memory_space<hbm>>) target(%dma_start3A_254 : memref<512xf32, #tpu.memory_space<vmem>>) offsets(%arg7 : memref<512xi32, #tpu.memory_space<vmem>>) semaphore(%arg10 : memref<!tpu.dma_semaphore, #tpu.memory_space<semaphore_mem>>)
    %dma_wait3A = arith.constant 0 : i32
    %dma_wait3A_260 = tpu.memref_slice %arg4[%dma_wait3A] : memref<1000000xf32, #tpu.memory_space<hbm>> -> memref<1000000xf32, #tpu.memory_space<hbm>>
    tpu.wait_indirect_dma semaphore(%arg11 : memref<!tpu.dma_semaphore, #tpu.memory_space<semaphore_mem>>) src(%dma_wait3A_260 : memref<1000000xf32, #tpu.memory_space<hbm>>) dst(%arg9 : memref<512xf32, #tpu.memory_space<vmem>>)
    "tpu.region"() ({
      %run_scoped3A = tpu.sem_alloc : memref<!tpu.dma_semaphore, #tpu.memory_space<semaphore_mem>>
      %dma_start3A_581 = tpu.memref_slice %arg5[%mul3A_2] : memref<16384xf32, #tpu.memory_space<hbm>> -> memref<512xf32, #tpu.memory_space<hbm>>
      %dma_start3A_582 = tpu.memref_slice %arg5[%mul3A_2] : memref<16384xf32, #tpu.memory_space<hbm>> -> memref<512xf32, #tpu.memory_space<hbm>>
      tpu.enqueue_dma source(%arg9 : memref<512xf32, #tpu.memory_space<vmem>>) target(%dma_start3A_582 : memref<512xf32, #tpu.memory_space<hbm>>) target_semaphore(%run_scoped3A : memref<!tpu.dma_semaphore, #tpu.memory_space<semaphore_mem>>)
      %dma_wait3A_583 = tpu.memref_slice %arg5[%mul3A_2] : memref<16384xf32, #tpu.memory_space<hbm>> -> memref<512xf32, #tpu.memory_space<hbm>>
      %dma_wait3A_584 = tpu.memref_slice %arg5[%mul3A_2] : memref<16384xf32, #tpu.memory_space<hbm>> -> memref<512xf32, #tpu.memory_space<hbm>>
      tpu.wait_dma2 semaphore(%run_scoped3A : memref<!tpu.dma_semaphore, #tpu.memory_space<semaphore_mem>>) src(%arg9 : memref<512xf32, #tpu.memory_space<vmem>>) dst(%dma_wait3A_584 : memref<512xf32, #tpu.memory_space<hbm>>)
      tpu.yield
    }) : () -> ()
    %dma_wait3A_261 = arith.constant 0 : i32
    %dma_wait3A_262 = arith.constant 0 : i32
    %dma_wait3A_263 = tpu.memref_slice %arg8[%dma_wait3A_262] : memref<16384xf32, #tpu.memory_space<vmem>> -> memref<512xf32, #tpu.memory_space<vmem>>
    %dma_wait3A_264 = arith.constant 0 : i32
    %dma_wait3A_265 = tpu.memref_slice %arg3[%dma_wait3A_261, %dma_wait3A_264] : memref<32x1000000xf32, #tpu.memory_space<hbm>> -> memref<1x1000000xf32, #tpu.memory_space<hbm>>
    %dma_wait3A_266 = tpu.memref_squeeze %dma_wait3A_265 : memref<1x1000000xf32, #tpu.memory_space<hbm>> -> memref<1000000xf32, #tpu.memory_space<hbm>>
    %dma_wait3A_267 = arith.constant 0 : i32
    %dma_wait3A_268 = tpu.memref_slice %dma_wait3A_266[%dma_wait3A_267] : memref<1000000xf32, #tpu.memory_space<hbm>> -> memref<1000000xf32, #tpu.memory_space<hbm>>
    tpu.wait_indirect_dma semaphore(%arg10 : memref<!tpu.dma_semaphore, #tpu.memory_space<semaphore_mem>>) src(%dma_wait3A_268 : memref<1000000xf32, #tpu.memory_space<hbm>>) dst(%dma_wait3A_263 : memref<512xf32, #tpu.memory_space<vmem>>)
    %add3A_269 = arith.constant 0 : i32
    %add3A_270 = arith.addi %add3A_269, %mul3A_2 : i32
    "tpu.region"() ({
      %run_scoped3A = tpu.sem_alloc : memref<!tpu.dma_semaphore, #tpu.memory_space<semaphore_mem>>
      %dma_start3A_581 = arith.constant 0 : i32
      %dma_start3A_582 = tpu.memref_slice %arg8[%dma_start3A_581] : memref<16384xf32, #tpu.memory_space<vmem>> -> memref<512xf32, #tpu.memory_space<vmem>>
      %dma_start3A_583 = tpu.memref_slice %arg6[%add3A_270] : memref<524288xf32, #tpu.memory_space<hbm>> -> memref<512xf32, #tpu.memory_space<hbm>>
      %dma_start3A_584 = tpu.memref_slice %arg6[%add3A_270] : memref<524288xf32, #tpu.memory_space<hbm>> -> memref<512xf32, #tpu.memory_space<hbm>>
      %dma_start3A_585 = arith.constant 0 : i32
      %dma_start3A_586 = tpu.memref_slice %arg8[%dma_start3A_585] : memref<16384xf32, #tpu.memory_space<vmem>> -> memref<512xf32, #tpu.memory_space<vmem>>
      tpu.enqueue_dma source(%dma_start3A_586 : memref<512xf32, #tpu.memory_space<vmem>>) target(%dma_start3A_584 : memref<512xf32, #tpu.memory_space<hbm>>) target_semaphore(%run_scoped3A : memref<!tpu.dma_semaphore, #tpu.memory_space<semaphore_mem>>)
      %dma_wait3A_587 = arith.constant 0 : i32
      %dma_wait3A_588 = tpu.memref_slice %arg8[%dma_wait3A_587] : memref<16384xf32, #tpu.memory_space<vmem>> -> memref<512xf32, #tpu.memory_space<vmem>>
      %dma_wait3A_589 = tpu.memref_slice %arg6[%add3A_270] : memref<524288xf32, #tpu.memory_space<hbm>> -> memref<512xf32, #tpu.memory_space<hbm>>
      %dma_wait3A_590 = tpu.memref_slice %arg6[%add3A_270] : memref<524288xf32, #tpu.memory_space<hbm>> -> memref<512xf32, #tpu.memory_space<hbm>>
      %dma_wait3A_591 = arith.constant 0 : i32
      %dma_wait3A_592 = tpu.memref_slice %arg8[%dma_wait3A_591] : memref<16384xf32, #tpu.memory_space<vmem>> -> memref<512xf32, #tpu.memory_space<vmem>>
      tpu.wait_dma2 semaphore(%run_scoped3A : memref<!tpu.dma_semaphore, #tpu.memory_space<semaphore_mem>>) src(%dma_wait3A_592 : memref<512xf32, #tpu.memory_space<vmem>>) dst(%dma_wait3A_590 : memref<512xf32, #tpu.memory_space<hbm>>)
      tpu.yield
    }) : () -> ()
    %dma_wait3A_271 = arith.constant 1 : i32
    %dma_wait3A_272 = arith.constant 512 : i32
    %dma_wait3A_273 = tpu.memref_slice %arg8[%dma_wait3A_272] : memref<16384xf32, #tpu.memory_space<vmem>> -> memref<512xf32, #tpu.memory_space<vmem>>
    %dma_wait3A_274 = arith.constant 0 : i32
    %dma_wait3A_275 = tpu.memref_slice %arg3[%dma_wait3A_271, %dma_wait3A_274] : memref<32x1000000xf32, #tpu.memory_space<hbm>> -> memref<1x1000000xf32, #tpu.memory_space<hbm>>
    %dma_wait3A_276 = tpu.memref_squeeze %dma_wait3A_275 : memref<1x1000000xf32, #tpu.memory_space<hbm>> -> memref<1000000xf32, #tpu.memory_space<hbm>>
    %dma_wait3A_277 = arith.constant 0 : i32
    %dma_wait3A_278 = tpu.memref_slice %dma_wait3A_276[%dma_wait3A_277] : memref<1000000xf32, #tpu.memory_space<hbm>> -> memref<1000000xf32, #tpu.memory_space<hbm>>
    tpu.wait_indirect_dma semaphore(%arg10 : memref<!tpu.dma_semaphore, #tpu.memory_space<semaphore_mem>>) src(%dma_wait3A_278 : memref<1000000xf32, #tpu.memory_space<hbm>>) dst(%dma_wait3A_273 : memref<512xf32, #tpu.memory_space<vmem>>)
    %add3A_279 = arith.constant 16384 : i32
    %add3A_280 = arith.addi %add3A_279, %mul3A_2 : i32
    "tpu.region"() ({
      %run_scoped3A = tpu.sem_alloc : memref<!tpu.dma_semaphore, #tpu.memory_space<semaphore_mem>>
      %dma_start3A_581 = arith.constant 512 : i32
      %dma_start3A_582 = tpu.memref_slice %arg8[%dma_start3A_581] : memref<16384xf32, #tpu.memory_space<vmem>> -> memref<512xf32, #tpu.memory_space<vmem>>
      %dma_start3A_583 = tpu.memref_slice %arg6[%add3A_280] : memref<524288xf32, #tpu.memory_space<hbm>> -> memref<512xf32, #tpu.memory_space<hbm>>
      %dma_start3A_584 = tpu.memref_slice %arg6[%add3A_280] : memref<524288xf32, #tpu.memory_space<hbm>> -> memref<512xf32, #tpu.memory_space<hbm>>
      %dma_start3A_585 = arith.constant 512 : i32
      %dma_start3A_586 = tpu.memref_slice %arg8[%dma_start3A_585] : memref<16384xf32, #tpu.memory_space<vmem>> -> memref<512xf32, #tpu.memory_space<vmem>>
      tpu.enqueue_dma source(%dma_start3A_586 : memref<512xf32, #tpu.memory_space<vmem>>) target(%dma_start3A_584 : memref<512xf32, #tpu.memory_space<hbm>>) target_semaphore(%run_scoped3A : memref<!tpu.dma_semaphore, #tpu.memory_space<semaphore_mem>>)
      %dma_wait3A_587 = arith.constant 512 : i32
      %dma_wait3A_588 = tpu.memref_slice %arg8[%dma_wait3A_587] : memref<16384xf32, #tpu.memory_space<vmem>> -> memref<512xf32, #tpu.memory_space<vmem>>
      %dma_wait3A_589 = tpu.memref_slice %arg6[%add3A_280] : memref<524288xf32, #tpu.memory_space<hbm>> -> memref<512xf32, #tpu.memory_space<hbm>>
      %dma_wait3A_590 = tpu.memref_slice %arg6[%add3A_280] : memref<524288xf32, #tpu.memory_space<hbm>> -> memref<512xf32, #tpu.memory_space<hbm>>
      %dma_wait3A_591 = arith.constant 512 : i32
      %dma_wait3A_592 = tpu.memref_slice %arg8[%dma_wait3A_591] : memref<16384xf32, #tpu.memory_space<vmem>> -> memref<512xf32, #tpu.memory_space<vmem>>
      tpu.wait_dma2 semaphore(%run_scoped3A : memref<!tpu.dma_semaphore, #tpu.memory_space<semaphore_mem>>) src(%dma_wait3A_592 : memref<512xf32, #tpu.memory_space<vmem>>) dst(%dma_wait3A_590 : memref<512xf32, #tpu.memory_space<hbm>>)
      tpu.yield
    }) : () -> ()
    %dma_wait3A_281 = arith.constant 2 : i32
    %dma_wait3A_282 = arith.constant 1024 : i32
    %dma_wait3A_283 = tpu.memref_slice %arg8[%dma_wait3A_282] : memref<16384xf32, #tpu.memory_space<vmem>> -> memref<512xf32, #tpu.memory_space<vmem>>
    %dma_wait3A_284 = arith.constant 0 : i32
    %dma_wait3A_285 = tpu.memref_slice %arg3[%dma_wait3A_281, %dma_wait3A_284] : memref<32x1000000xf32, #tpu.memory_space<hbm>> -> memref<1x1000000xf32, #tpu.memory_space<hbm>>
    %dma_wait3A_286 = tpu.memref_squeeze %dma_wait3A_285 : memref<1x1000000xf32, #tpu.memory_space<hbm>> -> memref<1000000xf32, #tpu.memory_space<hbm>>
    %dma_wait3A_287 = arith.constant 0 : i32
    %dma_wait3A_288 = tpu.memref_slice %dma_wait3A_286[%dma_wait3A_287] : memref<1000000xf32, #tpu.memory_space<hbm>> -> memref<1000000xf32, #tpu.memory_space<hbm>>
    tpu.wait_indirect_dma semaphore(%arg10 : memref<!tpu.dma_semaphore, #tpu.memory_space<semaphore_mem>>) src(%dma_wait3A_288 : memref<1000000xf32, #tpu.memory_space<hbm>>) dst(%dma_wait3A_283 : memref<512xf32, #tpu.memory_space<vmem>>)
    %add3A_289 = arith.constant 32768 : i32
    %add3A_290 = arith.addi %add3A_289, %mul3A_2 : i32
    "tpu.region"() ({
      %run_scoped3A = tpu.sem_alloc : memref<!tpu.dma_semaphore, #tpu.memory_space<semaphore_mem>>
      %dma_start3A_581 = arith.constant 1024 : i32
      %dma_start3A_582 = tpu.memref_slice %arg8[%dma_start3A_581] : memref<16384xf32, #tpu.memory_space<vmem>> -> memref<512xf32, #tpu.memory_space<vmem>>
      %dma_start3A_583 = tpu.memref_slice %arg6[%add3A_290] : memref<524288xf32, #tpu.memory_space<hbm>> -> memref<512xf32, #tpu.memory_space<hbm>>
      %dma_start3A_584 = tpu.memref_slice %arg6[%add3A_290] : memref<524288xf32, #tpu.memory_space<hbm>> -> memref<512xf32, #tpu.memory_space<hbm>>
      %dma_start3A_585 = arith.constant 1024 : i32
      %dma_start3A_586 = tpu.memref_slice %arg8[%dma_start3A_585] : memref<16384xf32, #tpu.memory_space<vmem>> -> memref<512xf32, #tpu.memory_space<vmem>>
      tpu.enqueue_dma source(%dma_start3A_586 : memref<512xf32, #tpu.memory_space<vmem>>) target(%dma_start3A_584 : memref<512xf32, #tpu.memory_space<hbm>>) target_semaphore(%run_scoped3A : memref<!tpu.dma_semaphore, #tpu.memory_space<semaphore_mem>>)
      %dma_wait3A_587 = arith.constant 1024 : i32
      %dma_wait3A_588 = tpu.memref_slice %arg8[%dma_wait3A_587] : memref<16384xf32, #tpu.memory_space<vmem>> -> memref<512xf32, #tpu.memory_space<vmem>>
      %dma_wait3A_589 = tpu.memref_slice %arg6[%add3A_290] : memref<524288xf32, #tpu.memory_space<hbm>> -> memref<512xf32, #tpu.memory_space<hbm>>
      %dma_wait3A_590 = tpu.memref_slice %arg6[%add3A_290] : memref<524288xf32, #tpu.memory_space<hbm>> -> memref<512xf32, #tpu.memory_space<hbm>>
      %dma_wait3A_591 = arith.constant 1024 : i32
      %dma_wait3A_592 = tpu.memref_slice %arg8[%dma_wait3A_591] : memref<16384xf32, #tpu.memory_space<vmem>> -> memref<512xf32, #tpu.memory_space<vmem>>
      tpu.wait_dma2 semaphore(%run_scoped3A : memref<!tpu.dma_semaphore, #tpu.memory_space<semaphore_mem>>) src(%dma_wait3A_592 : memref<512xf32, #tpu.memory_space<vmem>>) dst(%dma_wait3A_590 : memref<512xf32, #tpu.memory_space<hbm>>)
      tpu.yield
    }) : () -> ()
    %dma_wait3A_291 = arith.constant 3 : i32
    %dma_wait3A_292 = arith.constant 1536 : i32
    %dma_wait3A_293 = tpu.memref_slice %arg8[%dma_wait3A_292] : memref<16384xf32, #tpu.memory_space<vmem>> -> memref<512xf32, #tpu.memory_space<vmem>>
    %dma_wait3A_294 = arith.constant 0 : i32
    %dma_wait3A_295 = tpu.memref_slice %arg3[%dma_wait3A_291, %dma_wait3A_294] : memref<32x1000000xf32, #tpu.memory_space<hbm>> -> memref<1x1000000xf32, #tpu.memory_space<hbm>>
    %dma_wait3A_296 = tpu.memref_squeeze %dma_wait3A_295 : memref<1x1000000xf32, #tpu.memory_space<hbm>> -> memref<1000000xf32, #tpu.memory_space<hbm>>
    %dma_wait3A_297 = arith.constant 0 : i32
    %dma_wait3A_298 = tpu.memref_slice %dma_wait3A_296[%dma_wait3A_297] : memref<1000000xf32, #tpu.memory_space<hbm>> -> memref<1000000xf32, #tpu.memory_space<hbm>>
    tpu.wait_indirect_dma semaphore(%arg10 : memref<!tpu.dma_semaphore, #tpu.memory_space<semaphore_mem>>) src(%dma_wait3A_298 : memref<1000000xf32, #tpu.memory_space<hbm>>) dst(%dma_wait3A_293 : memref<512xf32, #tpu.memory_space<vmem>>)
    %add3A_299 = arith.constant 49152 : i32
    %add3A_300 = arith.addi %add3A_299, %mul3A_2 : i32
    "tpu.region"() ({
      %run_scoped3A = tpu.sem_alloc : memref<!tpu.dma_semaphore, #tpu.memory_space<semaphore_mem>>
      %dma_start3A_581 = arith.constant 1536 : i32
      %dma_start3A_582 = tpu.memref_slice %arg8[%dma_start3A_581] : memref<16384xf32, #tpu.memory_space<vmem>> -> memref<512xf32, #tpu.memory_space<vmem>>
      %dma_start3A_583 = tpu.memref_slice %arg6[%add3A_300] : memref<524288xf32, #tpu.memory_space<hbm>> -> memref<512xf32, #tpu.memory_space<hbm>>
      %dma_start3A_584 = tpu.memref_slice %arg6[%add3A_300] : memref<524288xf32, #tpu.memory_space<hbm>> -> memref<512xf32, #tpu.memory_space<hbm>>
      %dma_start3A_585 = arith.constant 1536 : i32
      %dma_start3A_586 = tpu.memref_slice %arg8[%dma_start3A_585] : memref<16384xf32, #tpu.memory_space<vmem>> -> memref<512xf32, #tpu.memory_space<vmem>>
      tpu.enqueue_dma source(%dma_start3A_586 : memref<512xf32, #tpu.memory_space<vmem>>) target(%dma_start3A_584 : memref<512xf32, #tpu.memory_space<hbm>>) target_semaphore(%run_scoped3A : memref<!tpu.dma_semaphore, #tpu.memory_space<semaphore_mem>>)
      %dma_wait3A_587 = arith.constant 1536 : i32
      %dma_wait3A_588 = tpu.memref_slice %arg8[%dma_wait3A_587] : memref<16384xf32, #tpu.memory_space<vmem>> -> memref<512xf32, #tpu.memory_space<vmem>>
      %dma_wait3A_589 = tpu.memref_slice %arg6[%add3A_300] : memref<524288xf32, #tpu.memory_space<hbm>> -> memref<512xf32, #tpu.memory_space<hbm>>
      %dma_wait3A_590 = tpu.memref_slice %arg6[%add3A_300] : memref<524288xf32, #tpu.memory_space<hbm>> -> memref<512xf32, #tpu.memory_space<hbm>>
      %dma_wait3A_591 = arith.constant 1536 : i32
      %dma_wait3A_592 = tpu.memref_slice %arg8[%dma_wait3A_591] : memref<16384xf32, #tpu.memory_space<vmem>> -> memref<512xf32, #tpu.memory_space<vmem>>
      tpu.wait_dma2 semaphore(%run_scoped3A : memref<!tpu.dma_semaphore, #tpu.memory_space<semaphore_mem>>) src(%dma_wait3A_592 : memref<512xf32, #tpu.memory_space<vmem>>) dst(%dma_wait3A_590 : memref<512xf32, #tpu.memory_space<hbm>>)
      tpu.yield
    }) : () -> ()
    %dma_wait3A_301 = arith.constant 4 : i32
    %dma_wait3A_302 = arith.constant 2048 : i32
    %dma_wait3A_303 = tpu.memref_slice %arg8[%dma_wait3A_302] : memref<16384xf32, #tpu.memory_space<vmem>> -> memref<512xf32, #tpu.memory_space<vmem>>
    %dma_wait3A_304 = arith.constant 0 : i32
    %dma_wait3A_305 = tpu.memref_slice %arg3[%dma_wait3A_301, %dma_wait3A_304] : memref<32x1000000xf32, #tpu.memory_space<hbm>> -> memref<1x1000000xf32, #tpu.memory_space<hbm>>
    %dma_wait3A_306 = tpu.memref_squeeze %dma_wait3A_305 : memref<1x1000000xf32, #tpu.memory_space<hbm>> -> memref<1000000xf32, #tpu.memory_space<hbm>>
    %dma_wait3A_307 = arith.constant 0 : i32
    %dma_wait3A_308 = tpu.memref_slice %dma_wait3A_306[%dma_wait3A_307] : memref<1000000xf32, #tpu.memory_space<hbm>> -> memref<1000000xf32, #tpu.memory_space<hbm>>
    tpu.wait_indirect_dma semaphore(%arg10 : memref<!tpu.dma_semaphore, #tpu.memory_space<semaphore_mem>>) src(%dma_wait3A_308 : memref<1000000xf32, #tpu.memory_space<hbm>>) dst(%dma_wait3A_303 : memref<512xf32, #tpu.memory_space<vmem>>)
    %add3A_309 = arith.constant 65536 : i32
    %add3A_310 = arith.addi %add3A_309, %mul3A_2 : i32
    "tpu.region"() ({
      %run_scoped3A = tpu.sem_alloc : memref<!tpu.dma_semaphore, #tpu.memory_space<semaphore_mem>>
      %dma_start3A_581 = arith.constant 2048 : i32
      %dma_start3A_582 = tpu.memref_slice %arg8[%dma_start3A_581] : memref<16384xf32, #tpu.memory_space<vmem>> -> memref<512xf32, #tpu.memory_space<vmem>>
      %dma_start3A_583 = tpu.memref_slice %arg6[%add3A_310] : memref<524288xf32, #tpu.memory_space<hbm>> -> memref<512xf32, #tpu.memory_space<hbm>>
      %dma_start3A_584 = tpu.memref_slice %arg6[%add3A_310] : memref<524288xf32, #tpu.memory_space<hbm>> -> memref<512xf32, #tpu.memory_space<hbm>>
      %dma_start3A_585 = arith.constant 2048 : i32
      %dma_start3A_586 = tpu.memref_slice %arg8[%dma_start3A_585] : memref<16384xf32, #tpu.memory_space<vmem>> -> memref<512xf32, #tpu.memory_space<vmem>>
      tpu.enqueue_dma source(%dma_start3A_586 : memref<512xf32, #tpu.memory_space<vmem>>) target(%dma_start3A_584 : memref<512xf32, #tpu.memory_space<hbm>>) target_semaphore(%run_scoped3A : memref<!tpu.dma_semaphore, #tpu.memory_space<semaphore_mem>>)
      %dma_wait3A_587 = arith.constant 2048 : i32
      %dma_wait3A_588 = tpu.memref_slice %arg8[%dma_wait3A_587] : memref<16384xf32, #tpu.memory_space<vmem>> -> memref<512xf32, #tpu.memory_space<vmem>>
      %dma_wait3A_589 = tpu.memref_slice %arg6[%add3A_310] : memref<524288xf32, #tpu.memory_space<hbm>> -> memref<512xf32, #tpu.memory_space<hbm>>
      %dma_wait3A_590 = tpu.memref_slice %arg6[%add3A_310] : memref<524288xf32, #tpu.memory_space<hbm>> -> memref<512xf32, #tpu.memory_space<hbm>>
      %dma_wait3A_591 = arith.constant 2048 : i32
      %dma_wait3A_592 = tpu.memref_slice %arg8[%dma_wait3A_591] : memref<16384xf32, #tpu.memory_space<vmem>> -> memref<512xf32, #tpu.memory_space<vmem>>
      tpu.wait_dma2 semaphore(%run_scoped3A : memref<!tpu.dma_semaphore, #tpu.memory_space<semaphore_mem>>) src(%dma_wait3A_592 : memref<512xf32, #tpu.memory_space<vmem>>) dst(%dma_wait3A_590 : memref<512xf32, #tpu.memory_space<hbm>>)
      tpu.yield
    }) : () -> ()
    %dma_wait3A_311 = arith.constant 5 : i32
    %dma_wait3A_312 = arith.constant 2560 : i32
    %dma_wait3A_313 = tpu.memref_slice %arg8[%dma_wait3A_312] : memref<16384xf32, #tpu.memory_space<vmem>> -> memref<512xf32, #tpu.memory_space<vmem>>
    %dma_wait3A_314 = arith.constant 0 : i32
    %dma_wait3A_315 = tpu.memref_slice %arg3[%dma_wait3A_311, %dma_wait3A_314] : memref<32x1000000xf32, #tpu.memory_space<hbm>> -> memref<1x1000000xf32, #tpu.memory_space<hbm>>
    %dma_wait3A_316 = tpu.memref_squeeze %dma_wait3A_315 : memref<1x1000000xf32, #tpu.memory_space<hbm>> -> memref<1000000xf32, #tpu.memory_space<hbm>>
    %dma_wait3A_317 = arith.constant 0 : i32
    %dma_wait3A_318 = tpu.memref_slice %dma_wait3A_316[%dma_wait3A_317] : memref<1000000xf32, #tpu.memory_space<hbm>> -> memref<1000000xf32, #tpu.memory_space<hbm>>
    tpu.wait_indirect_dma semaphore(%arg10 : memref<!tpu.dma_semaphore, #tpu.memory_space<semaphore_mem>>) src(%dma_wait3A_318 : memref<1000000xf32, #tpu.memory_space<hbm>>) dst(%dma_wait3A_313 : memref<512xf32, #tpu.memory_space<vmem>>)
    %add3A_319 = arith.constant 81920 : i32
    %add3A_320 = arith.addi %add3A_319, %mul3A_2 : i32
    "tpu.region"() ({
      %run_scoped3A = tpu.sem_alloc : memref<!tpu.dma_semaphore, #tpu.memory_space<semaphore_mem>>
      %dma_start3A_581 = arith.constant 2560 : i32
      %dma_start3A_582 = tpu.memref_slice %arg8[%dma_start3A_581] : memref<16384xf32, #tpu.memory_space<vmem>> -> memref<512xf32, #tpu.memory_space<vmem>>
      %dma_start3A_583 = tpu.memref_slice %arg6[%add3A_320] : memref<524288xf32, #tpu.memory_space<hbm>> -> memref<512xf32, #tpu.memory_space<hbm>>
      %dma_start3A_584 = tpu.memref_slice %arg6[%add3A_320] : memref<524288xf32, #tpu.memory_space<hbm>> -> memref<512xf32, #tpu.memory_space<hbm>>
      %dma_start3A_585 = arith.constant 2560 : i32
      %dma_start3A_586 = tpu.memref_slice %arg8[%dma_start3A_585] : memref<16384xf32, #tpu.memory_space<vmem>> -> memref<512xf32, #tpu.memory_space<vmem>>
      tpu.enqueue_dma source(%dma_start3A_586 : memref<512xf32, #tpu.memory_space<vmem>>) target(%dma_start3A_584 : memref<512xf32, #tpu.memory_space<hbm>>) target_semaphore(%run_scoped3A : memref<!tpu.dma_semaphore, #tpu.memory_space<semaphore_mem>>)
      %dma_wait3A_587 = arith.constant 2560 : i32
      %dma_wait3A_588 = tpu.memref_slice %arg8[%dma_wait3A_587] : memref<16384xf32, #tpu.memory_space<vmem>> -> memref<512xf32, #tpu.memory_space<vmem>>
      %dma_wait3A_589 = tpu.memref_slice %arg6[%add3A_320] : memref<524288xf32, #tpu.memory_space<hbm>> -> memref<512xf32, #tpu.memory_space<hbm>>
      %dma_wait3A_590 = tpu.memref_slice %arg6[%add3A_320] : memref<524288xf32, #tpu.memory_space<hbm>> -> memref<512xf32, #tpu.memory_space<hbm>>
      %dma_wait3A_591 = arith.constant 2560 : i32
      %dma_wait3A_592 = tpu.memref_slice %arg8[%dma_wait3A_591] : memref<16384xf32, #tpu.memory_space<vmem>> -> memref<512xf32, #tpu.memory_space<vmem>>
      tpu.wait_dma2 semaphore(%run_scoped3A : memref<!tpu.dma_semaphore, #tpu.memory_space<semaphore_mem>>) src(%dma_wait3A_592 : memref<512xf32, #tpu.memory_space<vmem>>) dst(%dma_wait3A_590 : memref<512xf32, #tpu.memory_space<hbm>>)
      tpu.yield
    }) : () -> ()
    %dma_wait3A_321 = arith.constant 6 : i32
    %dma_wait3A_322 = arith.constant 3072 : i32
    %dma_wait3A_323 = tpu.memref_slice %arg8[%dma_wait3A_322] : memref<16384xf32, #tpu.memory_space<vmem>> -> memref<512xf32, #tpu.memory_space<vmem>>
    %dma_wait3A_324 = arith.constant 0 : i32
    %dma_wait3A_325 = tpu.memref_slice %arg3[%dma_wait3A_321, %dma_wait3A_324] : memref<32x1000000xf32, #tpu.memory_space<hbm>> -> memref<1x1000000xf32, #tpu.memory_space<hbm>>
    %dma_wait3A_326 = tpu.memref_squeeze %dma_wait3A_325 : memref<1x1000000xf32, #tpu.memory_space<hbm>> -> memref<1000000xf32, #tpu.memory_space<hbm>>
    %dma_wait3A_327 = arith.constant 0 : i32
    %dma_wait3A_328 = tpu.memref_slice %dma_wait3A_326[%dma_wait3A_327] : memref<1000000xf32, #tpu.memory_space<hbm>> -> memref<1000000xf32, #tpu.memory_space<hbm>>
    tpu.wait_indirect_dma semaphore(%arg10 : memref<!tpu.dma_semaphore, #tpu.memory_space<semaphore_mem>>) src(%dma_wait3A_328 : memref<1000000xf32, #tpu.memory_space<hbm>>) dst(%dma_wait3A_323 : memref<512xf32, #tpu.memory_space<vmem>>)
    %add3A_329 = arith.constant 98304 : i32
    %add3A_330 = arith.addi %add3A_329, %mul3A_2 : i32
    "tpu.region"() ({
      %run_scoped3A = tpu.sem_alloc : memref<!tpu.dma_semaphore, #tpu.memory_space<semaphore_mem>>
      %dma_start3A_581 = arith.constant 3072 : i32
      %dma_start3A_582 = tpu.memref_slice %arg8[%dma_start3A_581] : memref<16384xf32, #tpu.memory_space<vmem>> -> memref<512xf32, #tpu.memory_space<vmem>>
      %dma_start3A_583 = tpu.memref_slice %arg6[%add3A_330] : memref<524288xf32, #tpu.memory_space<hbm>> -> memref<512xf32, #tpu.memory_space<hbm>>
      %dma_start3A_584 = tpu.memref_slice %arg6[%add3A_330] : memref<524288xf32, #tpu.memory_space<hbm>> -> memref<512xf32, #tpu.memory_space<hbm>>
      %dma_start3A_585 = arith.constant 3072 : i32
      %dma_start3A_586 = tpu.memref_slice %arg8[%dma_start3A_585] : memref<16384xf32, #tpu.memory_space<vmem>> -> memref<512xf32, #tpu.memory_space<vmem>>
      tpu.enqueue_dma source(%dma_start3A_586 : memref<512xf32, #tpu.memory_space<vmem>>) target(%dma_start3A_584 : memref<512xf32, #tpu.memory_space<hbm>>) target_semaphore(%run_scoped3A : memref<!tpu.dma_semaphore, #tpu.memory_space<semaphore_mem>>)
      %dma_wait3A_587 = arith.constant 3072 : i32
      %dma_wait3A_588 = tpu.memref_slice %arg8[%dma_wait3A_587] : memref<16384xf32, #tpu.memory_space<vmem>> -> memref<512xf32, #tpu.memory_space<vmem>>
      %dma_wait3A_589 = tpu.memref_slice %arg6[%add3A_330] : memref<524288xf32, #tpu.memory_space<hbm>> -> memref<512xf32, #tpu.memory_space<hbm>>
      %dma_wait3A_590 = tpu.memref_slice %arg6[%add3A_330] : memref<524288xf32, #tpu.memory_space<hbm>> -> memref<512xf32, #tpu.memory_space<hbm>>
      %dma_wait3A_591 = arith.constant 3072 : i32
      %dma_wait3A_592 = tpu.memref_slice %arg8[%dma_wait3A_591] : memref<16384xf32, #tpu.memory_space<vmem>> -> memref<512xf32, #tpu.memory_space<vmem>>
      tpu.wait_dma2 semaphore(%run_scoped3A : memref<!tpu.dma_semaphore, #tpu.memory_space<semaphore_mem>>) src(%dma_wait3A_592 : memref<512xf32, #tpu.memory_space<vmem>>) dst(%dma_wait3A_590 : memref<512xf32, #tpu.memory_space<hbm>>)
      tpu.yield
    }) : () -> ()
    %dma_wait3A_331 = arith.constant 7 : i32
    %dma_wait3A_332 = arith.constant 3584 : i32
    %dma_wait3A_333 = tpu.memref_slice %arg8[%dma_wait3A_332] : memref<16384xf32, #tpu.memory_space<vmem>> -> memref<512xf32, #tpu.memory_space<vmem>>
    %dma_wait3A_334 = arith.constant 0 : i32
    %dma_wait3A_335 = tpu.memref_slice %arg3[%dma_wait3A_331, %dma_wait3A_334] : memref<32x1000000xf32, #tpu.memory_space<hbm>> -> memref<1x1000000xf32, #tpu.memory_space<hbm>>
    %dma_wait3A_336 = tpu.memref_squeeze %dma_wait3A_335 : memref<1x1000000xf32, #tpu.memory_space<hbm>> -> memref<1000000xf32, #tpu.memory_space<hbm>>
    %dma_wait3A_337 = arith.constant 0 : i32
    %dma_wait3A_338 = tpu.memref_slice %dma_wait3A_336[%dma_wait3A_337] : memref<1000000xf32, #tpu.memory_space<hbm>> -> memref<1000000xf32, #tpu.memory_space<hbm>>
    tpu.wait_indirect_dma semaphore(%arg10 : memref<!tpu.dma_semaphore, #tpu.memory_space<semaphore_mem>>) src(%dma_wait3A_338 : memref<1000000xf32, #tpu.memory_space<hbm>>) dst(%dma_wait3A_333 : memref<512xf32, #tpu.memory_space<vmem>>)
    %add3A_339 = arith.constant 114688 : i32
    %add3A_340 = arith.addi %add3A_339, %mul3A_2 : i32
    "tpu.region"() ({
      %run_scoped3A = tpu.sem_alloc : memref<!tpu.dma_semaphore, #tpu.memory_space<semaphore_mem>>
      %dma_start3A_581 = arith.constant 3584 : i32
      %dma_start3A_582 = tpu.memref_slice %arg8[%dma_start3A_581] : memref<16384xf32, #tpu.memory_space<vmem>> -> memref<512xf32, #tpu.memory_space<vmem>>
      %dma_start3A_583 = tpu.memref_slice %arg6[%add3A_340] : memref<524288xf32, #tpu.memory_space<hbm>> -> memref<512xf32, #tpu.memory_space<hbm>>
      %dma_start3A_584 = tpu.memref_slice %arg6[%add3A_340] : memref<524288xf32, #tpu.memory_space<hbm>> -> memref<512xf32, #tpu.memory_space<hbm>>
      %dma_start3A_585 = arith.constant 3584 : i32
      %dma_start3A_586 = tpu.memref_slice %arg8[%dma_start3A_585] : memref<16384xf32, #tpu.memory_space<vmem>> -> memref<512xf32, #tpu.memory_space<vmem>>
      tpu.enqueue_dma source(%dma_start3A_586 : memref<512xf32, #tpu.memory_space<vmem>>) target(%dma_start3A_584 : memref<512xf32, #tpu.memory_space<hbm>>) target_semaphore(%run_scoped3A : memref<!tpu.dma_semaphore, #tpu.memory_space<semaphore_mem>>)
      %dma_wait3A_587 = arith.constant 3584 : i32
      %dma_wait3A_588 = tpu.memref_slice %arg8[%dma_wait3A_587] : memref<16384xf32, #tpu.memory_space<vmem>> -> memref<512xf32, #tpu.memory_space<vmem>>
      %dma_wait3A_589 = tpu.memref_slice %arg6[%add3A_340] : memref<524288xf32, #tpu.memory_space<hbm>> -> memref<512xf32, #tpu.memory_space<hbm>>
      %dma_wait3A_590 = tpu.memref_slice %arg6[%add3A_340] : memref<524288xf32, #tpu.memory_space<hbm>> -> memref<512xf32, #tpu.memory_space<hbm>>
      %dma_wait3A_591 = arith.constant 3584 : i32
      %dma_wait3A_592 = tpu.memref_slice %arg8[%dma_wait3A_591] : memref<16384xf32, #tpu.memory_space<vmem>> -> memref<512xf32, #tpu.memory_space<vmem>>
      tpu.wait_dma2 semaphore(%run_scoped3A : memref<!tpu.dma_semaphore, #tpu.memory_space<semaphore_mem>>) src(%dma_wait3A_592 : memref<512xf32, #tpu.memory_space<vmem>>) dst(%dma_wait3A_590 : memref<512xf32, #tpu.memory_space<hbm>>)
      tpu.yield
    }) : () -> ()
    %dma_wait3A_341 = arith.constant 8 : i32
    %dma_wait3A_342 = arith.constant 4096 : i32
    %dma_wait3A_343 = tpu.memref_slice %arg8[%dma_wait3A_342] : memref<16384xf32, #tpu.memory_space<vmem>> -> memref<512xf32, #tpu.memory_space<vmem>>
    %dma_wait3A_344 = arith.constant 0 : i32
    %dma_wait3A_345 = tpu.memref_slice %arg3[%dma_wait3A_341, %dma_wait3A_344] : memref<32x1000000xf32, #tpu.memory_space<hbm>> -> memref<1x1000000xf32, #tpu.memory_space<hbm>>
    %dma_wait3A_346 = tpu.memref_squeeze %dma_wait3A_345 : memref<1x1000000xf32, #tpu.memory_space<hbm>> -> memref<1000000xf32, #tpu.memory_space<hbm>>
    %dma_wait3A_347 = arith.constant 0 : i32
    %dma_wait3A_348 = tpu.memref_slice %dma_wait3A_346[%dma_wait3A_347] : memref<1000000xf32, #tpu.memory_space<hbm>> -> memref<1000000xf32, #tpu.memory_space<hbm>>
    tpu.wait_indirect_dma semaphore(%arg10 : memref<!tpu.dma_semaphore, #tpu.memory_space<semaphore_mem>>) src(%dma_wait3A_348 : memref<1000000xf32, #tpu.memory_space<hbm>>) dst(%dma_wait3A_343 : memref<512xf32, #tpu.memory_space<vmem>>)
    %add3A_349 = arith.constant 131072 : i32
    %add3A_350 = arith.addi %add3A_349, %mul3A_2 : i32
    "tpu.region"() ({
      %run_scoped3A = tpu.sem_alloc : memref<!tpu.dma_semaphore, #tpu.memory_space<semaphore_mem>>
      %dma_start3A_581 = arith.constant 4096 : i32
      %dma_start3A_582 = tpu.memref_slice %arg8[%dma_start3A_581] : memref<16384xf32, #tpu.memory_space<vmem>> -> memref<512xf32, #tpu.memory_space<vmem>>
      %dma_start3A_583 = tpu.memref_slice %arg6[%add3A_350] : memref<524288xf32, #tpu.memory_space<hbm>> -> memref<512xf32, #tpu.memory_space<hbm>>
      %dma_start3A_584 = tpu.memref_slice %arg6[%add3A_350] : memref<524288xf32, #tpu.memory_space<hbm>> -> memref<512xf32, #tpu.memory_space<hbm>>
      %dma_start3A_585 = arith.constant 4096 : i32
      %dma_start3A_586 = tpu.memref_slice %arg8[%dma_start3A_585] : memref<16384xf32, #tpu.memory_space<vmem>> -> memref<512xf32, #tpu.memory_space<vmem>>
      tpu.enqueue_dma source(%dma_start3A_586 : memref<512xf32, #tpu.memory_space<vmem>>) target(%dma_start3A_584 : memref<512xf32, #tpu.memory_space<hbm>>) target_semaphore(%run_scoped3A : memref<!tpu.dma_semaphore, #tpu.memory_space<semaphore_mem>>)
      %dma_wait3A_587 = arith.constant 4096 : i32
      %dma_wait3A_588 = tpu.memref_slice %arg8[%dma_wait3A_587] : memref<16384xf32, #tpu.memory_space<vmem>> -> memref<512xf32, #tpu.memory_space<vmem>>
      %dma_wait3A_589 = tpu.memref_slice %arg6[%add3A_350] : memref<524288xf32, #tpu.memory_space<hbm>> -> memref<512xf32, #tpu.memory_space<hbm>>
      %dma_wait3A_590 = tpu.memref_slice %arg6[%add3A_350] : memref<524288xf32, #tpu.memory_space<hbm>> -> memref<512xf32, #tpu.memory_space<hbm>>
      %dma_wait3A_591 = arith.constant 4096 : i32
      %dma_wait3A_592 = tpu.memref_slice %arg8[%dma_wait3A_591] : memref<16384xf32, #tpu.memory_space<vmem>> -> memref<512xf32, #tpu.memory_space<vmem>>
      tpu.wait_dma2 semaphore(%run_scoped3A : memref<!tpu.dma_semaphore, #tpu.memory_space<semaphore_mem>>) src(%dma_wait3A_592 : memref<512xf32, #tpu.memory_space<vmem>>) dst(%dma_wait3A_590 : memref<512xf32, #tpu.memory_space<hbm>>)
      tpu.yield
    }) : () -> ()
    %dma_wait3A_351 = arith.constant 9 : i32
    %dma_wait3A_352 = arith.constant 4608 : i32
    %dma_wait3A_353 = tpu.memref_slice %arg8[%dma_wait3A_352] : memref<16384xf32, #tpu.memory_space<vmem>> -> memref<512xf32, #tpu.memory_space<vmem>>
    %dma_wait3A_354 = arith.constant 0 : i32
    %dma_wait3A_355 = tpu.memref_slice %arg3[%dma_wait3A_351, %dma_wait3A_354] : memref<32x1000000xf32, #tpu.memory_space<hbm>> -> memref<1x1000000xf32, #tpu.memory_space<hbm>>
    %dma_wait3A_356 = tpu.memref_squeeze %dma_wait3A_355 : memref<1x1000000xf32, #tpu.memory_space<hbm>> -> memref<1000000xf32, #tpu.memory_space<hbm>>
    %dma_wait3A_357 = arith.constant 0 : i32
    %dma_wait3A_358 = tpu.memref_slice %dma_wait3A_356[%dma_wait3A_357] : memref<1000000xf32, #tpu.memory_space<hbm>> -> memref<1000000xf32, #tpu.memory_space<hbm>>
    tpu.wait_indirect_dma semaphore(%arg10 : memref<!tpu.dma_semaphore, #tpu.memory_space<semaphore_mem>>) src(%dma_wait3A_358 : memref<1000000xf32, #tpu.memory_space<hbm>>) dst(%dma_wait3A_353 : memref<512xf32, #tpu.memory_space<vmem>>)
    %add3A_359 = arith.constant 147456 : i32
    %add3A_360 = arith.addi %add3A_359, %mul3A_2 : i32
    "tpu.region"() ({
      %run_scoped3A = tpu.sem_alloc : memref<!tpu.dma_semaphore, #tpu.memory_space<semaphore_mem>>
      %dma_start3A_581 = arith.constant 4608 : i32
      %dma_start3A_582 = tpu.memref_slice %arg8[%dma_start3A_581] : memref<16384xf32, #tpu.memory_space<vmem>> -> memref<512xf32, #tpu.memory_space<vmem>>
      %dma_start3A_583 = tpu.memref_slice %arg6[%add3A_360] : memref<524288xf32, #tpu.memory_space<hbm>> -> memref<512xf32, #tpu.memory_space<hbm>>
      %dma_start3A_584 = tpu.memref_slice %arg6[%add3A_360] : memref<524288xf32, #tpu.memory_space<hbm>> -> memref<512xf32, #tpu.memory_space<hbm>>
      %dma_start3A_585 = arith.constant 4608 : i32
      %dma_start3A_586 = tpu.memref_slice %arg8[%dma_start3A_585] : memref<16384xf32, #tpu.memory_space<vmem>> -> memref<512xf32, #tpu.memory_space<vmem>>
      tpu.enqueue_dma source(%dma_start3A_586 : memref<512xf32, #tpu.memory_space<vmem>>) target(%dma_start3A_584 : memref<512xf32, #tpu.memory_space<hbm>>) target_semaphore(%run_scoped3A : memref<!tpu.dma_semaphore, #tpu.memory_space<semaphore_mem>>)
      %dma_wait3A_587 = arith.constant 4608 : i32
      %dma_wait3A_588 = tpu.memref_slice %arg8[%dma_wait3A_587] : memref<16384xf32, #tpu.memory_space<vmem>> -> memref<512xf32, #tpu.memory_space<vmem>>
      %dma_wait3A_589 = tpu.memref_slice %arg6[%add3A_360] : memref<524288xf32, #tpu.memory_space<hbm>> -> memref<512xf32, #tpu.memory_space<hbm>>
      %dma_wait3A_590 = tpu.memref_slice %arg6[%add3A_360] : memref<524288xf32, #tpu.memory_space<hbm>> -> memref<512xf32, #tpu.memory_space<hbm>>
      %dma_wait3A_591 = arith.constant 4608 : i32
      %dma_wait3A_592 = tpu.memref_slice %arg8[%dma_wait3A_591] : memref<16384xf32, #tpu.memory_space<vmem>> -> memref<512xf32, #tpu.memory_space<vmem>>
      tpu.wait_dma2 semaphore(%run_scoped3A : memref<!tpu.dma_semaphore, #tpu.memory_space<semaphore_mem>>) src(%dma_wait3A_592 : memref<512xf32, #tpu.memory_space<vmem>>) dst(%dma_wait3A_590 : memref<512xf32, #tpu.memory_space<hbm>>)
      tpu.yield
    }) : () -> ()
    %dma_wait3A_361 = arith.constant 10 : i32
    %dma_wait3A_362 = arith.constant 5120 : i32
    %dma_wait3A_363 = tpu.memref_slice %arg8[%dma_wait3A_362] : memref<16384xf32, #tpu.memory_space<vmem>> -> memref<512xf32, #tpu.memory_space<vmem>>
    %dma_wait3A_364 = arith.constant 0 : i32
    %dma_wait3A_365 = tpu.memref_slice %arg3[%dma_wait3A_361, %dma_wait3A_364] : memref<32x1000000xf32, #tpu.memory_space<hbm>> -> memref<1x1000000xf32, #tpu.memory_space<hbm>>
    %dma_wait3A_366 = tpu.memref_squeeze %dma_wait3A_365 : memref<1x1000000xf32, #tpu.memory_space<hbm>> -> memref<1000000xf32, #tpu.memory_space<hbm>>
    %dma_wait3A_367 = arith.constant 0 : i32
    %dma_wait3A_368 = tpu.memref_slice %dma_wait3A_366[%dma_wait3A_367] : memref<1000000xf32, #tpu.memory_space<hbm>> -> memref<1000000xf32, #tpu.memory_space<hbm>>
    tpu.wait_indirect_dma semaphore(%arg10 : memref<!tpu.dma_semaphore, #tpu.memory_space<semaphore_mem>>) src(%dma_wait3A_368 : memref<1000000xf32, #tpu.memory_space<hbm>>) dst(%dma_wait3A_363 : memref<512xf32, #tpu.memory_space<vmem>>)
    %add3A_369 = arith.constant 163840 : i32
    %add3A_370 = arith.addi %add3A_369, %mul3A_2 : i32
    "tpu.region"() ({
      %run_scoped3A = tpu.sem_alloc : memref<!tpu.dma_semaphore, #tpu.memory_space<semaphore_mem>>
      %dma_start3A_581 = arith.constant 5120 : i32
      %dma_start3A_582 = tpu.memref_slice %arg8[%dma_start3A_581] : memref<16384xf32, #tpu.memory_space<vmem>> -> memref<512xf32, #tpu.memory_space<vmem>>
      %dma_start3A_583 = tpu.memref_slice %arg6[%add3A_370] : memref<524288xf32, #tpu.memory_space<hbm>> -> memref<512xf32, #tpu.memory_space<hbm>>
      %dma_start3A_584 = tpu.memref_slice %arg6[%add3A_370] : memref<524288xf32, #tpu.memory_space<hbm>> -> memref<512xf32, #tpu.memory_space<hbm>>
      %dma_start3A_585 = arith.constant 5120 : i32
      %dma_start3A_586 = tpu.memref_slice %arg8[%dma_start3A_585] : memref<16384xf32, #tpu.memory_space<vmem>> -> memref<512xf32, #tpu.memory_space<vmem>>
      tpu.enqueue_dma source(%dma_start3A_586 : memref<512xf32, #tpu.memory_space<vmem>>) target(%dma_start3A_584 : memref<512xf32, #tpu.memory_space<hbm>>) target_semaphore(%run_scoped3A : memref<!tpu.dma_semaphore, #tpu.memory_space<semaphore_mem>>)
      %dma_wait3A_587 = arith.constant 5120 : i32
      %dma_wait3A_588 = tpu.memref_slice %arg8[%dma_wait3A_587] : memref<16384xf32, #tpu.memory_space<vmem>> -> memref<512xf32, #tpu.memory_space<vmem>>
      %dma_wait3A_589 = tpu.memref_slice %arg6[%add3A_370] : memref<524288xf32, #tpu.memory_space<hbm>> -> memref<512xf32, #tpu.memory_space<hbm>>
      %dma_wait3A_590 = tpu.memref_slice %arg6[%add3A_370] : memref<524288xf32, #tpu.memory_space<hbm>> -> memref<512xf32, #tpu.memory_space<hbm>>
      %dma_wait3A_591 = arith.constant 5120 : i32
      %dma_wait3A_592 = tpu.memref_slice %arg8[%dma_wait3A_591] : memref<16384xf32, #tpu.memory_space<vmem>> -> memref<512xf32, #tpu.memory_space<vmem>>
      tpu.wait_dma2 semaphore(%run_scoped3A : memref<!tpu.dma_semaphore, #tpu.memory_space<semaphore_mem>>) src(%dma_wait3A_592 : memref<512xf32, #tpu.memory_space<vmem>>) dst(%dma_wait3A_590 : memref<512xf32, #tpu.memory_space<hbm>>)
      tpu.yield
    }) : () -> ()
    %dma_wait3A_371 = arith.constant 11 : i32
    %dma_wait3A_372 = arith.constant 5632 : i32
    %dma_wait3A_373 = tpu.memref_slice %arg8[%dma_wait3A_372] : memref<16384xf32, #tpu.memory_space<vmem>> -> memref<512xf32, #tpu.memory_space<vmem>>
    %dma_wait3A_374 = arith.constant 0 : i32
    %dma_wait3A_375 = tpu.memref_slice %arg3[%dma_wait3A_371, %dma_wait3A_374] : memref<32x1000000xf32, #tpu.memory_space<hbm>> -> memref<1x1000000xf32, #tpu.memory_space<hbm>>
    %dma_wait3A_376 = tpu.memref_squeeze %dma_wait3A_375 : memref<1x1000000xf32, #tpu.memory_space<hbm>> -> memref<1000000xf32, #tpu.memory_space<hbm>>
    %dma_wait3A_377 = arith.constant 0 : i32
    %dma_wait3A_378 = tpu.memref_slice %dma_wait3A_376[%dma_wait3A_377] : memref<1000000xf32, #tpu.memory_space<hbm>> -> memref<1000000xf32, #tpu.memory_space<hbm>>
    tpu.wait_indirect_dma semaphore(%arg10 : memref<!tpu.dma_semaphore, #tpu.memory_space<semaphore_mem>>) src(%dma_wait3A_378 : memref<1000000xf32, #tpu.memory_space<hbm>>) dst(%dma_wait3A_373 : memref<512xf32, #tpu.memory_space<vmem>>)
    %add3A_379 = arith.constant 180224 : i32
    %add3A_380 = arith.addi %add3A_379, %mul3A_2 : i32
    "tpu.region"() ({
      %run_scoped3A = tpu.sem_alloc : memref<!tpu.dma_semaphore, #tpu.memory_space<semaphore_mem>>
      %dma_start3A_581 = arith.constant 5632 : i32
      %dma_start3A_582 = tpu.memref_slice %arg8[%dma_start3A_581] : memref<16384xf32, #tpu.memory_space<vmem>> -> memref<512xf32, #tpu.memory_space<vmem>>
      %dma_start3A_583 = tpu.memref_slice %arg6[%add3A_380] : memref<524288xf32, #tpu.memory_space<hbm>> -> memref<512xf32, #tpu.memory_space<hbm>>
      %dma_start3A_584 = tpu.memref_slice %arg6[%add3A_380] : memref<524288xf32, #tpu.memory_space<hbm>> -> memref<512xf32, #tpu.memory_space<hbm>>
      %dma_start3A_585 = arith.constant 5632 : i32
      %dma_start3A_586 = tpu.memref_slice %arg8[%dma_start3A_585] : memref<16384xf32, #tpu.memory_space<vmem>> -> memref<512xf32, #tpu.memory_space<vmem>>
      tpu.enqueue_dma source(%dma_start3A_586 : memref<512xf32, #tpu.memory_space<vmem>>) target(%dma_start3A_584 : memref<512xf32, #tpu.memory_space<hbm>>) target_semaphore(%run_scoped3A : memref<!tpu.dma_semaphore, #tpu.memory_space<semaphore_mem>>)
      %dma_wait3A_587 = arith.constant 5632 : i32
      %dma_wait3A_588 = tpu.memref_slice %arg8[%dma_wait3A_587] : memref<16384xf32, #tpu.memory_space<vmem>> -> memref<512xf32, #tpu.memory_space<vmem>>
      %dma_wait3A_589 = tpu.memref_slice %arg6[%add3A_380] : memref<524288xf32, #tpu.memory_space<hbm>> -> memref<512xf32, #tpu.memory_space<hbm>>
      %dma_wait3A_590 = tpu.memref_slice %arg6[%add3A_380] : memref<524288xf32, #tpu.memory_space<hbm>> -> memref<512xf32, #tpu.memory_space<hbm>>
      %dma_wait3A_591 = arith.constant 5632 : i32
      %dma_wait3A_592 = tpu.memref_slice %arg8[%dma_wait3A_591] : memref<16384xf32, #tpu.memory_space<vmem>> -> memref<512xf32, #tpu.memory_space<vmem>>
      tpu.wait_dma2 semaphore(%run_scoped3A : memref<!tpu.dma_semaphore, #tpu.memory_space<semaphore_mem>>) src(%dma_wait3A_592 : memref<512xf32, #tpu.memory_space<vmem>>) dst(%dma_wait3A_590 : memref<512xf32, #tpu.memory_space<hbm>>)
      tpu.yield
    }) : () -> ()
    %dma_wait3A_381 = arith.constant 12 : i32
    %dma_wait3A_382 = arith.constant 6144 : i32
    %dma_wait3A_383 = tpu.memref_slice %arg8[%dma_wait3A_382] : memref<16384xf32, #tpu.memory_space<vmem>> -> memref<512xf32, #tpu.memory_space<vmem>>
    %dma_wait3A_384 = arith.constant 0 : i32
    %dma_wait3A_385 = tpu.memref_slice %arg3[%dma_wait3A_381, %dma_wait3A_384] : memref<32x1000000xf32, #tpu.memory_space<hbm>> -> memref<1x1000000xf32, #tpu.memory_space<hbm>>
    %dma_wait3A_386 = tpu.memref_squeeze %dma_wait3A_385 : memref<1x1000000xf32, #tpu.memory_space<hbm>> -> memref<1000000xf32, #tpu.memory_space<hbm>>
    %dma_wait3A_387 = arith.constant 0 : i32
    %dma_wait3A_388 = tpu.memref_slice %dma_wait3A_386[%dma_wait3A_387] : memref<1000000xf32, #tpu.memory_space<hbm>> -> memref<1000000xf32, #tpu.memory_space<hbm>>
    tpu.wait_indirect_dma semaphore(%arg10 : memref<!tpu.dma_semaphore, #tpu.memory_space<semaphore_mem>>) src(%dma_wait3A_388 : memref<1000000xf32, #tpu.memory_space<hbm>>) dst(%dma_wait3A_383 : memref<512xf32, #tpu.memory_space<vmem>>)
    %add3A_389 = arith.constant 196608 : i32
    %add3A_390 = arith.addi %add3A_389, %mul3A_2 : i32
    "tpu.region"() ({
      %run_scoped3A = tpu.sem_alloc : memref<!tpu.dma_semaphore, #tpu.memory_space<semaphore_mem>>
      %dma_start3A_581 = arith.constant 6144 : i32
      %dma_start3A_582 = tpu.memref_slice %arg8[%dma_start3A_581] : memref<16384xf32, #tpu.memory_space<vmem>> -> memref<512xf32, #tpu.memory_space<vmem>>
      %dma_start3A_583 = tpu.memref_slice %arg6[%add3A_390] : memref<524288xf32, #tpu.memory_space<hbm>> -> memref<512xf32, #tpu.memory_space<hbm>>
      %dma_start3A_584 = tpu.memref_slice %arg6[%add3A_390] : memref<524288xf32, #tpu.memory_space<hbm>> -> memref<512xf32, #tpu.memory_space<hbm>>
      %dma_start3A_585 = arith.constant 6144 : i32
      %dma_start3A_586 = tpu.memref_slice %arg8[%dma_start3A_585] : memref<16384xf32, #tpu.memory_space<vmem>> -> memref<512xf32, #tpu.memory_space<vmem>>
      tpu.enqueue_dma source(%dma_start3A_586 : memref<512xf32, #tpu.memory_space<vmem>>) target(%dma_start3A_584 : memref<512xf32, #tpu.memory_space<hbm>>) target_semaphore(%run_scoped3A : memref<!tpu.dma_semaphore, #tpu.memory_space<semaphore_mem>>)
      %dma_wait3A_587 = arith.constant 6144 : i32
      %dma_wait3A_588 = tpu.memref_slice %arg8[%dma_wait3A_587] : memref<16384xf32, #tpu.memory_space<vmem>> -> memref<512xf32, #tpu.memory_space<vmem>>
      %dma_wait3A_589 = tpu.memref_slice %arg6[%add3A_390] : memref<524288xf32, #tpu.memory_space<hbm>> -> memref<512xf32, #tpu.memory_space<hbm>>
      %dma_wait3A_590 = tpu.memref_slice %arg6[%add3A_390] : memref<524288xf32, #tpu.memory_space<hbm>> -> memref<512xf32, #tpu.memory_space<hbm>>
      %dma_wait3A_591 = arith.constant 6144 : i32
      %dma_wait3A_592 = tpu.memref_slice %arg8[%dma_wait3A_591] : memref<16384xf32, #tpu.memory_space<vmem>> -> memref<512xf32, #tpu.memory_space<vmem>>
      tpu.wait_dma2 semaphore(%run_scoped3A : memref<!tpu.dma_semaphore, #tpu.memory_space<semaphore_mem>>) src(%dma_wait3A_592 : memref<512xf32, #tpu.memory_space<vmem>>) dst(%dma_wait3A_590 : memref<512xf32, #tpu.memory_space<hbm>>)
      tpu.yield
    }) : () -> ()
    %dma_wait3A_391 = arith.constant 13 : i32
    %dma_wait3A_392 = arith.constant 6656 : i32
    %dma_wait3A_393 = tpu.memref_slice %arg8[%dma_wait3A_392] : memref<16384xf32, #tpu.memory_space<vmem>> -> memref<512xf32, #tpu.memory_space<vmem>>
    %dma_wait3A_394 = arith.constant 0 : i32
    %dma_wait3A_395 = tpu.memref_slice %arg3[%dma_wait3A_391, %dma_wait3A_394] : memref<32x1000000xf32, #tpu.memory_space<hbm>> -> memref<1x1000000xf32, #tpu.memory_space<hbm>>
    %dma_wait3A_396 = tpu.memref_squeeze %dma_wait3A_395 : memref<1x1000000xf32, #tpu.memory_space<hbm>> -> memref<1000000xf32, #tpu.memory_space<hbm>>
    %dma_wait3A_397 = arith.constant 0 : i32
    %dma_wait3A_398 = tpu.memref_slice %dma_wait3A_396[%dma_wait3A_397] : memref<1000000xf32, #tpu.memory_space<hbm>> -> memref<1000000xf32, #tpu.memory_space<hbm>>
    tpu.wait_indirect_dma semaphore(%arg10 : memref<!tpu.dma_semaphore, #tpu.memory_space<semaphore_mem>>) src(%dma_wait3A_398 : memref<1000000xf32, #tpu.memory_space<hbm>>) dst(%dma_wait3A_393 : memref<512xf32, #tpu.memory_space<vmem>>)
    %add3A_399 = arith.constant 212992 : i32
    %add3A_400 = arith.addi %add3A_399, %mul3A_2 : i32
    "tpu.region"() ({
      %run_scoped3A = tpu.sem_alloc : memref<!tpu.dma_semaphore, #tpu.memory_space<semaphore_mem>>
      %dma_start3A_581 = arith.constant 6656 : i32
      %dma_start3A_582 = tpu.memref_slice %arg8[%dma_start3A_581] : memref<16384xf32, #tpu.memory_space<vmem>> -> memref<512xf32, #tpu.memory_space<vmem>>
      %dma_start3A_583 = tpu.memref_slice %arg6[%add3A_400] : memref<524288xf32, #tpu.memory_space<hbm>> -> memref<512xf32, #tpu.memory_space<hbm>>
      %dma_start3A_584 = tpu.memref_slice %arg6[%add3A_400] : memref<524288xf32, #tpu.memory_space<hbm>> -> memref<512xf32, #tpu.memory_space<hbm>>
      %dma_start3A_585 = arith.constant 6656 : i32
      %dma_start3A_586 = tpu.memref_slice %arg8[%dma_start3A_585] : memref<16384xf32, #tpu.memory_space<vmem>> -> memref<512xf32, #tpu.memory_space<vmem>>
      tpu.enqueue_dma source(%dma_start3A_586 : memref<512xf32, #tpu.memory_space<vmem>>) target(%dma_start3A_584 : memref<512xf32, #tpu.memory_space<hbm>>) target_semaphore(%run_scoped3A : memref<!tpu.dma_semaphore, #tpu.memory_space<semaphore_mem>>)
      %dma_wait3A_587 = arith.constant 6656 : i32
      %dma_wait3A_588 = tpu.memref_slice %arg8[%dma_wait3A_587] : memref<16384xf32, #tpu.memory_space<vmem>> -> memref<512xf32, #tpu.memory_space<vmem>>
      %dma_wait3A_589 = tpu.memref_slice %arg6[%add3A_400] : memref<524288xf32, #tpu.memory_space<hbm>> -> memref<512xf32, #tpu.memory_space<hbm>>
      %dma_wait3A_590 = tpu.memref_slice %arg6[%add3A_400] : memref<524288xf32, #tpu.memory_space<hbm>> -> memref<512xf32, #tpu.memory_space<hbm>>
      %dma_wait3A_591 = arith.constant 6656 : i32
      %dma_wait3A_592 = tpu.memref_slice %arg8[%dma_wait3A_591] : memref<16384xf32, #tpu.memory_space<vmem>> -> memref<512xf32, #tpu.memory_space<vmem>>
      tpu.wait_dma2 semaphore(%run_scoped3A : memref<!tpu.dma_semaphore, #tpu.memory_space<semaphore_mem>>) src(%dma_wait3A_592 : memref<512xf32, #tpu.memory_space<vmem>>) dst(%dma_wait3A_590 : memref<512xf32, #tpu.memory_space<hbm>>)
      tpu.yield
    }) : () -> ()
    %dma_wait3A_401 = arith.constant 14 : i32
    %dma_wait3A_402 = arith.constant 7168 : i32
    %dma_wait3A_403 = tpu.memref_slice %arg8[%dma_wait3A_402] : memref<16384xf32, #tpu.memory_space<vmem>> -> memref<512xf32, #tpu.memory_space<vmem>>
    %dma_wait3A_404 = arith.constant 0 : i32
    %dma_wait3A_405 = tpu.memref_slice %arg3[%dma_wait3A_401, %dma_wait3A_404] : memref<32x1000000xf32, #tpu.memory_space<hbm>> -> memref<1x1000000xf32, #tpu.memory_space<hbm>>
    %dma_wait3A_406 = tpu.memref_squeeze %dma_wait3A_405 : memref<1x1000000xf32, #tpu.memory_space<hbm>> -> memref<1000000xf32, #tpu.memory_space<hbm>>
    %dma_wait3A_407 = arith.constant 0 : i32
    %dma_wait3A_408 = tpu.memref_slice %dma_wait3A_406[%dma_wait3A_407] : memref<1000000xf32, #tpu.memory_space<hbm>> -> memref<1000000xf32, #tpu.memory_space<hbm>>
    tpu.wait_indirect_dma semaphore(%arg10 : memref<!tpu.dma_semaphore, #tpu.memory_space<semaphore_mem>>) src(%dma_wait3A_408 : memref<1000000xf32, #tpu.memory_space<hbm>>) dst(%dma_wait3A_403 : memref<512xf32, #tpu.memory_space<vmem>>)
    %add3A_409 = arith.constant 229376 : i32
    %add3A_410 = arith.addi %add3A_409, %mul3A_2 : i32
    "tpu.region"() ({
      %run_scoped3A = tpu.sem_alloc : memref<!tpu.dma_semaphore, #tpu.memory_space<semaphore_mem>>
      %dma_start3A_581 = arith.constant 7168 : i32
      %dma_start3A_582 = tpu.memref_slice %arg8[%dma_start3A_581] : memref<16384xf32, #tpu.memory_space<vmem>> -> memref<512xf32, #tpu.memory_space<vmem>>
      %dma_start3A_583 = tpu.memref_slice %arg6[%add3A_410] : memref<524288xf32, #tpu.memory_space<hbm>> -> memref<512xf32, #tpu.memory_space<hbm>>
      %dma_start3A_584 = tpu.memref_slice %arg6[%add3A_410] : memref<524288xf32, #tpu.memory_space<hbm>> -> memref<512xf32, #tpu.memory_space<hbm>>
      %dma_start3A_585 = arith.constant 7168 : i32
      %dma_start3A_586 = tpu.memref_slice %arg8[%dma_start3A_585] : memref<16384xf32, #tpu.memory_space<vmem>> -> memref<512xf32, #tpu.memory_space<vmem>>
      tpu.enqueue_dma source(%dma_start3A_586 : memref<512xf32, #tpu.memory_space<vmem>>) target(%dma_start3A_584 : memref<512xf32, #tpu.memory_space<hbm>>) target_semaphore(%run_scoped3A : memref<!tpu.dma_semaphore, #tpu.memory_space<semaphore_mem>>)
      %dma_wait3A_587 = arith.constant 7168 : i32
      %dma_wait3A_588 = tpu.memref_slice %arg8[%dma_wait3A_587] : memref<16384xf32, #tpu.memory_space<vmem>> -> memref<512xf32, #tpu.memory_space<vmem>>
      %dma_wait3A_589 = tpu.memref_slice %arg6[%add3A_410] : memref<524288xf32, #tpu.memory_space<hbm>> -> memref<512xf32, #tpu.memory_space<hbm>>
      %dma_wait3A_590 = tpu.memref_slice %arg6[%add3A_410] : memref<524288xf32, #tpu.memory_space<hbm>> -> memref<512xf32, #tpu.memory_space<hbm>>
      %dma_wait3A_591 = arith.constant 7168 : i32
      %dma_wait3A_592 = tpu.memref_slice %arg8[%dma_wait3A_591] : memref<16384xf32, #tpu.memory_space<vmem>> -> memref<512xf32, #tpu.memory_space<vmem>>
      tpu.wait_dma2 semaphore(%run_scoped3A : memref<!tpu.dma_semaphore, #tpu.memory_space<semaphore_mem>>) src(%dma_wait3A_592 : memref<512xf32, #tpu.memory_space<vmem>>) dst(%dma_wait3A_590 : memref<512xf32, #tpu.memory_space<hbm>>)
      tpu.yield
    }) : () -> ()
    %dma_wait3A_411 = arith.constant 15 : i32
    %dma_wait3A_412 = arith.constant 7680 : i32
    %dma_wait3A_413 = tpu.memref_slice %arg8[%dma_wait3A_412] : memref<16384xf32, #tpu.memory_space<vmem>> -> memref<512xf32, #tpu.memory_space<vmem>>
    %dma_wait3A_414 = arith.constant 0 : i32
    %dma_wait3A_415 = tpu.memref_slice %arg3[%dma_wait3A_411, %dma_wait3A_414] : memref<32x1000000xf32, #tpu.memory_space<hbm>> -> memref<1x1000000xf32, #tpu.memory_space<hbm>>
    %dma_wait3A_416 = tpu.memref_squeeze %dma_wait3A_415 : memref<1x1000000xf32, #tpu.memory_space<hbm>> -> memref<1000000xf32, #tpu.memory_space<hbm>>
    %dma_wait3A_417 = arith.constant 0 : i32
    %dma_wait3A_418 = tpu.memref_slice %dma_wait3A_416[%dma_wait3A_417] : memref<1000000xf32, #tpu.memory_space<hbm>> -> memref<1000000xf32, #tpu.memory_space<hbm>>
    tpu.wait_indirect_dma semaphore(%arg10 : memref<!tpu.dma_semaphore, #tpu.memory_space<semaphore_mem>>) src(%dma_wait3A_418 : memref<1000000xf32, #tpu.memory_space<hbm>>) dst(%dma_wait3A_413 : memref<512xf32, #tpu.memory_space<vmem>>)
    %add3A_419 = arith.constant 245760 : i32
    %add3A_420 = arith.addi %add3A_419, %mul3A_2 : i32
    "tpu.region"() ({
      %run_scoped3A = tpu.sem_alloc : memref<!tpu.dma_semaphore, #tpu.memory_space<semaphore_mem>>
      %dma_start3A_581 = arith.constant 7680 : i32
      %dma_start3A_582 = tpu.memref_slice %arg8[%dma_start3A_581] : memref<16384xf32, #tpu.memory_space<vmem>> -> memref<512xf32, #tpu.memory_space<vmem>>
      %dma_start3A_583 = tpu.memref_slice %arg6[%add3A_420] : memref<524288xf32, #tpu.memory_space<hbm>> -> memref<512xf32, #tpu.memory_space<hbm>>
      %dma_start3A_584 = tpu.memref_slice %arg6[%add3A_420] : memref<524288xf32, #tpu.memory_space<hbm>> -> memref<512xf32, #tpu.memory_space<hbm>>
      %dma_start3A_585 = arith.constant 7680 : i32
      %dma_start3A_586 = tpu.memref_slice %arg8[%dma_start3A_585] : memref<16384xf32, #tpu.memory_space<vmem>> -> memref<512xf32, #tpu.memory_space<vmem>>
      tpu.enqueue_dma source(%dma_start3A_586 : memref<512xf32, #tpu.memory_space<vmem>>) target(%dma_start3A_584 : memref<512xf32, #tpu.memory_space<hbm>>) target_semaphore(%run_scoped3A : memref<!tpu.dma_semaphore, #tpu.memory_space<semaphore_mem>>)
      %dma_wait3A_587 = arith.constant 7680 : i32
      %dma_wait3A_588 = tpu.memref_slice %arg8[%dma_wait3A_587] : memref<16384xf32, #tpu.memory_space<vmem>> -> memref<512xf32, #tpu.memory_space<vmem>>
      %dma_wait3A_589 = tpu.memref_slice %arg6[%add3A_420] : memref<524288xf32, #tpu.memory_space<hbm>> -> memref<512xf32, #tpu.memory_space<hbm>>
      %dma_wait3A_590 = tpu.memref_slice %arg6[%add3A_420] : memref<524288xf32, #tpu.memory_space<hbm>> -> memref<512xf32, #tpu.memory_space<hbm>>
      %dma_wait3A_591 = arith.constant 7680 : i32
      %dma_wait3A_592 = tpu.memref_slice %arg8[%dma_wait3A_591] : memref<16384xf32, #tpu.memory_space<vmem>> -> memref<512xf32, #tpu.memory_space<vmem>>
      tpu.wait_dma2 semaphore(%run_scoped3A : memref<!tpu.dma_semaphore, #tpu.memory_space<semaphore_mem>>) src(%dma_wait3A_592 : memref<512xf32, #tpu.memory_space<vmem>>) dst(%dma_wait3A_590 : memref<512xf32, #tpu.memory_space<hbm>>)
      tpu.yield
    }) : () -> ()
    %dma_wait3A_421 = arith.constant 16 : i32
    %dma_wait3A_422 = arith.constant 8192 : i32
    %dma_wait3A_423 = tpu.memref_slice %arg8[%dma_wait3A_422] : memref<16384xf32, #tpu.memory_space<vmem>> -> memref<512xf32, #tpu.memory_space<vmem>>
    %dma_wait3A_424 = arith.constant 0 : i32
    %dma_wait3A_425 = tpu.memref_slice %arg3[%dma_wait3A_421, %dma_wait3A_424] : memref<32x1000000xf32, #tpu.memory_space<hbm>> -> memref<1x1000000xf32, #tpu.memory_space<hbm>>
    %dma_wait3A_426 = tpu.memref_squeeze %dma_wait3A_425 : memref<1x1000000xf32, #tpu.memory_space<hbm>> -> memref<1000000xf32, #tpu.memory_space<hbm>>
    %dma_wait3A_427 = arith.constant 0 : i32
    %dma_wait3A_428 = tpu.memref_slice %dma_wait3A_426[%dma_wait3A_427] : memref<1000000xf32, #tpu.memory_space<hbm>> -> memref<1000000xf32, #tpu.memory_space<hbm>>
    tpu.wait_indirect_dma semaphore(%arg10 : memref<!tpu.dma_semaphore, #tpu.memory_space<semaphore_mem>>) src(%dma_wait3A_428 : memref<1000000xf32, #tpu.memory_space<hbm>>) dst(%dma_wait3A_423 : memref<512xf32, #tpu.memory_space<vmem>>)
    %add3A_429 = arith.constant 262144 : i32
    %add3A_430 = arith.addi %add3A_429, %mul3A_2 : i32
    "tpu.region"() ({
      %run_scoped3A = tpu.sem_alloc : memref<!tpu.dma_semaphore, #tpu.memory_space<semaphore_mem>>
      %dma_start3A_581 = arith.constant 8192 : i32
      %dma_start3A_582 = tpu.memref_slice %arg8[%dma_start3A_581] : memref<16384xf32, #tpu.memory_space<vmem>> -> memref<512xf32, #tpu.memory_space<vmem>>
      %dma_start3A_583 = tpu.memref_slice %arg6[%add3A_430] : memref<524288xf32, #tpu.memory_space<hbm>> -> memref<512xf32, #tpu.memory_space<hbm>>
      %dma_start3A_584 = tpu.memref_slice %arg6[%add3A_430] : memref<524288xf32, #tpu.memory_space<hbm>> -> memref<512xf32, #tpu.memory_space<hbm>>
      %dma_start3A_585 = arith.constant 8192 : i32
      %dma_start3A_586 = tpu.memref_slice %arg8[%dma_start3A_585] : memref<16384xf32, #tpu.memory_space<vmem>> -> memref<512xf32, #tpu.memory_space<vmem>>
      tpu.enqueue_dma source(%dma_start3A_586 : memref<512xf32, #tpu.memory_space<vmem>>) target(%dma_start3A_584 : memref<512xf32, #tpu.memory_space<hbm>>) target_semaphore(%run_scoped3A : memref<!tpu.dma_semaphore, #tpu.memory_space<semaphore_mem>>)
      %dma_wait3A_587 = arith.constant 8192 : i32
      %dma_wait3A_588 = tpu.memref_slice %arg8[%dma_wait3A_587] : memref<16384xf32, #tpu.memory_space<vmem>> -> memref<512xf32, #tpu.memory_space<vmem>>
      %dma_wait3A_589 = tpu.memref_slice %arg6[%add3A_430] : memref<524288xf32, #tpu.memory_space<hbm>> -> memref<512xf32, #tpu.memory_space<hbm>>
      %dma_wait3A_590 = tpu.memref_slice %arg6[%add3A_430] : memref<524288xf32, #tpu.memory_space<hbm>> -> memref<512xf32, #tpu.memory_space<hbm>>
      %dma_wait3A_591 = arith.constant 8192 : i32
      %dma_wait3A_592 = tpu.memref_slice %arg8[%dma_wait3A_591] : memref<16384xf32, #tpu.memory_space<vmem>> -> memref<512xf32, #tpu.memory_space<vmem>>
      tpu.wait_dma2 semaphore(%run_scoped3A : memref<!tpu.dma_semaphore, #tpu.memory_space<semaphore_mem>>) src(%dma_wait3A_592 : memref<512xf32, #tpu.memory_space<vmem>>) dst(%dma_wait3A_590 : memref<512xf32, #tpu.memory_space<hbm>>)
      tpu.yield
    }) : () -> ()
    %dma_wait3A_431 = arith.constant 17 : i32
    %dma_wait3A_432 = arith.constant 8704 : i32
    %dma_wait3A_433 = tpu.memref_slice %arg8[%dma_wait3A_432] : memref<16384xf32, #tpu.memory_space<vmem>> -> memref<512xf32, #tpu.memory_space<vmem>>
    %dma_wait3A_434 = arith.constant 0 : i32
    %dma_wait3A_435 = tpu.memref_slice %arg3[%dma_wait3A_431, %dma_wait3A_434] : memref<32x1000000xf32, #tpu.memory_space<hbm>> -> memref<1x1000000xf32, #tpu.memory_space<hbm>>
    %dma_wait3A_436 = tpu.memref_squeeze %dma_wait3A_435 : memref<1x1000000xf32, #tpu.memory_space<hbm>> -> memref<1000000xf32, #tpu.memory_space<hbm>>
    %dma_wait3A_437 = arith.constant 0 : i32
    %dma_wait3A_438 = tpu.memref_slice %dma_wait3A_436[%dma_wait3A_437] : memref<1000000xf32, #tpu.memory_space<hbm>> -> memref<1000000xf32, #tpu.memory_space<hbm>>
    tpu.wait_indirect_dma semaphore(%arg10 : memref<!tpu.dma_semaphore, #tpu.memory_space<semaphore_mem>>) src(%dma_wait3A_438 : memref<1000000xf32, #tpu.memory_space<hbm>>) dst(%dma_wait3A_433 : memref<512xf32, #tpu.memory_space<vmem>>)
    %add3A_439 = arith.constant 278528 : i32
    %add3A_440 = arith.addi %add3A_439, %mul3A_2 : i32
    "tpu.region"() ({
      %run_scoped3A = tpu.sem_alloc : memref<!tpu.dma_semaphore, #tpu.memory_space<semaphore_mem>>
      %dma_start3A_581 = arith.constant 8704 : i32
      %dma_start3A_582 = tpu.memref_slice %arg8[%dma_start3A_581] : memref<16384xf32, #tpu.memory_space<vmem>> -> memref<512xf32, #tpu.memory_space<vmem>>
      %dma_start3A_583 = tpu.memref_slice %arg6[%add3A_440] : memref<524288xf32, #tpu.memory_space<hbm>> -> memref<512xf32, #tpu.memory_space<hbm>>
      %dma_start3A_584 = tpu.memref_slice %arg6[%add3A_440] : memref<524288xf32, #tpu.memory_space<hbm>> -> memref<512xf32, #tpu.memory_space<hbm>>
      %dma_start3A_585 = arith.constant 8704 : i32
      %dma_start3A_586 = tpu.memref_slice %arg8[%dma_start3A_585] : memref<16384xf32, #tpu.memory_space<vmem>> -> memref<512xf32, #tpu.memory_space<vmem>>
      tpu.enqueue_dma source(%dma_start3A_586 : memref<512xf32, #tpu.memory_space<vmem>>) target(%dma_start3A_584 : memref<512xf32, #tpu.memory_space<hbm>>) target_semaphore(%run_scoped3A : memref<!tpu.dma_semaphore, #tpu.memory_space<semaphore_mem>>)
      %dma_wait3A_587 = arith.constant 8704 : i32
      %dma_wait3A_588 = tpu.memref_slice %arg8[%dma_wait3A_587] : memref<16384xf32, #tpu.memory_space<vmem>> -> memref<512xf32, #tpu.memory_space<vmem>>
      %dma_wait3A_589 = tpu.memref_slice %arg6[%add3A_440] : memref<524288xf32, #tpu.memory_space<hbm>> -> memref<512xf32, #tpu.memory_space<hbm>>
      %dma_wait3A_590 = tpu.memref_slice %arg6[%add3A_440] : memref<524288xf32, #tpu.memory_space<hbm>> -> memref<512xf32, #tpu.memory_space<hbm>>
      %dma_wait3A_591 = arith.constant 8704 : i32
      %dma_wait3A_592 = tpu.memref_slice %arg8[%dma_wait3A_591] : memref<16384xf32, #tpu.memory_space<vmem>> -> memref<512xf32, #tpu.memory_space<vmem>>
      tpu.wait_dma2 semaphore(%run_scoped3A : memref<!tpu.dma_semaphore, #tpu.memory_space<semaphore_mem>>) src(%dma_wait3A_592 : memref<512xf32, #tpu.memory_space<vmem>>) dst(%dma_wait3A_590 : memref<512xf32, #tpu.memory_space<hbm>>)
      tpu.yield
    }) : () -> ()
    %dma_wait3A_441 = arith.constant 18 : i32
    %dma_wait3A_442 = arith.constant 9216 : i32
    %dma_wait3A_443 = tpu.memref_slice %arg8[%dma_wait3A_442] : memref<16384xf32, #tpu.memory_space<vmem>> -> memref<512xf32, #tpu.memory_space<vmem>>
    %dma_wait3A_444 = arith.constant 0 : i32
    %dma_wait3A_445 = tpu.memref_slice %arg3[%dma_wait3A_441, %dma_wait3A_444] : memref<32x1000000xf32, #tpu.memory_space<hbm>> -> memref<1x1000000xf32, #tpu.memory_space<hbm>>
    %dma_wait3A_446 = tpu.memref_squeeze %dma_wait3A_445 : memref<1x1000000xf32, #tpu.memory_space<hbm>> -> memref<1000000xf32, #tpu.memory_space<hbm>>
    %dma_wait3A_447 = arith.constant 0 : i32
    %dma_wait3A_448 = tpu.memref_slice %dma_wait3A_446[%dma_wait3A_447] : memref<1000000xf32, #tpu.memory_space<hbm>> -> memref<1000000xf32, #tpu.memory_space<hbm>>
    tpu.wait_indirect_dma semaphore(%arg10 : memref<!tpu.dma_semaphore, #tpu.memory_space<semaphore_mem>>) src(%dma_wait3A_448 : memref<1000000xf32, #tpu.memory_space<hbm>>) dst(%dma_wait3A_443 : memref<512xf32, #tpu.memory_space<vmem>>)
    %add3A_449 = arith.constant 294912 : i32
    %add3A_450 = arith.addi %add3A_449, %mul3A_2 : i32
    "tpu.region"() ({
      %run_scoped3A = tpu.sem_alloc : memref<!tpu.dma_semaphore, #tpu.memory_space<semaphore_mem>>
      %dma_start3A_581 = arith.constant 9216 : i32
      %dma_start3A_582 = tpu.memref_slice %arg8[%dma_start3A_581] : memref<16384xf32, #tpu.memory_space<vmem>> -> memref<512xf32, #tpu.memory_space<vmem>>
      %dma_start3A_583 = tpu.memref_slice %arg6[%add3A_450] : memref<524288xf32, #tpu.memory_space<hbm>> -> memref<512xf32, #tpu.memory_space<hbm>>
      %dma_start3A_584 = tpu.memref_slice %arg6[%add3A_450] : memref<524288xf32, #tpu.memory_space<hbm>> -> memref<512xf32, #tpu.memory_space<hbm>>
      %dma_start3A_585 = arith.constant 9216 : i32
      %dma_start3A_586 = tpu.memref_slice %arg8[%dma_start3A_585] : memref<16384xf32, #tpu.memory_space<vmem>> -> memref<512xf32, #tpu.memory_space<vmem>>
      tpu.enqueue_dma source(%dma_start3A_586 : memref<512xf32, #tpu.memory_space<vmem>>) target(%dma_start3A_584 : memref<512xf32, #tpu.memory_space<hbm>>) target_semaphore(%run_scoped3A : memref<!tpu.dma_semaphore, #tpu.memory_space<semaphore_mem>>)
      %dma_wait3A_587 = arith.constant 9216 : i32
      %dma_wait3A_588 = tpu.memref_slice %arg8[%dma_wait3A_587] : memref<16384xf32, #tpu.memory_space<vmem>> -> memref<512xf32, #tpu.memory_space<vmem>>
      %dma_wait3A_589 = tpu.memref_slice %arg6[%add3A_450] : memref<524288xf32, #tpu.memory_space<hbm>> -> memref<512xf32, #tpu.memory_space<hbm>>
      %dma_wait3A_590 = tpu.memref_slice %arg6[%add3A_450] : memref<524288xf32, #tpu.memory_space<hbm>> -> memref<512xf32, #tpu.memory_space<hbm>>
      %dma_wait3A_591 = arith.constant 9216 : i32
      %dma_wait3A_592 = tpu.memref_slice %arg8[%dma_wait3A_591] : memref<16384xf32, #tpu.memory_space<vmem>> -> memref<512xf32, #tpu.memory_space<vmem>>
      tpu.wait_dma2 semaphore(%run_scoped3A : memref<!tpu.dma_semaphore, #tpu.memory_space<semaphore_mem>>) src(%dma_wait3A_592 : memref<512xf32, #tpu.memory_space<vmem>>) dst(%dma_wait3A_590 : memref<512xf32, #tpu.memory_space<hbm>>)
      tpu.yield
    }) : () -> ()
    %dma_wait3A_451 = arith.constant 19 : i32
    %dma_wait3A_452 = arith.constant 9728 : i32
    %dma_wait3A_453 = tpu.memref_slice %arg8[%dma_wait3A_452] : memref<16384xf32, #tpu.memory_space<vmem>> -> memref<512xf32, #tpu.memory_space<vmem>>
    %dma_wait3A_454 = arith.constant 0 : i32
    %dma_wait3A_455 = tpu.memref_slice %arg3[%dma_wait3A_451, %dma_wait3A_454] : memref<32x1000000xf32, #tpu.memory_space<hbm>> -> memref<1x1000000xf32, #tpu.memory_space<hbm>>
    %dma_wait3A_456 = tpu.memref_squeeze %dma_wait3A_455 : memref<1x1000000xf32, #tpu.memory_space<hbm>> -> memref<1000000xf32, #tpu.memory_space<hbm>>
    %dma_wait3A_457 = arith.constant 0 : i32
    %dma_wait3A_458 = tpu.memref_slice %dma_wait3A_456[%dma_wait3A_457] : memref<1000000xf32, #tpu.memory_space<hbm>> -> memref<1000000xf32, #tpu.memory_space<hbm>>
    tpu.wait_indirect_dma semaphore(%arg10 : memref<!tpu.dma_semaphore, #tpu.memory_space<semaphore_mem>>) src(%dma_wait3A_458 : memref<1000000xf32, #tpu.memory_space<hbm>>) dst(%dma_wait3A_453 : memref<512xf32, #tpu.memory_space<vmem>>)
    %add3A_459 = arith.constant 311296 : i32
    %add3A_460 = arith.addi %add3A_459, %mul3A_2 : i32
    "tpu.region"() ({
      %run_scoped3A = tpu.sem_alloc : memref<!tpu.dma_semaphore, #tpu.memory_space<semaphore_mem>>
      %dma_start3A_581 = arith.constant 9728 : i32
      %dma_start3A_582 = tpu.memref_slice %arg8[%dma_start3A_581] : memref<16384xf32, #tpu.memory_space<vmem>> -> memref<512xf32, #tpu.memory_space<vmem>>
      %dma_start3A_583 = tpu.memref_slice %arg6[%add3A_460] : memref<524288xf32, #tpu.memory_space<hbm>> -> memref<512xf32, #tpu.memory_space<hbm>>
      %dma_start3A_584 = tpu.memref_slice %arg6[%add3A_460] : memref<524288xf32, #tpu.memory_space<hbm>> -> memref<512xf32, #tpu.memory_space<hbm>>
      %dma_start3A_585 = arith.constant 9728 : i32
      %dma_start3A_586 = tpu.memref_slice %arg8[%dma_start3A_585] : memref<16384xf32, #tpu.memory_space<vmem>> -> memref<512xf32, #tpu.memory_space<vmem>>
      tpu.enqueue_dma source(%dma_start3A_586 : memref<512xf32, #tpu.memory_space<vmem>>) target(%dma_start3A_584 : memref<512xf32, #tpu.memory_space<hbm>>) target_semaphore(%run_scoped3A : memref<!tpu.dma_semaphore, #tpu.memory_space<semaphore_mem>>)
      %dma_wait3A_587 = arith.constant 9728 : i32
      %dma_wait3A_588 = tpu.memref_slice %arg8[%dma_wait3A_587] : memref<16384xf32, #tpu.memory_space<vmem>> -> memref<512xf32, #tpu.memory_space<vmem>>
      %dma_wait3A_589 = tpu.memref_slice %arg6[%add3A_460] : memref<524288xf32, #tpu.memory_space<hbm>> -> memref<512xf32, #tpu.memory_space<hbm>>
      %dma_wait3A_590 = tpu.memref_slice %arg6[%add3A_460] : memref<524288xf32, #tpu.memory_space<hbm>> -> memref<512xf32, #tpu.memory_space<hbm>>
      %dma_wait3A_591 = arith.constant 9728 : i32
      %dma_wait3A_592 = tpu.memref_slice %arg8[%dma_wait3A_591] : memref<16384xf32, #tpu.memory_space<vmem>> -> memref<512xf32, #tpu.memory_space<vmem>>
      tpu.wait_dma2 semaphore(%run_scoped3A : memref<!tpu.dma_semaphore, #tpu.memory_space<semaphore_mem>>) src(%dma_wait3A_592 : memref<512xf32, #tpu.memory_space<vmem>>) dst(%dma_wait3A_590 : memref<512xf32, #tpu.memory_space<hbm>>)
      tpu.yield
    }) : () -> ()
    %dma_wait3A_461 = arith.constant 20 : i32
    %dma_wait3A_462 = arith.constant 10240 : i32
    %dma_wait3A_463 = tpu.memref_slice %arg8[%dma_wait3A_462] : memref<16384xf32, #tpu.memory_space<vmem>> -> memref<512xf32, #tpu.memory_space<vmem>>
    %dma_wait3A_464 = arith.constant 0 : i32
    %dma_wait3A_465 = tpu.memref_slice %arg3[%dma_wait3A_461, %dma_wait3A_464] : memref<32x1000000xf32, #tpu.memory_space<hbm>> -> memref<1x1000000xf32, #tpu.memory_space<hbm>>
    %dma_wait3A_466 = tpu.memref_squeeze %dma_wait3A_465 : memref<1x1000000xf32, #tpu.memory_space<hbm>> -> memref<1000000xf32, #tpu.memory_space<hbm>>
    %dma_wait3A_467 = arith.constant 0 : i32
    %dma_wait3A_468 = tpu.memref_slice %dma_wait3A_466[%dma_wait3A_467] : memref<1000000xf32, #tpu.memory_space<hbm>> -> memref<1000000xf32, #tpu.memory_space<hbm>>
    tpu.wait_indirect_dma semaphore(%arg10 : memref<!tpu.dma_semaphore, #tpu.memory_space<semaphore_mem>>) src(%dma_wait3A_468 : memref<1000000xf32, #tpu.memory_space<hbm>>) dst(%dma_wait3A_463 : memref<512xf32, #tpu.memory_space<vmem>>)
    %add3A_469 = arith.constant 327680 : i32
    %add3A_470 = arith.addi %add3A_469, %mul3A_2 : i32
    "tpu.region"() ({
      %run_scoped3A = tpu.sem_alloc : memref<!tpu.dma_semaphore, #tpu.memory_space<semaphore_mem>>
      %dma_start3A_581 = arith.constant 10240 : i32
      %dma_start3A_582 = tpu.memref_slice %arg8[%dma_start3A_581] : memref<16384xf32, #tpu.memory_space<vmem>> -> memref<512xf32, #tpu.memory_space<vmem>>
      %dma_start3A_583 = tpu.memref_slice %arg6[%add3A_470] : memref<524288xf32, #tpu.memory_space<hbm>> -> memref<512xf32, #tpu.memory_space<hbm>>
      %dma_start3A_584 = tpu.memref_slice %arg6[%add3A_470] : memref<524288xf32, #tpu.memory_space<hbm>> -> memref<512xf32, #tpu.memory_space<hbm>>
      %dma_start3A_585 = arith.constant 10240 : i32
      %dma_start3A_586 = tpu.memref_slice %arg8[%dma_start3A_585] : memref<16384xf32, #tpu.memory_space<vmem>> -> memref<512xf32, #tpu.memory_space<vmem>>
      tpu.enqueue_dma source(%dma_start3A_586 : memref<512xf32, #tpu.memory_space<vmem>>) target(%dma_start3A_584 : memref<512xf32, #tpu.memory_space<hbm>>) target_semaphore(%run_scoped3A : memref<!tpu.dma_semaphore, #tpu.memory_space<semaphore_mem>>)
      %dma_wait3A_587 = arith.constant 10240 : i32
      %dma_wait3A_588 = tpu.memref_slice %arg8[%dma_wait3A_587] : memref<16384xf32, #tpu.memory_space<vmem>> -> memref<512xf32, #tpu.memory_space<vmem>>
      %dma_wait3A_589 = tpu.memref_slice %arg6[%add3A_470] : memref<524288xf32, #tpu.memory_space<hbm>> -> memref<512xf32, #tpu.memory_space<hbm>>
      %dma_wait3A_590 = tpu.memref_slice %arg6[%add3A_470] : memref<524288xf32, #tpu.memory_space<hbm>> -> memref<512xf32, #tpu.memory_space<hbm>>
      %dma_wait3A_591 = arith.constant 10240 : i32
      %dma_wait3A_592 = tpu.memref_slice %arg8[%dma_wait3A_591] : memref<16384xf32, #tpu.memory_space<vmem>> -> memref<512xf32, #tpu.memory_space<vmem>>
      tpu.wait_dma2 semaphore(%run_scoped3A : memref<!tpu.dma_semaphore, #tpu.memory_space<semaphore_mem>>) src(%dma_wait3A_592 : memref<512xf32, #tpu.memory_space<vmem>>) dst(%dma_wait3A_590 : memref<512xf32, #tpu.memory_space<hbm>>)
      tpu.yield
    }) : () -> ()
    %dma_wait3A_471 = arith.constant 21 : i32
    %dma_wait3A_472 = arith.constant 10752 : i32
    %dma_wait3A_473 = tpu.memref_slice %arg8[%dma_wait3A_472] : memref<16384xf32, #tpu.memory_space<vmem>> -> memref<512xf32, #tpu.memory_space<vmem>>
    %dma_wait3A_474 = arith.constant 0 : i32
    %dma_wait3A_475 = tpu.memref_slice %arg3[%dma_wait3A_471, %dma_wait3A_474] : memref<32x1000000xf32, #tpu.memory_space<hbm>> -> memref<1x1000000xf32, #tpu.memory_space<hbm>>
    %dma_wait3A_476 = tpu.memref_squeeze %dma_wait3A_475 : memref<1x1000000xf32, #tpu.memory_space<hbm>> -> memref<1000000xf32, #tpu.memory_space<hbm>>
    %dma_wait3A_477 = arith.constant 0 : i32
    %dma_wait3A_478 = tpu.memref_slice %dma_wait3A_476[%dma_wait3A_477] : memref<1000000xf32, #tpu.memory_space<hbm>> -> memref<1000000xf32, #tpu.memory_space<hbm>>
    tpu.wait_indirect_dma semaphore(%arg10 : memref<!tpu.dma_semaphore, #tpu.memory_space<semaphore_mem>>) src(%dma_wait3A_478 : memref<1000000xf32, #tpu.memory_space<hbm>>) dst(%dma_wait3A_473 : memref<512xf32, #tpu.memory_space<vmem>>)
    %add3A_479 = arith.constant 344064 : i32
    %add3A_480 = arith.addi %add3A_479, %mul3A_2 : i32
    "tpu.region"() ({
      %run_scoped3A = tpu.sem_alloc : memref<!tpu.dma_semaphore, #tpu.memory_space<semaphore_mem>>
      %dma_start3A_581 = arith.constant 10752 : i32
      %dma_start3A_582 = tpu.memref_slice %arg8[%dma_start3A_581] : memref<16384xf32, #tpu.memory_space<vmem>> -> memref<512xf32, #tpu.memory_space<vmem>>
      %dma_start3A_583 = tpu.memref_slice %arg6[%add3A_480] : memref<524288xf32, #tpu.memory_space<hbm>> -> memref<512xf32, #tpu.memory_space<hbm>>
      %dma_start3A_584 = tpu.memref_slice %arg6[%add3A_480] : memref<524288xf32, #tpu.memory_space<hbm>> -> memref<512xf32, #tpu.memory_space<hbm>>
      %dma_start3A_585 = arith.constant 10752 : i32
      %dma_start3A_586 = tpu.memref_slice %arg8[%dma_start3A_585] : memref<16384xf32, #tpu.memory_space<vmem>> -> memref<512xf32, #tpu.memory_space<vmem>>
      tpu.enqueue_dma source(%dma_start3A_586 : memref<512xf32, #tpu.memory_space<vmem>>) target(%dma_start3A_584 : memref<512xf32, #tpu.memory_space<hbm>>) target_semaphore(%run_scoped3A : memref<!tpu.dma_semaphore, #tpu.memory_space<semaphore_mem>>)
      %dma_wait3A_587 = arith.constant 10752 : i32
      %dma_wait3A_588 = tpu.memref_slice %arg8[%dma_wait3A_587] : memref<16384xf32, #tpu.memory_space<vmem>> -> memref<512xf32, #tpu.memory_space<vmem>>
      %dma_wait3A_589 = tpu.memref_slice %arg6[%add3A_480] : memref<524288xf32, #tpu.memory_space<hbm>> -> memref<512xf32, #tpu.memory_space<hbm>>
      %dma_wait3A_590 = tpu.memref_slice %arg6[%add3A_480] : memref<524288xf32, #tpu.memory_space<hbm>> -> memref<512xf32, #tpu.memory_space<hbm>>
      %dma_wait3A_591 = arith.constant 10752 : i32
      %dma_wait3A_592 = tpu.memref_slice %arg8[%dma_wait3A_591] : memref<16384xf32, #tpu.memory_space<vmem>> -> memref<512xf32, #tpu.memory_space<vmem>>
      tpu.wait_dma2 semaphore(%run_scoped3A : memref<!tpu.dma_semaphore, #tpu.memory_space<semaphore_mem>>) src(%dma_wait3A_592 : memref<512xf32, #tpu.memory_space<vmem>>) dst(%dma_wait3A_590 : memref<512xf32, #tpu.memory_space<hbm>>)
      tpu.yield
    }) : () -> ()
    %dma_wait3A_481 = arith.constant 22 : i32
    %dma_wait3A_482 = arith.constant 11264 : i32
    %dma_wait3A_483 = tpu.memref_slice %arg8[%dma_wait3A_482] : memref<16384xf32, #tpu.memory_space<vmem>> -> memref<512xf32, #tpu.memory_space<vmem>>
    %dma_wait3A_484 = arith.constant 0 : i32
    %dma_wait3A_485 = tpu.memref_slice %arg3[%dma_wait3A_481, %dma_wait3A_484] : memref<32x1000000xf32, #tpu.memory_space<hbm>> -> memref<1x1000000xf32, #tpu.memory_space<hbm>>
    %dma_wait3A_486 = tpu.memref_squeeze %dma_wait3A_485 : memref<1x1000000xf32, #tpu.memory_space<hbm>> -> memref<1000000xf32, #tpu.memory_space<hbm>>
    %dma_wait3A_487 = arith.constant 0 : i32
    %dma_wait3A_488 = tpu.memref_slice %dma_wait3A_486[%dma_wait3A_487] : memref<1000000xf32, #tpu.memory_space<hbm>> -> memref<1000000xf32, #tpu.memory_space<hbm>>
    tpu.wait_indirect_dma semaphore(%arg10 : memref<!tpu.dma_semaphore, #tpu.memory_space<semaphore_mem>>) src(%dma_wait3A_488 : memref<1000000xf32, #tpu.memory_space<hbm>>) dst(%dma_wait3A_483 : memref<512xf32, #tpu.memory_space<vmem>>)
    %add3A_489 = arith.constant 360448 : i32
    %add3A_490 = arith.addi %add3A_489, %mul3A_2 : i32
    "tpu.region"() ({
      %run_scoped3A = tpu.sem_alloc : memref<!tpu.dma_semaphore, #tpu.memory_space<semaphore_mem>>
      %dma_start3A_581 = arith.constant 11264 : i32
      %dma_start3A_582 = tpu.memref_slice %arg8[%dma_start3A_581] : memref<16384xf32, #tpu.memory_space<vmem>> -> memref<512xf32, #tpu.memory_space<vmem>>
      %dma_start3A_583 = tpu.memref_slice %arg6[%add3A_490] : memref<524288xf32, #tpu.memory_space<hbm>> -> memref<512xf32, #tpu.memory_space<hbm>>
      %dma_start3A_584 = tpu.memref_slice %arg6[%add3A_490] : memref<524288xf32, #tpu.memory_space<hbm>> -> memref<512xf32, #tpu.memory_space<hbm>>
      %dma_start3A_585 = arith.constant 11264 : i32
      %dma_start3A_586 = tpu.memref_slice %arg8[%dma_start3A_585] : memref<16384xf32, #tpu.memory_space<vmem>> -> memref<512xf32, #tpu.memory_space<vmem>>
      tpu.enqueue_dma source(%dma_start3A_586 : memref<512xf32, #tpu.memory_space<vmem>>) target(%dma_start3A_584 : memref<512xf32, #tpu.memory_space<hbm>>) target_semaphore(%run_scoped3A : memref<!tpu.dma_semaphore, #tpu.memory_space<semaphore_mem>>)
      %dma_wait3A_587 = arith.constant 11264 : i32
      %dma_wait3A_588 = tpu.memref_slice %arg8[%dma_wait3A_587] : memref<16384xf32, #tpu.memory_space<vmem>> -> memref<512xf32, #tpu.memory_space<vmem>>
      %dma_wait3A_589 = tpu.memref_slice %arg6[%add3A_490] : memref<524288xf32, #tpu.memory_space<hbm>> -> memref<512xf32, #tpu.memory_space<hbm>>
      %dma_wait3A_590 = tpu.memref_slice %arg6[%add3A_490] : memref<524288xf32, #tpu.memory_space<hbm>> -> memref<512xf32, #tpu.memory_space<hbm>>
      %dma_wait3A_591 = arith.constant 11264 : i32
      %dma_wait3A_592 = tpu.memref_slice %arg8[%dma_wait3A_591] : memref<16384xf32, #tpu.memory_space<vmem>> -> memref<512xf32, #tpu.memory_space<vmem>>
      tpu.wait_dma2 semaphore(%run_scoped3A : memref<!tpu.dma_semaphore, #tpu.memory_space<semaphore_mem>>) src(%dma_wait3A_592 : memref<512xf32, #tpu.memory_space<vmem>>) dst(%dma_wait3A_590 : memref<512xf32, #tpu.memory_space<hbm>>)
      tpu.yield
    }) : () -> ()
    %dma_wait3A_491 = arith.constant 23 : i32
    %dma_wait3A_492 = arith.constant 11776 : i32
    %dma_wait3A_493 = tpu.memref_slice %arg8[%dma_wait3A_492] : memref<16384xf32, #tpu.memory_space<vmem>> -> memref<512xf32, #tpu.memory_space<vmem>>
    %dma_wait3A_494 = arith.constant 0 : i32
    %dma_wait3A_495 = tpu.memref_slice %arg3[%dma_wait3A_491, %dma_wait3A_494] : memref<32x1000000xf32, #tpu.memory_space<hbm>> -> memref<1x1000000xf32, #tpu.memory_space<hbm>>
    %dma_wait3A_496 = tpu.memref_squeeze %dma_wait3A_495 : memref<1x1000000xf32, #tpu.memory_space<hbm>> -> memref<1000000xf32, #tpu.memory_space<hbm>>
    %dma_wait3A_497 = arith.constant 0 : i32
    %dma_wait3A_498 = tpu.memref_slice %dma_wait3A_496[%dma_wait3A_497] : memref<1000000xf32, #tpu.memory_space<hbm>> -> memref<1000000xf32, #tpu.memory_space<hbm>>
    tpu.wait_indirect_dma semaphore(%arg10 : memref<!tpu.dma_semaphore, #tpu.memory_space<semaphore_mem>>) src(%dma_wait3A_498 : memref<1000000xf32, #tpu.memory_space<hbm>>) dst(%dma_wait3A_493 : memref<512xf32, #tpu.memory_space<vmem>>)
    %add3A_499 = arith.constant 376832 : i32
    %add3A_500 = arith.addi %add3A_499, %mul3A_2 : i32
    "tpu.region"() ({
      %run_scoped3A = tpu.sem_alloc : memref<!tpu.dma_semaphore, #tpu.memory_space<semaphore_mem>>
      %dma_start3A_581 = arith.constant 11776 : i32
      %dma_start3A_582 = tpu.memref_slice %arg8[%dma_start3A_581] : memref<16384xf32, #tpu.memory_space<vmem>> -> memref<512xf32, #tpu.memory_space<vmem>>
      %dma_start3A_583 = tpu.memref_slice %arg6[%add3A_500] : memref<524288xf32, #tpu.memory_space<hbm>> -> memref<512xf32, #tpu.memory_space<hbm>>
      %dma_start3A_584 = tpu.memref_slice %arg6[%add3A_500] : memref<524288xf32, #tpu.memory_space<hbm>> -> memref<512xf32, #tpu.memory_space<hbm>>
      %dma_start3A_585 = arith.constant 11776 : i32
      %dma_start3A_586 = tpu.memref_slice %arg8[%dma_start3A_585] : memref<16384xf32, #tpu.memory_space<vmem>> -> memref<512xf32, #tpu.memory_space<vmem>>
      tpu.enqueue_dma source(%dma_start3A_586 : memref<512xf32, #tpu.memory_space<vmem>>) target(%dma_start3A_584 : memref<512xf32, #tpu.memory_space<hbm>>) target_semaphore(%run_scoped3A : memref<!tpu.dma_semaphore, #tpu.memory_space<semaphore_mem>>)
      %dma_wait3A_587 = arith.constant 11776 : i32
      %dma_wait3A_588 = tpu.memref_slice %arg8[%dma_wait3A_587] : memref<16384xf32, #tpu.memory_space<vmem>> -> memref<512xf32, #tpu.memory_space<vmem>>
      %dma_wait3A_589 = tpu.memref_slice %arg6[%add3A_500] : memref<524288xf32, #tpu.memory_space<hbm>> -> memref<512xf32, #tpu.memory_space<hbm>>
      %dma_wait3A_590 = tpu.memref_slice %arg6[%add3A_500] : memref<524288xf32, #tpu.memory_space<hbm>> -> memref<512xf32, #tpu.memory_space<hbm>>
      %dma_wait3A_591 = arith.constant 11776 : i32
      %dma_wait3A_592 = tpu.memref_slice %arg8[%dma_wait3A_591] : memref<16384xf32, #tpu.memory_space<vmem>> -> memref<512xf32, #tpu.memory_space<vmem>>
      tpu.wait_dma2 semaphore(%run_scoped3A : memref<!tpu.dma_semaphore, #tpu.memory_space<semaphore_mem>>) src(%dma_wait3A_592 : memref<512xf32, #tpu.memory_space<vmem>>) dst(%dma_wait3A_590 : memref<512xf32, #tpu.memory_space<hbm>>)
      tpu.yield
    }) : () -> ()
    %dma_wait3A_501 = arith.constant 24 : i32
    %dma_wait3A_502 = arith.constant 12288 : i32
    %dma_wait3A_503 = tpu.memref_slice %arg8[%dma_wait3A_502] : memref<16384xf32, #tpu.memory_space<vmem>> -> memref<512xf32, #tpu.memory_space<vmem>>
    %dma_wait3A_504 = arith.constant 0 : i32
    %dma_wait3A_505 = tpu.memref_slice %arg3[%dma_wait3A_501, %dma_wait3A_504] : memref<32x1000000xf32, #tpu.memory_space<hbm>> -> memref<1x1000000xf32, #tpu.memory_space<hbm>>
    %dma_wait3A_506 = tpu.memref_squeeze %dma_wait3A_505 : memref<1x1000000xf32, #tpu.memory_space<hbm>> -> memref<1000000xf32, #tpu.memory_space<hbm>>
    %dma_wait3A_507 = arith.constant 0 : i32
    %dma_wait3A_508 = tpu.memref_slice %dma_wait3A_506[%dma_wait3A_507] : memref<1000000xf32, #tpu.memory_space<hbm>> -> memref<1000000xf32, #tpu.memory_space<hbm>>
    tpu.wait_indirect_dma semaphore(%arg10 : memref<!tpu.dma_semaphore, #tpu.memory_space<semaphore_mem>>) src(%dma_wait3A_508 : memref<1000000xf32, #tpu.memory_space<hbm>>) dst(%dma_wait3A_503 : memref<512xf32, #tpu.memory_space<vmem>>)
    %add3A_509 = arith.constant 393216 : i32
    %add3A_510 = arith.addi %add3A_509, %mul3A_2 : i32
    "tpu.region"() ({
      %run_scoped3A = tpu.sem_alloc : memref<!tpu.dma_semaphore, #tpu.memory_space<semaphore_mem>>
      %dma_start3A_581 = arith.constant 12288 : i32
      %dma_start3A_582 = tpu.memref_slice %arg8[%dma_start3A_581] : memref<16384xf32, #tpu.memory_space<vmem>> -> memref<512xf32, #tpu.memory_space<vmem>>
      %dma_start3A_583 = tpu.memref_slice %arg6[%add3A_510] : memref<524288xf32, #tpu.memory_space<hbm>> -> memref<512xf32, #tpu.memory_space<hbm>>
      %dma_start3A_584 = tpu.memref_slice %arg6[%add3A_510] : memref<524288xf32, #tpu.memory_space<hbm>> -> memref<512xf32, #tpu.memory_space<hbm>>
      %dma_start3A_585 = arith.constant 12288 : i32
      %dma_start3A_586 = tpu.memref_slice %arg8[%dma_start3A_585] : memref<16384xf32, #tpu.memory_space<vmem>> -> memref<512xf32, #tpu.memory_space<vmem>>
      tpu.enqueue_dma source(%dma_start3A_586 : memref<512xf32, #tpu.memory_space<vmem>>) target(%dma_start3A_584 : memref<512xf32, #tpu.memory_space<hbm>>) target_semaphore(%run_scoped3A : memref<!tpu.dma_semaphore, #tpu.memory_space<semaphore_mem>>)
      %dma_wait3A_587 = arith.constant 12288 : i32
      %dma_wait3A_588 = tpu.memref_slice %arg8[%dma_wait3A_587] : memref<16384xf32, #tpu.memory_space<vmem>> -> memref<512xf32, #tpu.memory_space<vmem>>
      %dma_wait3A_589 = tpu.memref_slice %arg6[%add3A_510] : memref<524288xf32, #tpu.memory_space<hbm>> -> memref<512xf32, #tpu.memory_space<hbm>>
      %dma_wait3A_590 = tpu.memref_slice %arg6[%add3A_510] : memref<524288xf32, #tpu.memory_space<hbm>> -> memref<512xf32, #tpu.memory_space<hbm>>
      %dma_wait3A_591 = arith.constant 12288 : i32
      %dma_wait3A_592 = tpu.memref_slice %arg8[%dma_wait3A_591] : memref<16384xf32, #tpu.memory_space<vmem>> -> memref<512xf32, #tpu.memory_space<vmem>>
      tpu.wait_dma2 semaphore(%run_scoped3A : memref<!tpu.dma_semaphore, #tpu.memory_space<semaphore_mem>>) src(%dma_wait3A_592 : memref<512xf32, #tpu.memory_space<vmem>>) dst(%dma_wait3A_590 : memref<512xf32, #tpu.memory_space<hbm>>)
      tpu.yield
    }) : () -> ()
    %dma_wait3A_511 = arith.constant 25 : i32
    %dma_wait3A_512 = arith.constant 12800 : i32
    %dma_wait3A_513 = tpu.memref_slice %arg8[%dma_wait3A_512] : memref<16384xf32, #tpu.memory_space<vmem>> -> memref<512xf32, #tpu.memory_space<vmem>>
    %dma_wait3A_514 = arith.constant 0 : i32
    %dma_wait3A_515 = tpu.memref_slice %arg3[%dma_wait3A_511, %dma_wait3A_514] : memref<32x1000000xf32, #tpu.memory_space<hbm>> -> memref<1x1000000xf32, #tpu.memory_space<hbm>>
    %dma_wait3A_516 = tpu.memref_squeeze %dma_wait3A_515 : memref<1x1000000xf32, #tpu.memory_space<hbm>> -> memref<1000000xf32, #tpu.memory_space<hbm>>
    %dma_wait3A_517 = arith.constant 0 : i32
    %dma_wait3A_518 = tpu.memref_slice %dma_wait3A_516[%dma_wait3A_517] : memref<1000000xf32, #tpu.memory_space<hbm>> -> memref<1000000xf32, #tpu.memory_space<hbm>>
    tpu.wait_indirect_dma semaphore(%arg10 : memref<!tpu.dma_semaphore, #tpu.memory_space<semaphore_mem>>) src(%dma_wait3A_518 : memref<1000000xf32, #tpu.memory_space<hbm>>) dst(%dma_wait3A_513 : memref<512xf32, #tpu.memory_space<vmem>>)
    %add3A_519 = arith.constant 409600 : i32
    %add3A_520 = arith.addi %add3A_519, %mul3A_2 : i32
    "tpu.region"() ({
      %run_scoped3A = tpu.sem_alloc : memref<!tpu.dma_semaphore, #tpu.memory_space<semaphore_mem>>
      %dma_start3A_581 = arith.constant 12800 : i32
      %dma_start3A_582 = tpu.memref_slice %arg8[%dma_start3A_581] : memref<16384xf32, #tpu.memory_space<vmem>> -> memref<512xf32, #tpu.memory_space<vmem>>
      %dma_start3A_583 = tpu.memref_slice %arg6[%add3A_520] : memref<524288xf32, #tpu.memory_space<hbm>> -> memref<512xf32, #tpu.memory_space<hbm>>
      %dma_start3A_584 = tpu.memref_slice %arg6[%add3A_520] : memref<524288xf32, #tpu.memory_space<hbm>> -> memref<512xf32, #tpu.memory_space<hbm>>
      %dma_start3A_585 = arith.constant 12800 : i32
      %dma_start3A_586 = tpu.memref_slice %arg8[%dma_start3A_585] : memref<16384xf32, #tpu.memory_space<vmem>> -> memref<512xf32, #tpu.memory_space<vmem>>
      tpu.enqueue_dma source(%dma_start3A_586 : memref<512xf32, #tpu.memory_space<vmem>>) target(%dma_start3A_584 : memref<512xf32, #tpu.memory_space<hbm>>) target_semaphore(%run_scoped3A : memref<!tpu.dma_semaphore, #tpu.memory_space<semaphore_mem>>)
      %dma_wait3A_587 = arith.constant 12800 : i32
      %dma_wait3A_588 = tpu.memref_slice %arg8[%dma_wait3A_587] : memref<16384xf32, #tpu.memory_space<vmem>> -> memref<512xf32, #tpu.memory_space<vmem>>
      %dma_wait3A_589 = tpu.memref_slice %arg6[%add3A_520] : memref<524288xf32, #tpu.memory_space<hbm>> -> memref<512xf32, #tpu.memory_space<hbm>>
      %dma_wait3A_590 = tpu.memref_slice %arg6[%add3A_520] : memref<524288xf32, #tpu.memory_space<hbm>> -> memref<512xf32, #tpu.memory_space<hbm>>
      %dma_wait3A_591 = arith.constant 12800 : i32
      %dma_wait3A_592 = tpu.memref_slice %arg8[%dma_wait3A_591] : memref<16384xf32, #tpu.memory_space<vmem>> -> memref<512xf32, #tpu.memory_space<vmem>>
      tpu.wait_dma2 semaphore(%run_scoped3A : memref<!tpu.dma_semaphore, #tpu.memory_space<semaphore_mem>>) src(%dma_wait3A_592 : memref<512xf32, #tpu.memory_space<vmem>>) dst(%dma_wait3A_590 : memref<512xf32, #tpu.memory_space<hbm>>)
      tpu.yield
    }) : () -> ()
    %dma_wait3A_521 = arith.constant 26 : i32
    %dma_wait3A_522 = arith.constant 13312 : i32
    %dma_wait3A_523 = tpu.memref_slice %arg8[%dma_wait3A_522] : memref<16384xf32, #tpu.memory_space<vmem>> -> memref<512xf32, #tpu.memory_space<vmem>>
    %dma_wait3A_524 = arith.constant 0 : i32
    %dma_wait3A_525 = tpu.memref_slice %arg3[%dma_wait3A_521, %dma_wait3A_524] : memref<32x1000000xf32, #tpu.memory_space<hbm>> -> memref<1x1000000xf32, #tpu.memory_space<hbm>>
    %dma_wait3A_526 = tpu.memref_squeeze %dma_wait3A_525 : memref<1x1000000xf32, #tpu.memory_space<hbm>> -> memref<1000000xf32, #tpu.memory_space<hbm>>
    %dma_wait3A_527 = arith.constant 0 : i32
    %dma_wait3A_528 = tpu.memref_slice %dma_wait3A_526[%dma_wait3A_527] : memref<1000000xf32, #tpu.memory_space<hbm>> -> memref<1000000xf32, #tpu.memory_space<hbm>>
    tpu.wait_indirect_dma semaphore(%arg10 : memref<!tpu.dma_semaphore, #tpu.memory_space<semaphore_mem>>) src(%dma_wait3A_528 : memref<1000000xf32, #tpu.memory_space<hbm>>) dst(%dma_wait3A_523 : memref<512xf32, #tpu.memory_space<vmem>>)
    %add3A_529 = arith.constant 425984 : i32
    %add3A_530 = arith.addi %add3A_529, %mul3A_2 : i32
    "tpu.region"() ({
      %run_scoped3A = tpu.sem_alloc : memref<!tpu.dma_semaphore, #tpu.memory_space<semaphore_mem>>
      %dma_start3A_581 = arith.constant 13312 : i32
      %dma_start3A_582 = tpu.memref_slice %arg8[%dma_start3A_581] : memref<16384xf32, #tpu.memory_space<vmem>> -> memref<512xf32, #tpu.memory_space<vmem>>
      %dma_start3A_583 = tpu.memref_slice %arg6[%add3A_530] : memref<524288xf32, #tpu.memory_space<hbm>> -> memref<512xf32, #tpu.memory_space<hbm>>
      %dma_start3A_584 = tpu.memref_slice %arg6[%add3A_530] : memref<524288xf32, #tpu.memory_space<hbm>> -> memref<512xf32, #tpu.memory_space<hbm>>
      %dma_start3A_585 = arith.constant 13312 : i32
      %dma_start3A_586 = tpu.memref_slice %arg8[%dma_start3A_585] : memref<16384xf32, #tpu.memory_space<vmem>> -> memref<512xf32, #tpu.memory_space<vmem>>
      tpu.enqueue_dma source(%dma_start3A_586 : memref<512xf32, #tpu.memory_space<vmem>>) target(%dma_start3A_584 : memref<512xf32, #tpu.memory_space<hbm>>) target_semaphore(%run_scoped3A : memref<!tpu.dma_semaphore, #tpu.memory_space<semaphore_mem>>)
      %dma_wait3A_587 = arith.constant 13312 : i32
      %dma_wait3A_588 = tpu.memref_slice %arg8[%dma_wait3A_587] : memref<16384xf32, #tpu.memory_space<vmem>> -> memref<512xf32, #tpu.memory_space<vmem>>
      %dma_wait3A_589 = tpu.memref_slice %arg6[%add3A_530] : memref<524288xf32, #tpu.memory_space<hbm>> -> memref<512xf32, #tpu.memory_space<hbm>>
      %dma_wait3A_590 = tpu.memref_slice %arg6[%add3A_530] : memref<524288xf32, #tpu.memory_space<hbm>> -> memref<512xf32, #tpu.memory_space<hbm>>
      %dma_wait3A_591 = arith.constant 13312 : i32
      %dma_wait3A_592 = tpu.memref_slice %arg8[%dma_wait3A_591] : memref<16384xf32, #tpu.memory_space<vmem>> -> memref<512xf32, #tpu.memory_space<vmem>>
      tpu.wait_dma2 semaphore(%run_scoped3A : memref<!tpu.dma_semaphore, #tpu.memory_space<semaphore_mem>>) src(%dma_wait3A_592 : memref<512xf32, #tpu.memory_space<vmem>>) dst(%dma_wait3A_590 : memref<512xf32, #tpu.memory_space<hbm>>)
      tpu.yield
    }) : () -> ()
    %dma_wait3A_531 = arith.constant 27 : i32
    %dma_wait3A_532 = arith.constant 13824 : i32
    %dma_wait3A_533 = tpu.memref_slice %arg8[%dma_wait3A_532] : memref<16384xf32, #tpu.memory_space<vmem>> -> memref<512xf32, #tpu.memory_space<vmem>>
    %dma_wait3A_534 = arith.constant 0 : i32
    %dma_wait3A_535 = tpu.memref_slice %arg3[%dma_wait3A_531, %dma_wait3A_534] : memref<32x1000000xf32, #tpu.memory_space<hbm>> -> memref<1x1000000xf32, #tpu.memory_space<hbm>>
    %dma_wait3A_536 = tpu.memref_squeeze %dma_wait3A_535 : memref<1x1000000xf32, #tpu.memory_space<hbm>> -> memref<1000000xf32, #tpu.memory_space<hbm>>
    %dma_wait3A_537 = arith.constant 0 : i32
    %dma_wait3A_538 = tpu.memref_slice %dma_wait3A_536[%dma_wait3A_537] : memref<1000000xf32, #tpu.memory_space<hbm>> -> memref<1000000xf32, #tpu.memory_space<hbm>>
    tpu.wait_indirect_dma semaphore(%arg10 : memref<!tpu.dma_semaphore, #tpu.memory_space<semaphore_mem>>) src(%dma_wait3A_538 : memref<1000000xf32, #tpu.memory_space<hbm>>) dst(%dma_wait3A_533 : memref<512xf32, #tpu.memory_space<vmem>>)
    %add3A_539 = arith.constant 442368 : i32
    %add3A_540 = arith.addi %add3A_539, %mul3A_2 : i32
    "tpu.region"() ({
      %run_scoped3A = tpu.sem_alloc : memref<!tpu.dma_semaphore, #tpu.memory_space<semaphore_mem>>
      %dma_start3A_581 = arith.constant 13824 : i32
      %dma_start3A_582 = tpu.memref_slice %arg8[%dma_start3A_581] : memref<16384xf32, #tpu.memory_space<vmem>> -> memref<512xf32, #tpu.memory_space<vmem>>
      %dma_start3A_583 = tpu.memref_slice %arg6[%add3A_540] : memref<524288xf32, #tpu.memory_space<hbm>> -> memref<512xf32, #tpu.memory_space<hbm>>
      %dma_start3A_584 = tpu.memref_slice %arg6[%add3A_540] : memref<524288xf32, #tpu.memory_space<hbm>> -> memref<512xf32, #tpu.memory_space<hbm>>
      %dma_start3A_585 = arith.constant 13824 : i32
      %dma_start3A_586 = tpu.memref_slice %arg8[%dma_start3A_585] : memref<16384xf32, #tpu.memory_space<vmem>> -> memref<512xf32, #tpu.memory_space<vmem>>
      tpu.enqueue_dma source(%dma_start3A_586 : memref<512xf32, #tpu.memory_space<vmem>>) target(%dma_start3A_584 : memref<512xf32, #tpu.memory_space<hbm>>) target_semaphore(%run_scoped3A : memref<!tpu.dma_semaphore, #tpu.memory_space<semaphore_mem>>)
      %dma_wait3A_587 = arith.constant 13824 : i32
      %dma_wait3A_588 = tpu.memref_slice %arg8[%dma_wait3A_587] : memref<16384xf32, #tpu.memory_space<vmem>> -> memref<512xf32, #tpu.memory_space<vmem>>
      %dma_wait3A_589 = tpu.memref_slice %arg6[%add3A_540] : memref<524288xf32, #tpu.memory_space<hbm>> -> memref<512xf32, #tpu.memory_space<hbm>>
      %dma_wait3A_590 = tpu.memref_slice %arg6[%add3A_540] : memref<524288xf32, #tpu.memory_space<hbm>> -> memref<512xf32, #tpu.memory_space<hbm>>
      %dma_wait3A_591 = arith.constant 13824 : i32
      %dma_wait3A_592 = tpu.memref_slice %arg8[%dma_wait3A_591] : memref<16384xf32, #tpu.memory_space<vmem>> -> memref<512xf32, #tpu.memory_space<vmem>>
      tpu.wait_dma2 semaphore(%run_scoped3A : memref<!tpu.dma_semaphore, #tpu.memory_space<semaphore_mem>>) src(%dma_wait3A_592 : memref<512xf32, #tpu.memory_space<vmem>>) dst(%dma_wait3A_590 : memref<512xf32, #tpu.memory_space<hbm>>)
      tpu.yield
    }) : () -> ()
    %dma_wait3A_541 = arith.constant 28 : i32
    %dma_wait3A_542 = arith.constant 14336 : i32
    %dma_wait3A_543 = tpu.memref_slice %arg8[%dma_wait3A_542] : memref<16384xf32, #tpu.memory_space<vmem>> -> memref<512xf32, #tpu.memory_space<vmem>>
    %dma_wait3A_544 = arith.constant 0 : i32
    %dma_wait3A_545 = tpu.memref_slice %arg3[%dma_wait3A_541, %dma_wait3A_544] : memref<32x1000000xf32, #tpu.memory_space<hbm>> -> memref<1x1000000xf32, #tpu.memory_space<hbm>>
    %dma_wait3A_546 = tpu.memref_squeeze %dma_wait3A_545 : memref<1x1000000xf32, #tpu.memory_space<hbm>> -> memref<1000000xf32, #tpu.memory_space<hbm>>
    %dma_wait3A_547 = arith.constant 0 : i32
    %dma_wait3A_548 = tpu.memref_slice %dma_wait3A_546[%dma_wait3A_547] : memref<1000000xf32, #tpu.memory_space<hbm>> -> memref<1000000xf32, #tpu.memory_space<hbm>>
    tpu.wait_indirect_dma semaphore(%arg10 : memref<!tpu.dma_semaphore, #tpu.memory_space<semaphore_mem>>) src(%dma_wait3A_548 : memref<1000000xf32, #tpu.memory_space<hbm>>) dst(%dma_wait3A_543 : memref<512xf32, #tpu.memory_space<vmem>>)
    %add3A_549 = arith.constant 458752 : i32
    %add3A_550 = arith.addi %add3A_549, %mul3A_2 : i32
    "tpu.region"() ({
      %run_scoped3A = tpu.sem_alloc : memref<!tpu.dma_semaphore, #tpu.memory_space<semaphore_mem>>
      %dma_start3A_581 = arith.constant 14336 : i32
      %dma_start3A_582 = tpu.memref_slice %arg8[%dma_start3A_581] : memref<16384xf32, #tpu.memory_space<vmem>> -> memref<512xf32, #tpu.memory_space<vmem>>
      %dma_start3A_583 = tpu.memref_slice %arg6[%add3A_550] : memref<524288xf32, #tpu.memory_space<hbm>> -> memref<512xf32, #tpu.memory_space<hbm>>
      %dma_start3A_584 = tpu.memref_slice %arg6[%add3A_550] : memref<524288xf32, #tpu.memory_space<hbm>> -> memref<512xf32, #tpu.memory_space<hbm>>
      %dma_start3A_585 = arith.constant 14336 : i32
      %dma_start3A_586 = tpu.memref_slice %arg8[%dma_start3A_585] : memref<16384xf32, #tpu.memory_space<vmem>> -> memref<512xf32, #tpu.memory_space<vmem>>
      tpu.enqueue_dma source(%dma_start3A_586 : memref<512xf32, #tpu.memory_space<vmem>>) target(%dma_start3A_584 : memref<512xf32, #tpu.memory_space<hbm>>) target_semaphore(%run_scoped3A : memref<!tpu.dma_semaphore, #tpu.memory_space<semaphore_mem>>)
      %dma_wait3A_587 = arith.constant 14336 : i32
      %dma_wait3A_588 = tpu.memref_slice %arg8[%dma_wait3A_587] : memref<16384xf32, #tpu.memory_space<vmem>> -> memref<512xf32, #tpu.memory_space<vmem>>
      %dma_wait3A_589 = tpu.memref_slice %arg6[%add3A_550] : memref<524288xf32, #tpu.memory_space<hbm>> -> memref<512xf32, #tpu.memory_space<hbm>>
      %dma_wait3A_590 = tpu.memref_slice %arg6[%add3A_550] : memref<524288xf32, #tpu.memory_space<hbm>> -> memref<512xf32, #tpu.memory_space<hbm>>
      %dma_wait3A_591 = arith.constant 14336 : i32
      %dma_wait3A_592 = tpu.memref_slice %arg8[%dma_wait3A_591] : memref<16384xf32, #tpu.memory_space<vmem>> -> memref<512xf32, #tpu.memory_space<vmem>>
      tpu.wait_dma2 semaphore(%run_scoped3A : memref<!tpu.dma_semaphore, #tpu.memory_space<semaphore_mem>>) src(%dma_wait3A_592 : memref<512xf32, #tpu.memory_space<vmem>>) dst(%dma_wait3A_590 : memref<512xf32, #tpu.memory_space<hbm>>)
      tpu.yield
    }) : () -> ()
    %dma_wait3A_551 = arith.constant 29 : i32
    %dma_wait3A_552 = arith.constant 14848 : i32
    %dma_wait3A_553 = tpu.memref_slice %arg8[%dma_wait3A_552] : memref<16384xf32, #tpu.memory_space<vmem>> -> memref<512xf32, #tpu.memory_space<vmem>>
    %dma_wait3A_554 = arith.constant 0 : i32
    %dma_wait3A_555 = tpu.memref_slice %arg3[%dma_wait3A_551, %dma_wait3A_554] : memref<32x1000000xf32, #tpu.memory_space<hbm>> -> memref<1x1000000xf32, #tpu.memory_space<hbm>>
    %dma_wait3A_556 = tpu.memref_squeeze %dma_wait3A_555 : memref<1x1000000xf32, #tpu.memory_space<hbm>> -> memref<1000000xf32, #tpu.memory_space<hbm>>
    %dma_wait3A_557 = arith.constant 0 : i32
    %dma_wait3A_558 = tpu.memref_slice %dma_wait3A_556[%dma_wait3A_557] : memref<1000000xf32, #tpu.memory_space<hbm>> -> memref<1000000xf32, #tpu.memory_space<hbm>>
    tpu.wait_indirect_dma semaphore(%arg10 : memref<!tpu.dma_semaphore, #tpu.memory_space<semaphore_mem>>) src(%dma_wait3A_558 : memref<1000000xf32, #tpu.memory_space<hbm>>) dst(%dma_wait3A_553 : memref<512xf32, #tpu.memory_space<vmem>>)
    %add3A_559 = arith.constant 475136 : i32
    %add3A_560 = arith.addi %add3A_559, %mul3A_2 : i32
    "tpu.region"() ({
      %run_scoped3A = tpu.sem_alloc : memref<!tpu.dma_semaphore, #tpu.memory_space<semaphore_mem>>
      %dma_start3A_581 = arith.constant 14848 : i32
      %dma_start3A_582 = tpu.memref_slice %arg8[%dma_start3A_581] : memref<16384xf32, #tpu.memory_space<vmem>> -> memref<512xf32, #tpu.memory_space<vmem>>
      %dma_start3A_583 = tpu.memref_slice %arg6[%add3A_560] : memref<524288xf32, #tpu.memory_space<hbm>> -> memref<512xf32, #tpu.memory_space<hbm>>
      %dma_start3A_584 = tpu.memref_slice %arg6[%add3A_560] : memref<524288xf32, #tpu.memory_space<hbm>> -> memref<512xf32, #tpu.memory_space<hbm>>
      %dma_start3A_585 = arith.constant 14848 : i32
      %dma_start3A_586 = tpu.memref_slice %arg8[%dma_start3A_585] : memref<16384xf32, #tpu.memory_space<vmem>> -> memref<512xf32, #tpu.memory_space<vmem>>
      tpu.enqueue_dma source(%dma_start3A_586 : memref<512xf32, #tpu.memory_space<vmem>>) target(%dma_start3A_584 : memref<512xf32, #tpu.memory_space<hbm>>) target_semaphore(%run_scoped3A : memref<!tpu.dma_semaphore, #tpu.memory_space<semaphore_mem>>)
      %dma_wait3A_587 = arith.constant 14848 : i32
      %dma_wait3A_588 = tpu.memref_slice %arg8[%dma_wait3A_587] : memref<16384xf32, #tpu.memory_space<vmem>> -> memref<512xf32, #tpu.memory_space<vmem>>
      %dma_wait3A_589 = tpu.memref_slice %arg6[%add3A_560] : memref<524288xf32, #tpu.memory_space<hbm>> -> memref<512xf32, #tpu.memory_space<hbm>>
      %dma_wait3A_590 = tpu.memref_slice %arg6[%add3A_560] : memref<524288xf32, #tpu.memory_space<hbm>> -> memref<512xf32, #tpu.memory_space<hbm>>
      %dma_wait3A_591 = arith.constant 14848 : i32
      %dma_wait3A_592 = tpu.memref_slice %arg8[%dma_wait3A_591] : memref<16384xf32, #tpu.memory_space<vmem>> -> memref<512xf32, #tpu.memory_space<vmem>>
      tpu.wait_dma2 semaphore(%run_scoped3A : memref<!tpu.dma_semaphore, #tpu.memory_space<semaphore_mem>>) src(%dma_wait3A_592 : memref<512xf32, #tpu.memory_space<vmem>>) dst(%dma_wait3A_590 : memref<512xf32, #tpu.memory_space<hbm>>)
      tpu.yield
    }) : () -> ()
    %dma_wait3A_561 = arith.constant 30 : i32
    %dma_wait3A_562 = arith.constant 15360 : i32
    %dma_wait3A_563 = tpu.memref_slice %arg8[%dma_wait3A_562] : memref<16384xf32, #tpu.memory_space<vmem>> -> memref<512xf32, #tpu.memory_space<vmem>>
    %dma_wait3A_564 = arith.constant 0 : i32
    %dma_wait3A_565 = tpu.memref_slice %arg3[%dma_wait3A_561, %dma_wait3A_564] : memref<32x1000000xf32, #tpu.memory_space<hbm>> -> memref<1x1000000xf32, #tpu.memory_space<hbm>>
    %dma_wait3A_566 = tpu.memref_squeeze %dma_wait3A_565 : memref<1x1000000xf32, #tpu.memory_space<hbm>> -> memref<1000000xf32, #tpu.memory_space<hbm>>
    %dma_wait3A_567 = arith.constant 0 : i32
    %dma_wait3A_568 = tpu.memref_slice %dma_wait3A_566[%dma_wait3A_567] : memref<1000000xf32, #tpu.memory_space<hbm>> -> memref<1000000xf32, #tpu.memory_space<hbm>>
    tpu.wait_indirect_dma semaphore(%arg10 : memref<!tpu.dma_semaphore, #tpu.memory_space<semaphore_mem>>) src(%dma_wait3A_568 : memref<1000000xf32, #tpu.memory_space<hbm>>) dst(%dma_wait3A_563 : memref<512xf32, #tpu.memory_space<vmem>>)
    %add3A_569 = arith.constant 491520 : i32
    %add3A_570 = arith.addi %add3A_569, %mul3A_2 : i32
    "tpu.region"() ({
      %run_scoped3A = tpu.sem_alloc : memref<!tpu.dma_semaphore, #tpu.memory_space<semaphore_mem>>
      %dma_start3A_581 = arith.constant 15360 : i32
      %dma_start3A_582 = tpu.memref_slice %arg8[%dma_start3A_581] : memref<16384xf32, #tpu.memory_space<vmem>> -> memref<512xf32, #tpu.memory_space<vmem>>
      %dma_start3A_583 = tpu.memref_slice %arg6[%add3A_570] : memref<524288xf32, #tpu.memory_space<hbm>> -> memref<512xf32, #tpu.memory_space<hbm>>
      %dma_start3A_584 = tpu.memref_slice %arg6[%add3A_570] : memref<524288xf32, #tpu.memory_space<hbm>> -> memref<512xf32, #tpu.memory_space<hbm>>
      %dma_start3A_585 = arith.constant 15360 : i32
      %dma_start3A_586 = tpu.memref_slice %arg8[%dma_start3A_585] : memref<16384xf32, #tpu.memory_space<vmem>> -> memref<512xf32, #tpu.memory_space<vmem>>
      tpu.enqueue_dma source(%dma_start3A_586 : memref<512xf32, #tpu.memory_space<vmem>>) target(%dma_start3A_584 : memref<512xf32, #tpu.memory_space<hbm>>) target_semaphore(%run_scoped3A : memref<!tpu.dma_semaphore, #tpu.memory_space<semaphore_mem>>)
      %dma_wait3A_587 = arith.constant 15360 : i32
      %dma_wait3A_588 = tpu.memref_slice %arg8[%dma_wait3A_587] : memref<16384xf32, #tpu.memory_space<vmem>> -> memref<512xf32, #tpu.memory_space<vmem>>
      %dma_wait3A_589 = tpu.memref_slice %arg6[%add3A_570] : memref<524288xf32, #tpu.memory_space<hbm>> -> memref<512xf32, #tpu.memory_space<hbm>>
      %dma_wait3A_590 = tpu.memref_slice %arg6[%add3A_570] : memref<524288xf32, #tpu.memory_space<hbm>> -> memref<512xf32, #tpu.memory_space<hbm>>
      %dma_wait3A_591 = arith.constant 15360 : i32
      %dma_wait3A_592 = tpu.memref_slice %arg8[%dma_wait3A_591] : memref<16384xf32, #tpu.memory_space<vmem>> -> memref<512xf32, #tpu.memory_space<vmem>>
      tpu.wait_dma2 semaphore(%run_scoped3A : memref<!tpu.dma_semaphore, #tpu.memory_space<semaphore_mem>>) src(%dma_wait3A_592 : memref<512xf32, #tpu.memory_space<vmem>>) dst(%dma_wait3A_590 : memref<512xf32, #tpu.memory_space<hbm>>)
      tpu.yield
    }) : () -> ()
    %dma_wait3A_571 = arith.constant 31 : i32
    %dma_wait3A_572 = arith.constant 15872 : i32
    %dma_wait3A_573 = tpu.memref_slice %arg8[%dma_wait3A_572] : memref<16384xf32, #tpu.memory_space<vmem>> -> memref<512xf32, #tpu.memory_space<vmem>>
    %dma_wait3A_574 = arith.constant 0 : i32
    %dma_wait3A_575 = tpu.memref_slice %arg3[%dma_wait3A_571, %dma_wait3A_574] : memref<32x1000000xf32, #tpu.memory_space<hbm>> -> memref<1x1000000xf32, #tpu.memory_space<hbm>>
    %dma_wait3A_576 = tpu.memref_squeeze %dma_wait3A_575 : memref<1x1000000xf32, #tpu.memory_space<hbm>> -> memref<1000000xf32, #tpu.memory_space<hbm>>
    %dma_wait3A_577 = arith.constant 0 : i32
    %dma_wait3A_578 = tpu.memref_slice %dma_wait3A_576[%dma_wait3A_577] : memref<1000000xf32, #tpu.memory_space<hbm>> -> memref<1000000xf32, #tpu.memory_space<hbm>>
    tpu.wait_indirect_dma semaphore(%arg10 : memref<!tpu.dma_semaphore, #tpu.memory_space<semaphore_mem>>) src(%dma_wait3A_578 : memref<1000000xf32, #tpu.memory_space<hbm>>) dst(%dma_wait3A_573 : memref<512xf32, #tpu.memory_space<vmem>>)
    %add3A_579 = arith.constant 507904 : i32
    %add3A_580 = arith.addi %add3A_579, %mul3A_2 : i32
    "tpu.region"() ({
      %run_scoped3A = tpu.sem_alloc : memref<!tpu.dma_semaphore, #tpu.memory_space<semaphore_mem>>
      %dma_start3A_581 = arith.constant 15872 : i32
      %dma_start3A_582 = tpu.memref_slice %arg8[%dma_start3A_581] : memref<16384xf32, #tpu.memory_space<vmem>> -> memref<512xf32, #tpu.memory_space<vmem>>
      %dma_start3A_583 = tpu.memref_slice %arg6[%add3A_580] : memref<524288xf32, #tpu.memory_space<hbm>> -> memref<512xf32, #tpu.memory_space<hbm>>
      %dma_start3A_584 = tpu.memref_slice %arg6[%add3A_580] : memref<524288xf32, #tpu.memory_space<hbm>> -> memref<512xf32, #tpu.memory_space<hbm>>
      %dma_start3A_585 = arith.constant 15872 : i32
      %dma_start3A_586 = tpu.memref_slice %arg8[%dma_start3A_585] : memref<16384xf32, #tpu.memory_space<vmem>> -> memref<512xf32, #tpu.memory_space<vmem>>
      tpu.enqueue_dma source(%dma_start3A_586 : memref<512xf32, #tpu.memory_space<vmem>>) target(%dma_start3A_584 : memref<512xf32, #tpu.memory_space<hbm>>) target_semaphore(%run_scoped3A : memref<!tpu.dma_semaphore, #tpu.memory_space<semaphore_mem>>)
      %dma_wait3A_587 = arith.constant 15872 : i32
      %dma_wait3A_588 = tpu.memref_slice %arg8[%dma_wait3A_587] : memref<16384xf32, #tpu.memory_space<vmem>> -> memref<512xf32, #tpu.memory_space<vmem>>
      %dma_wait3A_589 = tpu.memref_slice %arg6[%add3A_580] : memref<524288xf32, #tpu.memory_space<hbm>> -> memref<512xf32, #tpu.memory_space<hbm>>
      %dma_wait3A_590 = tpu.memref_slice %arg6[%add3A_580] : memref<524288xf32, #tpu.memory_space<hbm>> -> memref<512xf32, #tpu.memory_space<hbm>>
      %dma_wait3A_591 = arith.constant 15872 : i32
      %dma_wait3A_592 = tpu.memref_slice %arg8[%dma_wait3A_591] : memref<16384xf32, #tpu.memory_space<vmem>> -> memref<512xf32, #tpu.memory_space<vmem>>
      tpu.wait_dma2 semaphore(%run_scoped3A : memref<!tpu.dma_semaphore, #tpu.memory_space<semaphore_mem>>) src(%dma_wait3A_592 : memref<512xf32, #tpu.memory_space<vmem>>) dst(%dma_wait3A_590 : memref<512xf32, #tpu.memory_space<hbm>>)
      tpu.yield
    }) : () -> ()
    return
  }
}

</mosaic_0001>

<sc_bundles>
// kernel: kernel.3.cloned.1.call-start
scs
__scs_entry_jumppad:
0x0: {  	(pc) =	sbr.rel $0x88, $3  }
0x1: {  	(tag) =	ssettag $0x0;
	lr =	simm.s32 $0x1  }
0x2: {  	[smem:$0x3F9E] =	sst lr;
	_ =	strace $0xD0000000  }
0x3: {  	_ = 	snop  }
0x4: {  	_ = 	snop  }
0x5: {  	_ = 	snop  }
0x6: {  	_ = 	snop  }
0x7: {  	_ = 	snop  }
__scs_overlays_trampoline_lowered:
0x8: {  	[smem:$0x3FAD] =	sst s0  }
0x9: {  	[smem:$0x3FAE] =	sst s1  }
0xa: {  	[smem:$0x3FAF] =	sst s2  }
0xb: {  	[smem:$0x3FB0] =	sst s3  }
0xc: {  	[smem:$0x3FB1] =	sst s4  }
0xd: {  	[smem:$0x3FB2] =	sst s5  }
0xe: {  	[smem:$0x3FB3] =	sst s6  }
0xf: {  	[smem:$0x3FB4] =	sst s7  }
0x10: {  	[smem:$0x3FB5] =	sst s8  }
0x11: {  	[smem:$0x3FB6] =	sst s9;
	s0 =	simm.s32 @!p0 $0x0  }
0x12: {  	s1 =	sld [smem:$0x3F9C];
	s0 =	simm.s32 @p0 $0x1  }
0x13: {  	[smem:$0x3FB7] =	sst s0;
	s0 =	simm.s32 @!p1 $0x0  }
0x14: {  	s2 =	sld [smem:$0x3F9B];
	s0 =	simm.s32 @p1 $0x1  }
0x15: {  	[smem:$0x3FB8] =	sst s0;
	s0 =	simm.s32 @!p2 $0x0  }
0x16: {  	s3 =	sld [smem:$0x3FDB];
	s0 =	simm.s32 @p2 $0x1  }
0x17: {  	s4 =	simm.s32 $0x1BF5;
	[smem:$0x3FBA] =	sst s0  }
0x18: {  	s0 =	sld [smem:$0x3F9D];
	_ =	swait.ge [sflag:s4], $0x0  }
0x19: {  	s7 =	sld [smem:$0x3F9E]  }
0x1a: {  	s8 =	sadd.s32 $0xFFFFE003, lr  }
0x1b: {  	s9 =	sadd.s32 $0xFFFFFEF7, lr;
	s5 =	simm.s32 $0xFFFFFFFF;
	p2 =	slt.u32 s8, $0xFFFFF086  }
0x1c: {  	p1 =	slt.u32 s9, $0xF7A;
	s5 =	simm.s32 @!p2 $0x0  }
0x1d: {  	s5 =	simm.s32 @p1 $0x1;
	p0 =	seq.s32 s7, s2  }
0x1e: {  	s7 =	smul.u32 @!p0 $0xF7A, s2;
	p2 =	seq.s32 @!p0 s5, $0x0  }
0x1f: {  	s9 =	smul.u32 $0xF7A, s1;
	s8 =	simm.s32 @!p0 $0x1BF5;
	p2 =	por !p2, p0  }
0x20: {  	[sflag:s8] =	ssyncset.s32 @!p0 $0xFFFFF086;
	s6 =	sadd.s32 @!p0 s3, s7;
	s7 =	simm.s32 @!p0 $0x108  }
0x21: {  	s3 =	sadd.s32 s3, s9;
	s6 =	sadd.s32 @!p0 $0x88, s6;
	s7 =	simm.s32 @p2 $0x1082  }
0x22: {  	[simem:s7], [sflag:s8] =	dma.local @!p0 [hbm:s6], $0xF7A  }
0x23: {  	s9 =	sor.u32 $0xD0000000, s2;
	s6 =	simm.s32 $0x108;
	_ =	swait.ge @!p0 [sflag:s8], $0x0  }
0x24: {  	s3 =	sadd.s32 $0x88, s3;
	s6 =	simm.s32 @!p1 $0x1082;
	[sflag:s4] =	ssyncset.s32 $0xFFFFF086  }
0x25: {  	[simem:s6], [sflag:s4] =	dma.local [hbm:s3], $0xF7A  }
0x26: {  	[smem:$0x3F9E] =	sst s1;
	(tag) =	ssettag s2;
	_ =	strace s9  }
0x27: {  	s1 =	sld [smem:$0x3FAE]  }
0x28: {  	s2 =	sld [smem:$0x3FAF]  }
0x29: {  	s4 =	sld [smem:$0x3FB1]  }
0x2a: {  	p0 =	seq.s32 s5, $0x0;
	s5 =	sld [smem:$0x3FB2]  }
0x2b: {  	s6 =	sld [smem:$0x3FB3]  }
0x2c: {  	s7 =	sld [smem:$0x3FB4]  }
0x2d: {  	s3 =	simm.s32 $0x108;
	s8 =	sld [smem:$0x3FB5]  }
0x2e: {  	s3 =	simm.s32 @!p0 $0x1082;
	s9 =	sld [smem:$0x3FB6]  }
0x2f: {  	lr =	sadd.s32 s0, s3;
	s0 =	sld [smem:$0x3FAD]  }
0x30: {  	s3 =	sld [smem:$0x3FB0]  }
0x31: {  	[smem:$0x3FB9] =	sst s10  }
0x32: {  	s10 =	sld [smem:$0x3FB7];
	_ =	sdelay $0x3  }
0x33: {  	p0 =	seq.s32 s10, $0x1;
	s10 =	sld [smem:$0x3FB9];
	_ =	sdelay $0x3  }
0x34: {  	[smem:$0x3FB9] =	sst s10  }
0x35: {  	s10 =	sld [smem:$0x3FB8];
	_ =	sdelay $0x3  }
0x36: {  	p1 =	seq.s32 s10, $0x1;
	s10 =	sld [smem:$0x3FB9];
	_ =	sdelay $0x3  }
0x37: {  	[smem:$0x3FB9] =	sst s10  }
0x38: {  	s10 =	sld [smem:$0x3FBA]  }
0x39: {  	_ = 	snop;
	(pc) =	sbr.ind lr, $3  }
0x3a: {  	_ = 	snop  }
0x3b: {  	_ = 	snop  }
0x3c: {  	p2 =	seq.s32 s10, $0x1;
	s10 =	sld [smem:$0x3FB9]  }
0x3d: {  	_ =	shalt  }
0x3e: {  	_ =	shalt  }
0x3f: {  	_ =	shalt  }
0x40: {  	_ =	shalt  }
0x41: {  	_ =	shalt  }
0x42: {  	_ =	shalt  }
0x43: {  	_ =	shalt  }
0x44: {  	_ =	shalt  }
0x45: {  	_ =	shalt  }
0x46: {  	_ =	shalt  }
0x47: {  	_ =	shalt  }
0x48: {  	_ =	shalt  }
0x49: {  	_ =	shalt  }
0x4a: {  	_ =	shalt  }
0x4b: {  	_ =	shalt  }
0x4c: {  	_ =	shalt  }
0x4d: {  	_ =	shalt  }
0x4e: {  	_ =	shalt  }
0x4f: {  	_ =	shalt  }
0x50: {  	_ =	shalt  }
0x51: {  	_ =	shalt  }
0x52: {  	_ =	shalt  }
0x53: {  	_ =	shalt  }
0x54: {  	_ =	shalt  }
0x55: {  	_ =	shalt  }
0x56: {  	_ =	shalt  }
0x57: {  	_ =	shalt  }
0x58: {  	_ =	shalt  }
0x59: {  	_ =	shalt  }
0x5a: {  	_ =	shalt  }
0x5b: {  	_ =	shalt  }
0x5c: {  	_ =	shalt  }
0x5d: {  	_ =	shalt  }
0x5e: {  	_ =	shalt  }
0x5f: {  	_ =	shalt  }
0x60: {  	_ =	shalt  }
0x61: {  	_ =	shalt  }
0x62: {  	_ =	shalt  }
0x63: {  	_ =	shalt  }
0x64: {  	_ =	shalt  }
0x65: {  	_ =	shalt  }
0x66: {  	_ =	shalt  }
0x67: {  	_ =	shalt  }
0x68: {  	_ =	shalt  }
0x69: {  	_ =	shalt  }
0x6a: {  	_ =	shalt  }
0x6b: {  	_ =	shalt  }
0x6c: {  	_ =	shalt  }
0x6d: {  	_ =	shalt  }
0x6e: {  	_ =	shalt  }
0x6f: {  	_ =	shalt  }
0x70: {  	_ =	shalt  }
0x71: {  	_ =	shalt  }
0x72: {  	_ =	shalt  }
0x73: {  	_ =	shalt  }
0x74: {  	_ =	shalt  }
0x75: {  	_ =	shalt  }
0x76: {  	_ =	shalt  }
0x77: {  	_ =	shalt  }
0x78: {  	_ =	shalt  }
0x79: {  	_ =	shalt  }
0x7a: {  	_ =	shalt  }
0x7b: {  	_ =	shalt  }
0x7c: {  	_ =	shalt  }
0x7d: {  	_ =	shalt  }
0x7e: {  	_ =	shalt  }
0x7f: {  	_ =	shalt  }
0x80: {  	_ =	shalt  }
0x81: {  	_ =	shalt  }
0x82: {  	_ =	shalt  }
0x83: {  	_ =	shalt  }
0x84: {  	_ =	shalt  }
0x85: {  	_ =	shalt  }
0x86: {  	_ =	shalt  }
0x87: {  	_ =	shalt  }
.Lfunc_end0:
.L_simem_size_0:
called_computation_lowered:
.L_overlay_start_0:
0x88: {  	s2 =	sld [smem:$0x3FD9]  }
0x89: {  	s3 =	sld [smem:$0x3FFE];
	_ =	sdelay $0x1  }
0x8a: {  	s1 =	srdreg.scid  }
0x8b: {  	s0 =	sand.u32 $0x1, s1  }
0x8c: {  	s14 =	sshll.u32 s0, $0xA;
	s2 =	sadd.s32 s3, s2  }
0x8d: {  	s2 =	sadd.s32 s2, s14  }
0x8e: {  	[smem:$0x3FC5] =	sst s2  }
0x8f: {  	_ = 	snop  }
0x90: {  	s2 =	sld [smem:$0x3FD0];
	_ =	sdelay $0x2  }
0x91: {  	s4 =	simm.s32 $0xA;
	s5 =	simm.s32 $0x10;
	s15 =	sld [smem:$0x3FC9]  }
0x92: {  	[smem:s5], [sflag:s4] =	dma.local [hbm:s2], $0x1  }
0x93: {  	_ =	swait.eq [sflag:s4], $0x1  }
0x94: {  	[sflag:s4] =	ssyncset.done $0x0  }
0x95: {  	[sflag:s4] =	ssyncadd.s32 $0xFFFFFFFF  }
0x96: {  	s16 =	sld [smem:$0x10];
	(tm) =	ssettm $0x1  }
0x97: {  	s17 =	sld [smem:$0x3FFB];
	_ =	sdelay $0x3  }
0x98: {  	_ =	strace s17  }
0x99: {  	s4 =	sld [smem:$0x3FFC];
	_ =	sdelay $0x3  }
0x9a: {  	_ =	strace s4  }
0x9b: {  	s4 =	sld [smem:$0x3FFD];
	_ =	sdelay $0x3  }
0x9c: {  	_ =	strace s4  }
0x9d: {  	_ =	strace $0x8FFFFFFF  }
0x9e: {  	s18 =	sld [smem:$0x3FDB];
	_ =	sdelay $0x1  }
0x9f: {  	s19 =	simm.s32 $_scs_section_size  }
0xa0: {  	s6 =	simm.s32 $_size__tile_overlayer_lowered;
	s7 =	simm.s32 $_tile_overlayer_lowered  }
0xa1: {  	s22 =	simm.s32 $0x1BFF;
	s21 =	sshll.u32 s7, $0x1;
	s4 =	sadd.s32 s19, s18  }
0xa2: {  	s8 =	simm.s32 $0x0;
	s20 =	sshll.u32 s6, $0x1;
	s6 =	sadd.s32 s21, s4  }
0xa3: {  	[timem:s8], [sflag:s22] =	dma.local [hbm:s6], s20  }
0xa4: {  	_ =	swait.ge [sflag:s22], s20  }
0xa5: {  	s5 =	ssub.s32 $0x0, s20;
	[sflag:s22] =	ssyncset.done $0x0  }
0xa6: {  	[sflag:s22] =	ssyncadd.s32 s5;
	_ =	sdelay $0x1  }
0xa7: {  	s23 =	simm.s32 $0x1B8B  }
0xa8: {  	_ =	swait.ge [sflag:s23], $0x1  }
0xa9: {  	[sflag:s23] =	ssyncset.done $0x0  }
0xaa: {  	s25 =	simm.s32 $0x1B8E;
	s24 =	sld [smem:$0x3FFE];
	[sflag:s23] =	ssyncadd.s32 $0xFFFFFFFF  }
0xab: {  	s26 =	simm.s32 $execute0_lowered;
	[smem:$0x3FD2] =	sst s25  }
0xac: {  	s6 =	sshll.u32 s26, $0x1;
	_ =	strace $0x80000046;
	[dreg:$0x1] =	wrdreg $0xFFFFFFFF  }
0xad: {  	s28 =	simm.s32 $_size_execute0_lowered;
	s4 =	sadd.s32 s4, s6;
	[dreg:$0x0] =	wrdreg $0x0  }
0xae: {  	s6 =	sshll.u32 s28, $0x1;
	[dreg:$0x2] =	wrdreg s4  }
0xaf: {  	[dreg:$0x3] =	wrdreg s6  }
0xb0: {  	[dreg:$0x4] =	wrdreg $0xC0  }
0xb1: {  	_ =	task [dreg:s8], $0x5FFFF  }
0xb2: {  	[dreg:$0x1] =	wrdreg $0xFFFFFFFF  }
0xb3: {  	[dreg:$0x0] =	wrdreg $0x60  }
0xb4: {  	[dreg:$0x2] =	wrdreg s15  }
0xb5: {  	[dreg:$0x3] =	wrdreg s24  }
0xb6: {  	[dreg:$0x4] =	wrdreg s16  }
0xb7: {  	[dreg:$0x5] =	wrdreg $0x9  }
0xb8: {  	_ =	task.clear_ibuf [dreg:s8], $0x6FFFF;
	_ =	strace $0x90000046  }
0xb9: {  	s29 =	simm.s32 $0x9;
	_ =	strace $0x80000048  }
0xba: {  	_ =	swait.ge [sflag:s29], $0x1  }
0xbb: {  	[sflag:s29] =	ssyncadd.s32 $0xFFFFFFFF  }
0xbc: {  	_ =	strace $0x90000048  }
0xbd: {  	_ =	sfence  }
0xbe: {  	s30 =	sld [smem:$0x0];
	_ =	sdelay $0x2  }
0xbf: {  	s31 =	sshll.u32 s1, $0xD;
	s1 =	sshrl.u32 s1, $0x2  }
0xc0: {  	s3 =	sand.u32 $0x4000, s31;
	s1 =	sadd.s32 s1, s30  }
0xc1: {  	s0 =	sor.u32 s3, s0;
	s1 =	sshll.u32 s1, $0x11  }
0xc2: {  	s0 =	sor.u32 s1, s0  }
0xc3: {  	s0 =	sadd.s32 $0x8F2B, s0  }
0xc4: {  	[sflag:s0] =	ssyncadd.remote.s32 $0x1  }
0xc5: {  	_ =	sfence.sel $0xFFFF  }
0xc6: {  	[dreg:$0x0] =	wrdreg $0xFFFFFFFF;
	(pc) =	sbr.abs _section_cstart, $3  }
0xc7: {  	[dreg:$0x1] =	wrdreg $0xFFFFFFFF  }
0xc8: {  	_ =	task.clear_ibuf [dreg:s8], $0x2FFFF;
	_ =	strace $0x9FFFFFFF  }
0xc9: {  	(tm) =	ssettm $0x7FFFFFFF  }
tec
execute0_lowered:
.L_overlay_start_1:
0x0: {  	(tag) =	ssettag $0x1  }
0x1: {  	s3 =	rddreg [dreg:$0x0]  }
0x2: {  	s7 =	rddreg [dreg:$0x1]  }
0x3: {  	s1 =	rddreg [dreg:$0x2];
	s2 =	simm.s32 $0x0  }
0x4: {  	[smem:$0x7FF] =	sst s2;
	s6 =	sadd.s32 $0x3D0A00, s7  }
0x5: {  	s17 =	sadd.s32 $0x1E848, s7;
	_ =	strace $0x80000047;
	[dreg:$0x4] =	wrdreg s6  }
0x6: {  	s18 =	sadd.s32 $0x3D090, s7;
	[dreg:$0x6] =	wrdreg s17  }
0x7: {  	s19 =	sadd.s32 $0x5B8D8, s7;
	[dreg:$0x7] =	wrdreg s18  }
0x8: {  	s20 =	sadd.s32 $0x7A120, s7;
	[dreg:$0x8] =	wrdreg s19  }
0x9: {  	s21 =	sadd.s32 $0x98968, s7;
	[dreg:$0x9] =	wrdreg s20  }
0xa: {  	s22 =	sadd.s32 $0xB71B0, s7;
	[dreg:$0xa] =	wrdreg s21  }
0xb: {  	s23 =	sadd.s32 $0xD59F8, s7;
	[dreg:$0xb] =	wrdreg s22  }
0xc: {  	s24 =	sadd.s32 $0xF4240, s7;
	[dreg:$0xc] =	wrdreg s23  }
0xd: {  	s25 =	sadd.s32 $0x112A88, s7;
	[dreg:$0xd] =	wrdreg s24  }
0xe: {  	s26 =	sadd.s32 $0x1312D0, s7;
	[dreg:$0xe] =	wrdreg s25  }
0xf: {  	s28 =	sadd.s32 $0x14FB18, s7;
	[dreg:$0xf] =	wrdreg s26  }
0x10: {  	s29 =	sadd.s32 $0x16E360, s7;
	[dreg:$0x10] =	wrdreg s28  }
0x11: {  	s30 =	sadd.s32 $0x18CBA8, s7;
	[dreg:$0x11] =	wrdreg s29  }
0x12: {  	s31 =	sadd.s32 $0x1AB3F0, s7;
	[dreg:$0x12] =	wrdreg s30  }
0x13: {  	s8 =	sadd.s32 $0x206CC8, s7;
	[dreg:$0x13] =	wrdreg s31  }
0x14: {  	s9 =	sadd.s32 $0x225510, s7;
	[dreg:$0x16] =	wrdreg s8  }
0x15: {  	s10 =	sadd.s32 $0x243D58, s7;
	[dreg:$0x17] =	wrdreg s9  }
0x16: {  	s11 =	sadd.s32 $0x2625A0, s7;
	[dreg:$0x18] =	wrdreg s10  }
0x17: {  	s12 =	sadd.s32 $0x280DE8, s7;
	[dreg:$0x19] =	wrdreg s11  }
0x18: {  	s13 =	sadd.s32 $0x29F630, s7;
	[dreg:$0x1a] =	wrdreg s12  }
0x19: {  	s14 =	sadd.s32 $0x2BDE78, s7;
	[dreg:$0x1b] =	wrdreg s13  }
0x1a: {  	s15 =	sadd.s32 $0x2DC6C0, s7;
	[dreg:$0x1c] =	wrdreg s14  }
0x1b: {  	s16 =	sadd.s32 $0x2FAF08, s7;
	[dreg:$0x1d] =	wrdreg s15  }
0x1c: {  	s6 =	sadd.s32 $0x1E8480, s7;
	[dreg:$0x1e] =	wrdreg s16  }
0x1d: {  	s17 =	sadd.s32 $0x319750, s7;
	[dreg:$0x15] =	wrdreg s6  }
0x1e: {  	s0 =	srdreg.scid;
	s18 =	sadd.s32 $0x337F98, s7;
	[dreg:$0x1f] =	wrdreg s17  }
0x1f: {  	s4 =	stileid.u32;
	s19 =	sadd.s32 $0x3567E0, s7;
	[smem:$0x7D8] =	sst s18  }
0x20: {  	s0 =	sand.u32 $0x1, s0;
	s20 =	sadd.s32 $0x375028, s7;
	[smem:$0x7D9] =	sst s19  }
0x21: {  	s4 =	sshll.u32 s4, $0x7;
	s21 =	sadd.s32 $0x393870, s7;
	[smem:$0x7DA] =	sst s20  }
0x22: {  	s5 =	sshll.u32 s0, $0x6;
	s22 =	sadd.s32 $0x3B20B8, s7;
	[smem:$0x7DB] =	sst s21  }
0x23: {  	s4 =	sor.u32 s5, s4;
	s5 =	sadd.s32 $0x1C9C38, s7;
	[smem:$0x7DC] =	sst s22  }
0x24: {  	s3 =	sadd.s32 s3, s4;
	[dreg:$0x14] =	wrdreg s5  }
0x25: {  	s1 =	sadd.s32 s1, s4;
	[dreg:$0x5] =	wrdreg s3;
	s3 =	sadd.s32 s4, s7  }
0x26: {  	[smem:$0x7DD] =	sst s1;
	s23 =	sadd.s32 $0x3EF400, s3  }
0x27: {  	s24 =	sadd.s32 $0x3EFC00, s3;
	[smem:$0x7DE] =	sst s23  }
0x28: {  	s25 =	sadd.s32 $0x3F0400, s3;
	[smem:$0x7DF] =	sst s24  }
0x29: {  	s26 =	sadd.s32 $0x3F0C00, s3;
	[smem:$0x7E0] =	sst s25  }
0x2a: {  	s28 =	sadd.s32 $0x3F1400, s3;
	[smem:$0x7E1] =	sst s26  }
0x2b: {  	s29 =	sadd.s32 $0x3F1C00, s3;
	[smem:$0x7E2] =	sst s28  }
0x2c: {  	s30 =	sadd.s32 $0x3F2400, s3;
	[smem:$0x7E3] =	sst s29  }
0x2d: {  	s31 =	sadd.s32 $0x3F2C00, s3;
	[smem:$0x7E4] =	sst s30  }
0x2e: {  	s4 =	sadd.s32 $0x3F3400, s3;
	[smem:$0x7E5] =	sst s31  }
0x2f: {  	s5 =	sadd.s32 $0x3F3C00, s3;
	[smem:$0x7E6] =	sst s4  }
0x30: {  	s6 =	sadd.s32 $0x3F4400, s3;
	[smem:$0x7E7] =	sst s5  }
0x31: {  	s8 =	sadd.s32 $0x3F4C00, s3;
	[smem:$0x7E8] =	sst s6  }
0x32: {  	s9 =	sadd.s32 $0x3F5400, s3;
	[smem:$0x7E9] =	sst s8  }
0x33: {  	s10 =	sadd.s32 $0x3F5C00, s3;
	[smem:$0x7EA] =	sst s9  }
0x34: {  	s11 =	sadd.s32 $0x3F6400, s3;
	[smem:$0x7EB] =	sst s10  }
0x35: {  	s12 =	sadd.s32 $0x3F6C00, s3;
	[smem:$0x7EC] =	sst s11  }
0x36: {  	s13 =	sadd.s32 $0x3F7400, s3;
	[smem:$0x7ED] =	sst s12  }
0x37: {  	s14 =	sadd.s32 $0x3F7C00, s3;
	[smem:$0x7EE] =	sst s13  }
0x38: {  	s15 =	sadd.s32 $0x3F8400, s3;
	[smem:$0x7EF] =	sst s14  }
0x39: {  	s16 =	sadd.s32 $0x3F8C00, s3;
	[smem:$0x7F0] =	sst s15  }
0x3a: {  	s17 =	sadd.s32 $0x3F9400, s3;
	[smem:$0x7F1] =	sst s16  }
0x3b: {  	s18 =	sadd.s32 $0x3F9C00, s3;
	[smem:$0x7F2] =	sst s17  }
0x3c: {  	s19 =	sadd.s32 $0x3FA400, s3;
	[smem:$0x7F3] =	sst s18  }
0x3d: {  	s20 =	sadd.s32 $0x3FAC00, s3;
	[smem:$0x7F4] =	sst s19  }
0x3e: {  	p0 =	por $0x0, $0x0;
	s21 =	sadd.s32 $0x3FB400, s3;
	[smem:$0x7F5] =	sst s20  }
0x3f: {  	s0 =	ssub.s32 $0x2, s0;
	s22 =	sadd.s32 $0x3FBC00, s3;
	[smem:$0x7F6] =	sst s21  }
0x40: {  	s1 =	simm.s32 $0x4200;
	[smem:$0x7F7] =	sst s22;
	s28 =	sshrl.u32 s0, $0x1  }
0x41: {  	s23 =	sadd.s32 $0x3FC400, s3;
	s24 =	sadd.s32 $0x3FCC00, s3;
	s0 =	ssub.s32 s0, s28  }
0x42: {  	s25 =	sadd.s32 $0x3FD400, s3;
	s12 =	rddreg [dreg:$0x5];
	s31 =	smax.u32 s0, $0x1  }
0x43: {  	s26 =	sadd.s32 $0x3FDC00, s3;
	[smem:$0x7F8] =	sst s23;
	p1 =	sne.s32 s31, $0x1  }
.Ltmp0:
0x44: {  	s29 =	sadd.s32 $0x3FE400, s3;
	[smem:$0x7F9] =	sst s24;
	(pc) =	sbr.rel @!p1 .LBB2_5-.Ltmp0, $4  }
0x45: {  	s30 =	sadd.s32 $0x3FEC00, s3;
	s3 =	simm.s32 $0x3;
	[smem:$0x7FA] =	sst s25  }
0x46: {  	s8 =	simm.s32 $0x200;
	s4 =	simm.s32 $0x1A00;
	[smem:$0x7FB] =	sst s26  }
0x47: {  	s13 =	simm.s32 $0x1C00;
	s5 =	simm.s32 $0x1;
	[smem:$0x7FC] =	sst s29  }
0x48: {  	[smem:$0x7FD] =	sst s30;
	s25 =	simm.s32 $0x2;
	s10 =	sadd.s32 $0xFFFFFFFF, s31  }
0x49: {  	[tilespmem:s2], [sflag:$0x3] =	stream.linear.gather [hbm4b:s12+s2], $0x200, $0x38;
	[tilespmem:$0x4400] =	vst v63  }
0x4a: {  	_ =	swait.ge [sflag:s3], $0x200  }
0x4b: {  	[sflag:s3] =	ssyncset.done $0x0  }
0x4c: {  	s17 =	rddreg [dreg:$0x4];
	[sflag:s3] =	ssyncadd.s32 $0xFFFFFE00  }
0x4d: {  	[tilespmem:s1], [sflag:$0x2] =	stream.indirect.gather [hbm4b:s17+s8], $0x1, s2, s8, $0xb8;
	[tilespmem:$0x4400] =	vst v63  }
0x4e: {  	s18 =	rddreg [dreg:$0x6]  }
0x4f: {  	[tilespmem:s8], [sflag:$0x1] =	stream.indirect.gather [hbm4b:s7+s8], $0x1, s2, s8, $0xb8;
	[tilespmem:$0x4400] =	vst v63  }
0x50: {  	s11 =	rddreg [dreg:$0x7];
	s1 =	simm.s32 $0x400  }
0x51: {  	[tilespmem:s1], [sflag:$0x1] =	stream.indirect.gather [hbm4b:s18+s8], $0x1, s2, s8, $0xb8;
	[tilespmem:$0x4400] =	vst v63  }
0x52: {  	s29 =	simm.s32 $0x600;
	s19 =	rddreg [dreg:$0x8]  }
0x53: {  	[tilespmem:s29], [sflag:$0x1] =	stream.indirect.gather [hbm4b:s11+s8], $0x1, s2, s8, $0xb8;
	[tilespmem:$0x4400] =	vst v63  }
0x54: {  	s31 =	simm.s32 $0x800;
	s20 =	rddreg [dreg:$0x9]  }
0x55: {  	[tilespmem:s31], [sflag:$0x1] =	stream.indirect.gather [hbm4b:s19+s8], $0x1, s2, s8, $0xb8;
	[tilespmem:$0x4400] =	vst v63  }
0x56: {  	s9 =	simm.s32 $0xA00;
	s21 =	rddreg [dreg:$0xa]  }
0x57: {  	[tilespmem:s9], [sflag:$0x1] =	stream.indirect.gather [hbm4b:s20+s8], $0x1, s2, s8, $0xb8;
	[tilespmem:$0x4400] =	vst v63  }
0x58: {  	s22 =	rddreg [dreg:$0xb];
	s17 =	simm.s32 $0xC00  }
0x59: {  	[tilespmem:s17], [sflag:$0x1] =	stream.indirect.gather [hbm4b:s21+s8], $0x1, s2, s8, $0xb8;
	[tilespmem:$0x4400] =	vst v63  }
0x5a: {  	s23 =	rddreg [dreg:$0xc];
	s7 =	simm.s32 $0xE00  }
0x5b: {  	[tilespmem:s7], [sflag:$0x1] =	stream.indirect.gather [hbm4b:s22+s8], $0x1, s2, s8, $0xb8;
	[tilespmem:$0x4400] =	vst v63  }
0x5c: {  	s24 =	rddreg [dreg:$0xd];
	s19 =	simm.s32 $0x1000  }
0x5d: {  	[tilespmem:s19], [sflag:$0x1] =	stream.indirect.gather [hbm4b:s23+s8], $0x1, s2, s8, $0xb8;
	[tilespmem:$0x4400] =	vst v63  }
0x5e: {  	s14 =	simm.s32 $0x1200;
	s25 =	rddreg [dreg:$0xe]  }
0x5f: {  	[tilespmem:s14], [sflag:$0x1] =	stream.indirect.gather [hbm4b:s24+s8], $0x1, s2, s8, $0xb8;
	[tilespmem:$0x4400] =	vst v63  }
0x60: {  	s26 =	rddreg [dreg:$0xf];
	s21 =	simm.s32 $0x1400  }
0x61: {  	[tilespmem:s21], [sflag:$0x1] =	stream.indirect.gather [hbm4b:s25+s8], $0x1, s2, s8, $0xb8;
	[tilespmem:$0x4400] =	vst v63  }
0x62: {  	s30 =	simm.s32 $0x1600;
	s28 =	rddreg [dreg:$0x10]  }
0x63: {  	[tilespmem:s30], [sflag:$0x1] =	stream.indirect.gather [hbm4b:s26+s8], $0x1, s2, s8, $0xb8;
	[tilespmem:$0x4400] =	vst v63  }
0x64: {  	s0 =	rddreg [dreg:$0x11];
	s26 =	simm.s32 $0x1800  }
0x65: {  	[tilespmem:s26], [sflag:$0x1] =	stream.indirect.gather [hbm4b:s28+s8], $0x1, s2, s8, $0xb8;
	[tilespmem:$0x4400] =	vst v63  }
0x66: {  	s15 =	rddreg [dreg:$0x12]  }
0x67: {  	[tilespmem:s4], [sflag:$0x1] =	stream.indirect.gather [hbm4b:s0+s8], $0x1, s2, s8, $0xb8;
	[tilespmem:$0x4400] =	vst v63  }
0x68: {  	s16 =	rddreg [dreg:$0x13]  }
0x69: {  	[tilespmem:s13], [sflag:$0x1] =	stream.indirect.gather [hbm4b:s15+s8], $0x1, s2, s8, $0xb8;
	[tilespmem:$0x4400] =	vst v63  }
0x6a: {  	s12 =	rddreg [dreg:$0x1c];
	s23 =	simm.s32 $0x1E00  }
0x6b: {  	[tilespmem:s23], [sflag:$0x1] =	stream.indirect.gather [hbm4b:s16+s8], $0x1, s2, s8, $0xb8;
	[tilespmem:$0x4400] =	vst v63  }
0x6c: {  	s18 =	rddreg [dreg:$0x14];
	s15 =	simm.s32 $0x2000  }
0x6d: {  	[tilespmem:s15], [sflag:$0x1] =	stream.indirect.gather [hbm4b:s18+s8], $0x1, s2, s8, $0xb8;
	[tilespmem:$0x4400] =	vst v63  }
0x6e: {  	s20 =	rddreg [dreg:$0x15];
	s18 =	simm.s32 $0x2200  }
0x6f: {  	[tilespmem:s18], [sflag:$0x1] =	stream.indirect.gather [hbm4b:s20+s8], $0x1, s2, s8, $0xb8;
	[tilespmem:$0x4400] =	vst v63  }
0x70: {  	s22 =	rddreg [dreg:$0x16];
	s20 =	simm.s32 $0x2400  }
0x71: {  	[tilespmem:s20], [sflag:$0x1] =	stream.indirect.gather [hbm4b:s22+s8], $0x1, s2, s8, $0xb8;
	[tilespmem:$0x4400] =	vst v63  }
0x72: {  	s24 =	rddreg [dreg:$0x17];
	s16 =	simm.s32 $0x2600  }
0x73: {  	[tilespmem:s16], [sflag:$0x1] =	stream.indirect.gather [hbm4b:s24+s8], $0x1, s2, s8, $0xb8;
	[tilespmem:$0x4400] =	vst v63  }
0x74: {  	s25 =	rddreg [dreg:$0x18];
	s22 =	simm.s32 $0x2800  }
0x75: {  	[tilespmem:s22], [sflag:$0x1] =	stream.indirect.gather [hbm4b:s25+s8], $0x1, s2, s8, $0xb8;
	[tilespmem:$0x4400] =	vst v63  }
0x76: {  	s28 =	rddreg [dreg:$0x19];
	s24 =	simm.s32 $0x2A00  }
0x77: {  	[tilespmem:s24], [sflag:$0x1] =	stream.indirect.gather [hbm4b:s28+s8], $0x1, s2, s8, $0xb8;
	[tilespmem:$0x4400] =	vst v63  }
0x78: {  	s0 =	rddreg [dreg:$0x1a];
	s28 =	simm.s32 $0x2C00  }
0x79: {  	[tilespmem:s28], [sflag:$0x1] =	stream.indirect.gather [hbm4b:s0+s8], $0x1, s2, s8, $0xb8;
	[tilespmem:$0x4400] =	vst v63  }
0x7a: {  	s25 =	rddreg [dreg:$0x1b];
	s0 =	simm.s32 $0x2E00  }
0x7b: {  	[tilespmem:s0], [sflag:$0x1] =	stream.indirect.gather [hbm4b:s25+s8], $0x1, s2, s8, $0xb8;
	[tilespmem:$0x4400] =	vst v63  }
0x7c: {  	s11 =	rddreg [dreg:$0x1d];
	s25 =	simm.s32 $0x3000  }
0x7d: {  	[tilespmem:s25], [sflag:$0x1] =	stream.indirect.gather [hbm4b:s12+s8], $0x1, s2, s8, $0xb8;
	[tilespmem:$0x4400] =	vst v63  }
0x7e: {  	s12 =	rddreg [dreg:$0x1e];
	s25 =	simm.s32 $0x3200  }
0x7f: {  	[tilespmem:s25], [sflag:$0x1] =	stream.indirect.gather [hbm4b:s11+s8], $0x1, s2, s8, $0xb8;
	[tilespmem:$0x4400] =	vst v63  }
0x80: {  	s11 =	rddreg [dreg:$0x1f];
	s25 =	simm.s32 $0x3400  }
0x81: {  	[tilespmem:s25], [sflag:$0x1] =	stream.indirect.gather [hbm4b:s12+s8], $0x1, s2, s8, $0xb8;
	[tilespmem:$0x4400] =	vst v63  }
0x82: {  	s12 =	sld [smem:$0x7D8];
	s25 =	simm.s32 $0x3600  }
0x83: {  	[tilespmem:s25], [sflag:$0x1] =	stream.indirect.gather [hbm4b:s11+s8], $0x1, s2, s8, $0xb8;
	[tilespmem:$0x4400] =	vst v63  }
0x84: {  	s11 =	sld [smem:$0x7D9];
	s25 =	simm.s32 $0x3800  }
0x85: {  	[tilespmem:s25], [sflag:$0x1] =	stream.indirect.gather [hbm4b:s12+s8], $0x1, s2, s8, $0xb8;
	[tilespmem:$0x4400] =	vst v63  }
0x86: {  	s12 =	sld [smem:$0x7DA];
	s25 =	simm.s32 $0x3A00  }
0x87: {  	[tilespmem:s25], [sflag:$0x1] =	stream.indirect.gather [hbm4b:s11+s8], $0x1, s2, s8, $0xb8;
	[tilespmem:$0x4400] =	vst v63  }
0x88: {  	s11 =	sld [smem:$0x7DB];
	s25 =	simm.s32 $0x3C00  }
0x89: {  	[tilespmem:s25], [sflag:$0x1] =	stream.indirect.gather [hbm4b:s12+s8], $0x1, s2, s8, $0xb8;
	[tilespmem:$0x4400] =	vst v63  }
0x8a: {  	s12 =	sld [smem:$0x7DC];
	s25 =	simm.s32 $0x3E00  }
0x8b: {  	[tilespmem:s25], [sflag:$0x1] =	stream.indirect.gather [hbm4b:s11+s8], $0x1, s2, s8, $0xb8;
	[tilespmem:$0x4400] =	vst v63  }
0x8c: {  	s0 =	simm.s32 $0x2;
	s11 =	simm.s32 $0x4000  }
0x8d: {  	[tilespmem:s11], [sflag:$0x1] =	stream.indirect.gather [hbm4b:s12+s8], $0x1, s2, s8, $0xb8;
	[tilespmem:$0x4400] =	vst v63  }
0x8e: {  	_ =	swait.ge [sflag:s0], $0x200  }
0x8f: {  	s11 =	sld [smem:$0x7DD]  }
0x90: {  	[sflag:s0] =	ssyncset.done $0x0  }
0x91: {  	s6 =	simm.s32 $0x4200;
	[sflag:s0] =	ssyncadd.s32 $0xFFFFFE00  }
0x92: {  	[hbm4b:s11+s2] =	stream.linear.scatter [tilespmem:s6], [sflag:$0x3], $0x200, $0x38;
	[tilespmem:$0x4400] =	vst v63  }
0x93: {  	_ =	swait.ge [sflag:s3], $0x200  }
0x94: {  	[sflag:s3] =	ssyncset.done $0x0  }
0x95: {  	[sflag:s3] =	ssyncadd.s32 $0xFFFFFE00  }
0x96: {  	_ =	swait.ge [sflag:s5], $0x200  }
0x97: {  	s6 =	sld [smem:$0x7DE]  }
0x98: {  	[sflag:s5] =	ssyncset.done $0x0  }
0x99: {  	[sflag:s5] =	ssyncadd.s32 $0xFFFFFE00  }
0x9a: {  	[hbm4b:s6+s2] =	stream.linear.scatter [tilespmem:s8], [sflag:$0x3], $0x200, $0x38;
	[tilespmem:$0x4400] =	vst v63  }
0x9b: {  	_ =	swait.ge [sflag:s3], $0x200  }
0x9c: {  	[sflag:s3] =	ssyncset.done $0x0  }
0x9d: {  	[sflag:s3] =	ssyncadd.s32 $0xFFFFFE00  }
0x9e: {  	_ =	swait.ge [sflag:s5], $0x200  }
0x9f: {  	s0 =	sld [smem:$0x7DF]  }
0xa0: {  	[sflag:s5] =	ssyncset.done $0x0  }
0xa1: {  	[sflag:s5] =	ssyncadd.s32 $0xFFFFFE00  }
0xa2: {  	[hbm4b:s0+s2] =	stream.linear.scatter [tilespmem:s1], [sflag:$0x3], $0x200, $0x38;
	[tilespmem:$0x4400] =	vst v63  }
0xa3: {  	_ =	swait.ge [sflag:s3], $0x200  }
0xa4: {  	[sflag:s3] =	ssyncset.done $0x0  }
0xa5: {  	[sflag:s3] =	ssyncadd.s32 $0xFFFFFE00  }
0xa6: {  	_ =	swait.ge [sflag:s5], $0x200  }
0xa7: {  	s6 =	sld [smem:$0x7E0]  }
0xa8: {  	[sflag:s5] =	ssyncset.done $0x0  }
0xa9: {  	[sflag:s5] =	ssyncadd.s32 $0xFFFFFE00  }
0xaa: {  	[hbm4b:s6+s2] =	stream.linear.scatter [tilespmem:s29], [sflag:$0x3], $0x200, $0x38;
	[tilespmem:$0x4400] =	vst v63  }
0xab: {  	_ =	swait.ge [sflag:s3], $0x200  }
0xac: {  	[sflag:s3] =	ssyncset.done $0x0  }
0xad: {  	[sflag:s3] =	ssyncadd.s32 $0xFFFFFE00  }
0xae: {  	_ =	swait.ge [sflag:s5], $0x200  }
0xaf: {  	s29 =	sld [smem:$0x7E1]  }
0xb0: {  	[sflag:s5] =	ssyncset.done $0x0  }
0xb1: {  	[sflag:s5] =	ssyncadd.s32 $0xFFFFFE00  }
0xb2: {  	[hbm4b:s29+s2] =	stream.linear.scatter [tilespmem:s31], [sflag:$0x3], $0x200, $0x38;
	[tilespmem:$0x4400] =	vst v63  }
0xb3: {  	_ =	swait.ge [sflag:s3], $0x200  }
0xb4: {  	[sflag:s3] =	ssyncset.done $0x0  }
0xb5: {  	[sflag:s3] =	ssyncadd.s32 $0xFFFFFE00  }
0xb6: {  	_ =	swait.ge [sflag:s5], $0x200  }
0xb7: {  	s0 =	sld [smem:$0x7E2]  }
0xb8: {  	[sflag:s5] =	ssyncset.done $0x0  }
0xb9: {  	[sflag:s5] =	ssyncadd.s32 $0xFFFFFE00  }
0xba: {  	[hbm4b:s0+s2] =	stream.linear.scatter [tilespmem:s9], [sflag:$0x3], $0x200, $0x38;
	[tilespmem:$0x4400] =	vst v63  }
0xbb: {  	_ =	swait.ge [sflag:s3], $0x200  }
0xbc: {  	[sflag:s3] =	ssyncset.done $0x0  }
0xbd: {  	[sflag:s3] =	ssyncadd.s32 $0xFFFFFE00  }
0xbe: {  	_ =	swait.ge [sflag:s5], $0x200  }
0xbf: {  	s1 =	sld [smem:$0x7E3]  }
0xc0: {  	[sflag:s5] =	ssyncset.done $0x0  }
0xc1: {  	[sflag:s5] =	ssyncadd.s32 $0xFFFFFE00  }
0xc2: {  	[hbm4b:s1+s2] =	stream.linear.scatter [tilespmem:s17], [sflag:$0x3], $0x200, $0x38;
	[tilespmem:$0x4400] =	vst v63  }
0xc3: {  	_ =	swait.ge [sflag:s3], $0x200  }
0xc4: {  	[sflag:s3] =	ssyncset.done $0x0  }
0xc5: {  	[sflag:s3] =	ssyncadd.s32 $0xFFFFFE00  }
0xc6: {  	_ =	swait.ge [sflag:s5], $0x200  }
0xc7: {  	s6 =	sld [smem:$0x7E4]  }
0xc8: {  	[sflag:s5] =	ssyncset.done $0x0  }
0xc9: {  	[sflag:s5] =	ssyncadd.s32 $0xFFFFFE00  }
0xca: {  	[hbm4b:s6+s2] =	stream.linear.scatter [tilespmem:s7], [sflag:$0x3], $0x200, $0x38;
	[tilespmem:$0x4400] =	vst v63  }
0xcb: {  	_ =	swait.ge [sflag:s3], $0x200  }
0xcc: {  	[sflag:s3] =	ssyncset.done $0x0  }
0xcd: {  	[sflag:s3] =	ssyncadd.s32 $0xFFFFFE00  }
0xce: {  	_ =	swait.ge [sflag:s5], $0x200  }
0xcf: {  	s7 =	sld [smem:$0x7E5]  }
0xd0: {  	[sflag:s5] =	ssyncset.done $0x0  }
0xd1: {  	[sflag:s5] =	ssyncadd.s32 $0xFFFFFE00  }
0xd2: {  	[hbm4b:s7+s2] =	stream.linear.scatter [tilespmem:s19], [sflag:$0x3], $0x200, $0x38;
	[tilespmem:$0x4400] =	vst v63  }
0xd3: {  	_ =	swait.ge [sflag:s3], $0x200  }
0xd4: {  	[sflag:s3] =	ssyncset.done $0x0  }
0xd5: {  	[sflag:s3] =	ssyncadd.s32 $0xFFFFFE00  }
0xd6: {  	_ =	swait.ge [sflag:s5], $0x200  }
0xd7: {  	s9 =	sld [smem:$0x7E6]  }
0xd8: {  	[sflag:s5] =	ssyncset.done $0x0  }
0xd9: {  	[sflag:s5] =	ssyncadd.s32 $0xFFFFFE00  }
0xda: {  	[hbm4b:s9+s2] =	stream.linear.scatter [tilespmem:s14], [sflag:$0x3], $0x200, $0x38;
	[tilespmem:$0x4400] =	vst v63  }
0xdb: {  	_ =	swait.ge [sflag:s3], $0x200  }
0xdc: {  	[sflag:s3] =	ssyncset.done $0x0  }
0xdd: {  	[sflag:s3] =	ssyncadd.s32 $0xFFFFFE00  }
0xde: {  	_ =	swait.ge [sflag:s5], $0x200  }
0xdf: {  	s14 =	sld [smem:$0x7E7]  }
0xe0: {  	[sflag:s5] =	ssyncset.done $0x0  }
0xe1: {  	[sflag:s5] =	ssyncadd.s32 $0xFFFFFE00  }
0xe2: {  	[hbm4b:s14+s2] =	stream.linear.scatter [tilespmem:s21], [sflag:$0x3], $0x200, $0x38;
	[tilespmem:$0x4400] =	vst v63  }
0xe3: {  	_ =	swait.ge [sflag:s3], $0x200  }
0xe4: {  	[sflag:s3] =	ssyncset.done $0x0  }
0xe5: {  	[sflag:s3] =	ssyncadd.s32 $0xFFFFFE00  }
0xe6: {  	_ =	swait.ge [sflag:s5], $0x200  }
0xe7: {  	s17 =	sld [smem:$0x7E8]  }
0xe8: {  	[sflag:s5] =	ssyncset.done $0x0  }
0xe9: {  	[sflag:s5] =	ssyncadd.s32 $0xFFFFFE00  }
0xea: {  	[hbm4b:s17+s2] =	stream.linear.scatter [tilespmem:s30], [sflag:$0x3], $0x200, $0x38;
	[tilespmem:$0x4400] =	vst v63  }
0xeb: {  	_ =	swait.ge [sflag:s3], $0x200  }
0xec: {  	[sflag:s3] =	ssyncset.done $0x0  }
0xed: {  	[sflag:s3] =	ssyncadd.s32 $0xFFFFFE00  }
0xee: {  	_ =	swait.ge [sflag:s5], $0x200  }
0xef: {  	s19 =	sld [smem:$0x7E9]  }
0xf0: {  	[sflag:s5] =	ssyncset.done $0x0  }
0xf1: {  	[sflag:s5] =	ssyncadd.s32 $0xFFFFFE00  }
0xf2: {  	[hbm4b:s19+s2] =	stream.linear.scatter [tilespmem:s26], [sflag:$0x3], $0x200, $0x38;
	[tilespmem:$0x4400] =	vst v63  }
0xf3: {  	_ =	swait.ge [sflag:s3], $0x200  }
0xf4: {  	[sflag:s3] =	ssyncset.done $0x0  }
0xf5: {  	[sflag:s3] =	ssyncadd.s32 $0xFFFFFE00  }
0xf6: {  	_ =	swait.ge [sflag:s5], $0x200  }
0xf7: {  	s21 =	sld [smem:$0x7EA]  }
0xf8: {  	[sflag:s5] =	ssyncset.done $0x0  }
0xf9: {  	[sflag:s5] =	ssyncadd.s32 $0xFFFFFE00  }
0xfa: {  	[hbm4b:s21+s2] =	stream.linear.scatter [tilespmem:s4], [sflag:$0x3], $0x200, $0x38;
	[tilespmem:$0x4400] =	vst v63  }
0xfb: {  	_ =	swait.ge [sflag:s3], $0x200  }
0xfc: {  	[sflag:s3] =	ssyncset.done $0x0  }
0xfd: {  	[sflag:s3] =	ssyncadd.s32 $0xFFFFFE00  }
0xfe: {  	_ =	swait.ge [sflag:s5], $0x200  }
0xff: {  	s26 =	sld [smem:$0x7EB]  }
0x100: {  	[sflag:s5] =	ssyncset.done $0x0  }
0x101: {  	[sflag:s5] =	ssyncadd.s32 $0xFFFFFE00  }
0x102: {  	[hbm4b:s26+s2] =	stream.linear.scatter [tilespmem:s13], [sflag:$0x3], $0x200, $0x38;
	[tilespmem:$0x4400] =	vst v63  }
0x103: {  	_ =	swait.ge [sflag:s3], $0x200  }
0x104: {  	[sflag:s3] =	ssyncset.done $0x0  }
0x105: {  	[sflag:s3] =	ssyncadd.s32 $0xFFFFFE00  }
0x106: {  	_ =	swait.ge [sflag:s5], $0x200  }
0x107: {  	s29 =	sld [smem:$0x7EC]  }
0x108: {  	[sflag:s5] =	ssyncset.done $0x0  }
0x109: {  	[sflag:s5] =	ssyncadd.s32 $0xFFFFFE00  }
0x10a: {  	[hbm4b:s29+s2] =	stream.linear.scatter [tilespmem:s23], [sflag:$0x3], $0x200, $0x38;
	[tilespmem:$0x4400] =	vst v63  }
0x10b: {  	_ =	swait.ge [sflag:s3], $0x200  }
0x10c: {  	[sflag:s3] =	ssyncset.done $0x0  }
0x10d: {  	[sflag:s3] =	ssyncadd.s32 $0xFFFFFE00  }
0x10e: {  	_ =	swait.ge [sflag:s5], $0x200  }
0x10f: {  	s30 =	sld [smem:$0x7ED]  }
0x110: {  	[sflag:s5] =	ssyncset.done $0x0  }
0x111: {  	[sflag:s5] =	ssyncadd.s32 $0xFFFFFE00  }
0x112: {  	[hbm4b:s30+s2] =	stream.linear.scatter [tilespmem:s15], [sflag:$0x3], $0x200, $0x38;
	[tilespmem:$0x4400] =	vst v63  }
0x113: {  	_ =	swait.ge [sflag:s3], $0x200  }
0x114: {  	[sflag:s3] =	ssyncset.done $0x0  }
0x115: {  	[sflag:s3] =	ssyncadd.s32 $0xFFFFFE00  }
0x116: {  	_ =	swait.ge [sflag:s5], $0x200  }
0x117: {  	s31 =	sld [smem:$0x7EE]  }
0x118: {  	[sflag:s5] =	ssyncset.done $0x0  }
0x119: {  	[sflag:s5] =	ssyncadd.s32 $0xFFFFFE00  }
0x11a: {  	[hbm4b:s31+s2] =	stream.linear.scatter [tilespmem:s18], [sflag:$0x3], $0x200, $0x38;
	[tilespmem:$0x4400] =	vst v63  }
0x11b: {  	_ =	swait.ge [sflag:s3], $0x200  }
0x11c: {  	[sflag:s3] =	ssyncset.done $0x0  }
0x11d: {  	[sflag:s3] =	ssyncadd.s32 $0xFFFFFE00  }
0x11e: {  	_ =	swait.ge [sflag:s5], $0x200  }
0x11f: {  	s0 =	sld [smem:$0x7EF]  }
0x120: {  	[sflag:s5] =	ssyncset.done $0x0  }
0x121: {  	[sflag:s5] =	ssyncadd.s32 $0xFFFFFE00  }
0x122: {  	[hbm4b:s0+s2] =	stream.linear.scatter [tilespmem:s20], [sflag:$0x3], $0x200, $0x38;
	[tilespmem:$0x4400] =	vst v63  }
0x123: {  	_ =	swait.ge [sflag:s3], $0x200  }
0x124: {  	[sflag:s3] =	ssyncset.done $0x0  }
0x125: {  	[sflag:s3] =	ssyncadd.s32 $0xFFFFFE00  }
0x126: {  	_ =	swait.ge [sflag:s5], $0x200  }
0x127: {  	s1 =	sld [smem:$0x7F0]  }
0x128: {  	[sflag:s5] =	ssyncset.done $0x0  }
0x129: {  	[sflag:s5] =	ssyncadd.s32 $0xFFFFFE00  }
0x12a: {  	[hbm4b:s1+s2] =	stream.linear.scatter [tilespmem:s16], [sflag:$0x3], $0x200, $0x38;
	[tilespmem:$0x4400] =	vst v63  }
0x12b: {  	_ =	swait.ge [sflag:s3], $0x200  }
0x12c: {  	[sflag:s3] =	ssyncset.done $0x0  }
0x12d: {  	[sflag:s3] =	ssyncadd.s32 $0xFFFFFE00  }
0x12e: {  	_ =	swait.ge [sflag:s5], $0x200  }
0x12f: {  	s4 =	sld [smem:$0x7F1]  }
0x130: {  	[sflag:s5] =	ssyncset.done $0x0  }
0x131: {  	[sflag:s5] =	ssyncadd.s32 $0xFFFFFE00  }
0x132: {  	[hbm4b:s4+s2] =	stream.linear.scatter [tilespmem:s22], [sflag:$0x3], $0x200, $0x38;
	[tilespmem:$0x4400] =	vst v63  }
0x133: {  	_ =	swait.ge [sflag:s3], $0x200  }
0x134: {  	[sflag:s3] =	ssyncset.done $0x0  }
0x135: {  	[sflag:s3] =	ssyncadd.s32 $0xFFFFFE00  }
0x136: {  	_ =	swait.ge [sflag:s5], $0x200  }
0x137: {  	s6 =	sld [smem:$0x7F2]  }
0x138: {  	[sflag:s5] =	ssyncset.done $0x0  }
0x139: {  	[sflag:s5] =	ssyncadd.s32 $0xFFFFFE00  }
0x13a: {  	[hbm4b:s6+s2] =	stream.linear.scatter [tilespmem:s24], [sflag:$0x3], $0x200, $0x38;
	[tilespmem:$0x4400] =	vst v63  }
0x13b: {  	_ =	swait.ge [sflag:s3], $0x200  }
0x13c: {  	[sflag:s3] =	ssyncset.done $0x0  }
0x13d: {  	[sflag:s3] =	ssyncadd.s32 $0xFFFFFE00  }
0x13e: {  	_ =	swait.ge [sflag:s5], $0x200  }
0x13f: {  	s7 =	sld [smem:$0x7F3]  }
0x140: {  	[sflag:s5] =	ssyncset.done $0x0  }
0x141: {  	[sflag:s5] =	ssyncadd.s32 $0xFFFFFE00  }
0x142: {  	[hbm4b:s7+s2] =	stream.linear.scatter [tilespmem:s28], [sflag:$0x3], $0x200, $0x38;
	[tilespmem:$0x4400] =	vst v63  }
0x143: {  	_ =	swait.ge [sflag:s3], $0x200  }
0x144: {  	[sflag:s3] =	ssyncset.done $0x0  }
0x145: {  	[sflag:s3] =	ssyncadd.s32 $0xFFFFFE00  }
0x146: {  	_ =	swait.ge [sflag:s5], $0x200  }
0x147: {  	s9 =	sld [smem:$0x7F4]  }
0x148: {  	[sflag:s5] =	ssyncset.done $0x0  }
0x149: {  	s13 =	simm.s32 $0x2E00;
	[sflag:s5] =	ssyncadd.s32 $0xFFFFFE00  }
0x14a: {  	[hbm4b:s9+s2] =	stream.linear.scatter [tilespmem:s13], [sflag:$0x3], $0x200, $0x38;
	[tilespmem:$0x4400] =	vst v63  }
0x14b: {  	_ =	swait.ge [sflag:s3], $0x200  }
0x14c: {  	[sflag:s3] =	ssyncset.done $0x0  }
0x14d: {  	[sflag:s3] =	ssyncadd.s32 $0xFFFFFE00  }
0x14e: {  	_ =	swait.ge [sflag:s5], $0x200  }
0x14f: {  	s14 =	sld [smem:$0x7F5]  }
0x150: {  	[sflag:s5] =	ssyncset.done $0x0  }
0x151: {  	s15 =	simm.s32 $0x3000;
	[sflag:s5] =	ssyncadd.s32 $0xFFFFFE00  }
0x152: {  	[hbm4b:s14+s2] =	stream.linear.scatter [tilespmem:s15], [sflag:$0x3], $0x200, $0x38;
	[tilespmem:$0x4400] =	vst v63  }
0x153: {  	_ =	swait.ge [sflag:s3], $0x200  }
0x154: {  	[sflag:s3] =	ssyncset.done $0x0  }
0x155: {  	[sflag:s3] =	ssyncadd.s32 $0xFFFFFE00  }
0x156: {  	_ =	swait.ge [sflag:s5], $0x200  }
0x157: {  	s16 =	sld [smem:$0x7F6]  }
0x158: {  	[sflag:s5] =	ssyncset.done $0x0  }
0x159: {  	s17 =	simm.s32 $0x3200;
	[sflag:s5] =	ssyncadd.s32 $0xFFFFFE00  }
0x15a: {  	[hbm4b:s16+s2] =	stream.linear.scatter [tilespmem:s17], [sflag:$0x3], $0x200, $0x38;
	[tilespmem:$0x4400] =	vst v63  }
0x15b: {  	_ =	swait.ge [sflag:s3], $0x200  }
0x15c: {  	[sflag:s3] =	ssyncset.done $0x0  }
0x15d: {  	[sflag:s3] =	ssyncadd.s32 $0xFFFFFE00  }
0x15e: {  	_ =	swait.ge [sflag:s5], $0x200  }
0x15f: {  	s18 =	sld [smem:$0x7F7]  }
0x160: {  	[sflag:s5] =	ssyncset.done $0x0  }
0x161: {  	s19 =	simm.s32 $0x3400;
	[sflag:s5] =	ssyncadd.s32 $0xFFFFFE00  }
0x162: {  	[hbm4b:s18+s2] =	stream.linear.scatter [tilespmem:s19], [sflag:$0x3], $0x200, $0x38;
	[tilespmem:$0x4400] =	vst v63  }
0x163: {  	_ =	swait.ge [sflag:s3], $0x200  }
0x164: {  	[sflag:s3] =	ssyncset.done $0x0  }
0x165: {  	[sflag:s3] =	ssyncadd.s32 $0xFFFFFE00  }
0x166: {  	_ =	swait.ge [sflag:s5], $0x200  }
0x167: {  	s20 =	sld [smem:$0x7F8]  }
0x168: {  	[sflag:s5] =	ssyncset.done $0x0  }
0x169: {  	s21 =	simm.s32 $0x3600;
	[sflag:s5] =	ssyncadd.s32 $0xFFFFFE00  }
0x16a: {  	[hbm4b:s20+s2] =	stream.linear.scatter [tilespmem:s21], [sflag:$0x3], $0x200, $0x38;
	[tilespmem:$0x4400] =	vst v63  }
0x16b: {  	_ =	swait.ge [sflag:s3], $0x200  }
0x16c: {  	[sflag:s3] =	ssyncset.done $0x0  }
0x16d: {  	[sflag:s3] =	ssyncadd.s32 $0xFFFFFE00  }
0x16e: {  	_ =	swait.ge [sflag:s5], $0x200  }
0x16f: {  	s22 =	sld [smem:$0x7F9]  }
0x170: {  	[sflag:s5] =	ssyncset.done $0x0  }
0x171: {  	s23 =	simm.s32 $0x3800;
	[sflag:s5] =	ssyncadd.s32 $0xFFFFFE00  }
0x172: {  	[hbm4b:s22+s2] =	stream.linear.scatter [tilespmem:s23], [sflag:$0x3], $0x200, $0x38;
	[tilespmem:$0x4400] =	vst v63  }
0x173: {  	_ =	swait.ge [sflag:s3], $0x200  }
0x174: {  	[sflag:s3] =	ssyncset.done $0x0  }
0x175: {  	[sflag:s3] =	ssyncadd.s32 $0xFFFFFE00  }
0x176: {  	_ =	swait.ge [sflag:s5], $0x200  }
0x177: {  	s24 =	sld [smem:$0x7FA]  }
0x178: {  	[sflag:s5] =	ssyncset.done $0x0  }
0x179: {  	s26 =	simm.s32 $0x3A00;
	[sflag:s5] =	ssyncadd.s32 $0xFFFFFE00  }
0x17a: {  	[hbm4b:s24+s2] =	stream.linear.scatter [tilespmem:s26], [sflag:$0x3], $0x200, $0x38;
	[tilespmem:$0x4400] =	vst v63  }
0x17b: {  	_ =	swait.ge [sflag:s3], $0x200  }
0x17c: {  	[sflag:s3] =	ssyncset.done $0x0  }
0x17d: {  	[sflag:s3] =	ssyncadd.s32 $0xFFFFFE00  }
0x17e: {  	_ =	swait.ge [sflag:s5], $0x200  }
0x17f: {  	s28 =	sld [smem:$0x7FB]  }
0x180: {  	[sflag:s5] =	ssyncset.done $0x0  }
0x181: {  	s29 =	simm.s32 $0x3C00;
	[sflag:s5] =	ssyncadd.s32 $0xFFFFFE00  }
0x182: {  	[hbm4b:s28+s2] =	stream.linear.scatter [tilespmem:s29], [sflag:$0x3], $0x200, $0x38;
	[tilespmem:$0x4400] =	vst v63  }
0x183: {  	_ =	swait.ge [sflag:s3], $0x200  }
0x184: {  	[sflag:s3] =	ssyncset.done $0x0  }
0x185: {  	[sflag:s3] =	ssyncadd.s32 $0xFFFFFE00  }
0x186: {  	_ =	swait.ge [sflag:s5], $0x200  }
0x187: {  	s30 =	sld [smem:$0x7FC]  }
0x188: {  	[sflag:s5] =	ssyncset.done $0x0  }
0x189: {  	s25 =	simm.s32 $0x3E00;
	[sflag:s5] =	ssyncadd.s32 $0xFFFFFE00  }
0x18a: {  	[hbm4b:s30+s2] =	stream.linear.scatter [tilespmem:s25], [sflag:$0x3], $0x200, $0x38;
	[tilespmem:$0x4400] =	vst v63  }
0x18b: {  	_ =	swait.ge [sflag:s3], $0x200  }
0x18c: {  	[sflag:s3] =	ssyncset.done $0x0  }
0x18d: {  	[sflag:s3] =	ssyncadd.s32 $0xFFFFFE00  }
0x18e: {  	_ =	swait.ge [sflag:s5], $0x200  }
0x18f: {  	p1 =	sne.s32 s10, $0x1;
	s31 =	sld [smem:$0x7FD]  }
.Ltmp1:
0x190: {  	[sflag:s5] =	ssyncset.done $0x0;
	(pc) =	sbr.rel @!p1 .LBB2_6-.Ltmp1, $4  }
0x191: {  	s12 =	simm.s32 $0x4000;
	[sflag:s5] =	ssyncadd.s32 $0xFFFFFE00  }
0x192: {  	[hbm4b:s31+s2] =	stream.linear.scatter [tilespmem:s12], [sflag:$0x3], $0x200, $0x38;
	[tilespmem:$0x4400] =	vst v63  }
0x193: {  	p0 =	por $0x1, $0x1;
	_ =	swait.ge [sflag:s3], $0x200  }
0x194: {  	s11 =	sadd.s32 $0xFFFFFFFF, s10;
	s12 =	rddreg [dreg:$0x5];
	[sflag:s3] =	ssyncset.done $0x0  }
0x195: {  	s1 =	simm.s32 $0x4200;
	s4 =	simm.s32 $0x400  }
0x196: {  	s29 =	simm.s32 $0x600;
	s31 =	simm.s32 $0x800;
	s9 =	simm.s32 $0xA00  }
0x197: {  	s17 =	simm.s32 $0xC00;
	s7 =	simm.s32 $0xE00;
	s19 =	simm.s32 $0x1000  }
0x198: {  	s6 =	simm.s32 $0x1200;
	s21 =	simm.s32 $0x1400;
	s30 =	simm.s32 $0x1600  }
0x199: {  	s26 =	simm.s32 $0x1800;
	s10 =	simm.s32 $0x1A00;
	s14 =	simm.s32 $0x1C00  }
0x19a: {  	s23 =	simm.s32 $0x1E00;
	s15 =	simm.s32 $0x2000;
	s18 =	simm.s32 $0x2200  }
0x19b: {  	s20 =	simm.s32 $0x2400;
	s16 =	simm.s32 $0x2600;
	s22 =	simm.s32 $0x2800  }
0x19c: {  	s24 =	simm.s32 $0x2A00;
	s28 =	simm.s32 $0x2C00;
	s25 =	simm.s32 $0x2E00  }
.LBB2_3:
0x19d: {  	[sflag:s3] =	ssyncadd.s32 $0xFFFFFE00  }
0x19e: {  	[tilespmem:s2], [sflag:$0x3] =	stream.linear.gather [hbm4b:s12+s2], $0x200, $0x38;
	[tilespmem:$0x4400] =	vst v63  }
0x19f: {  	_ =	swait.ge [sflag:s3], $0x200  }
0x1a0: {  	s13 =	rddreg [dreg:$0x4];
	[sflag:s3] =	ssyncset.done $0x0  }
0x1a1: {  	s12 =	rddreg [dreg:$0x6];
	[sflag:s3] =	ssyncadd.s32 $0xFFFFFE00  }
0x1a2: {  	[tilespmem:s1], [sflag:$0x2] =	stream.indirect.gather [hbm4b:s13+s8], $0x1, s2, s8, $0xb8;
	[tilespmem:$0x4400] =	vst v63  }
0x1a3: {  	s0 =	rddreg [dreg:$0x1]  }
0x1a4: {  	[tilespmem:s8], [sflag:$0x1] =	stream.indirect.gather [hbm4b:s0+s8], $0x1, s2, s8, $0xb8;
	[tilespmem:$0x4400] =	vst v63  }
0x1a5: {  	s13 =	rddreg [dreg:$0x7]  }
0x1a6: {  	[tilespmem:s4], [sflag:$0x1] =	stream.indirect.gather [hbm4b:s12+s8], $0x1, s2, s8, $0xb8;
	[tilespmem:$0x4400] =	vst v63  }
0x1a7: {  	s0 =	rddreg [dreg:$0x9]  }
0x1a8: {  	[tilespmem:s29], [sflag:$0x1] =	stream.indirect.gather [hbm4b:s13+s8], $0x1, s2, s8, $0xb8;
	[tilespmem:$0x4400] =	vst v63  }
0x1a9: {  	s12 =	rddreg [dreg:$0x8]  }
0x1aa: {  	[tilespmem:s31], [sflag:$0x1] =	stream.indirect.gather [hbm4b:s12+s8], $0x1, s2, s8, $0xb8;
	[tilespmem:$0x4400] =	vst v63  }
0x1ab: {  	s13 =	rddreg [dreg:$0x1d]  }
0x1ac: {  	[tilespmem:s9], [sflag:$0x1] =	stream.indirect.gather [hbm4b:s0+s8], $0x1, s2, s8, $0xb8;
	[tilespmem:$0x4400] =	vst v63  }
0x1ad: {  	s12 =	rddreg [dreg:$0xa]  }
0x1ae: {  	[tilespmem:s17], [sflag:$0x1] =	stream.indirect.gather [hbm4b:s12+s8], $0x1, s2, s8, $0xb8;
	[tilespmem:$0x4400] =	vst v63  }
0x1af: {  	s0 =	rddreg [dreg:$0xb]  }
0x1b0: {  	[tilespmem:s7], [sflag:$0x1] =	stream.indirect.gather [hbm4b:s0+s8], $0x1, s2, s8, $0xb8;
	[tilespmem:$0x4400] =	vst v63  }
0x1b1: {  	s12 =	rddreg [dreg:$0xc]  }
0x1b2: {  	[tilespmem:s19], [sflag:$0x1] =	stream.indirect.gather [hbm4b:s12+s8], $0x1, s2, s8, $0xb8;
	[tilespmem:$0x4400] =	vst v63  }
0x1b3: {  	s0 =	rddreg [dreg:$0xd]  }
0x1b4: {  	[tilespmem:s6], [sflag:$0x1] =	stream.indirect.gather [hbm4b:s0+s8], $0x1, s2, s8, $0xb8;
	[tilespmem:$0x4400] =	vst v63  }
0x1b5: {  	s12 =	rddreg [dreg:$0xe]  }
0x1b6: {  	[tilespmem:s21], [sflag:$0x1] =	stream.indirect.gather [hbm4b:s12+s8], $0x1, s2, s8, $0xb8;
	[tilespmem:$0x4400] =	vst v63  }
0x1b7: {  	s0 =	rddreg [dreg:$0xf]  }
0x1b8: {  	[tilespmem:s30], [sflag:$0x1] =	stream.indirect.gather [hbm4b:s0+s8], $0x1, s2, s8, $0xb8;
	[tilespmem:$0x4400] =	vst v63  }
0x1b9: {  	s12 =	rddreg [dreg:$0x10]  }
0x1ba: {  	[tilespmem:s26], [sflag:$0x1] =	stream.indirect.gather [hbm4b:s12+s8], $0x1, s2, s8, $0xb8;
	[tilespmem:$0x4400] =	vst v63  }
0x1bb: {  	s0 =	rddreg [dreg:$0x11]  }
0x1bc: {  	[tilespmem:s10], [sflag:$0x1] =	stream.indirect.gather [hbm4b:s0+s8], $0x1, s2, s8, $0xb8;
	[tilespmem:$0x4400] =	vst v63  }
0x1bd: {  	s12 =	rddreg [dreg:$0x12]  }
0x1be: {  	[tilespmem:s14], [sflag:$0x1] =	stream.indirect.gather [hbm4b:s12+s8], $0x1, s2, s8, $0xb8;
	[tilespmem:$0x4400] =	vst v63  }
0x1bf: {  	s0 =	rddreg [dreg:$0x13]  }
0x1c0: {  	[tilespmem:s23], [sflag:$0x1] =	stream.indirect.gather [hbm4b:s0+s8], $0x1, s2, s8, $0xb8;
	[tilespmem:$0x4400] =	vst v63  }
0x1c1: {  	s12 =	rddreg [dreg:$0x14]  }
0x1c2: {  	[tilespmem:s15], [sflag:$0x1] =	stream.indirect.gather [hbm4b:s12+s8], $0x1, s2, s8, $0xb8;
	[tilespmem:$0x4400] =	vst v63  }
0x1c3: {  	s0 =	rddreg [dreg:$0x15]  }
0x1c4: {  	[tilespmem:s18], [sflag:$0x1] =	stream.indirect.gather [hbm4b:s0+s8], $0x1, s2, s8, $0xb8;
	[tilespmem:$0x4400] =	vst v63  }
0x1c5: {  	s12 =	rddreg [dreg:$0x16]  }
0x1c6: {  	[tilespmem:s20], [sflag:$0x1] =	stream.indirect.gather [hbm4b:s12+s8], $0x1, s2, s8, $0xb8;
	[tilespmem:$0x4400] =	vst v63  }
0x1c7: {  	s0 =	rddreg [dreg:$0x17]  }
0x1c8: {  	[tilespmem:s16], [sflag:$0x1] =	stream.indirect.gather [hbm4b:s0+s8], $0x1, s2, s8, $0xb8;
	[tilespmem:$0x4400] =	vst v63  }
0x1c9: {  	s12 =	rddreg [dreg:$0x18]  }
0x1ca: {  	[tilespmem:s22], [sflag:$0x1] =	stream.indirect.gather [hbm4b:s12+s8], $0x1, s2, s8, $0xb8;
	[tilespmem:$0x4400] =	vst v63  }
0x1cb: {  	s0 =	rddreg [dreg:$0x19]  }
0x1cc: {  	[tilespmem:s24], [sflag:$0x1] =	stream.indirect.gather [hbm4b:s0+s8], $0x1, s2, s8, $0xb8;
	[tilespmem:$0x4400] =	vst v63  }
0x1cd: {  	s12 =	rddreg [dreg:$0x1a]  }
0x1ce: {  	[tilespmem:s28], [sflag:$0x1] =	stream.indirect.gather [hbm4b:s12+s8], $0x1, s2, s8, $0xb8;
	[tilespmem:$0x4400] =	vst v63  }
0x1cf: {  	s0 =	rddreg [dreg:$0x1b]  }
0x1d0: {  	[tilespmem:s25], [sflag:$0x1] =	stream.indirect.gather [hbm4b:s0+s8], $0x1, s2, s8, $0xb8;
	[tilespmem:$0x4400] =	vst v63  }
0x1d1: {  	s12 =	rddreg [dreg:$0x1c];
	s0 =	simm.s32 $0x3000  }
0x1d2: {  	[tilespmem:s0], [sflag:$0x1] =	stream.indirect.gather [hbm4b:s12+s8], $0x1, s2, s8, $0xb8;
	[tilespmem:$0x4400] =	vst v63  }
0x1d3: {  	s12 =	rddreg [dreg:$0x1e];
	s0 =	simm.s32 $0x3200  }
0x1d4: {  	[tilespmem:s0], [sflag:$0x1] =	stream.indirect.gather [hbm4b:s13+s8], $0x1, s2, s8, $0xb8;
	[tilespmem:$0x4400] =	vst v63  }
0x1d5: {  	s13 =	rddreg [dreg:$0x1f];
	s0 =	simm.s32 $0x3400  }
0x1d6: {  	[tilespmem:s0], [sflag:$0x1] =	stream.indirect.gather [hbm4b:s12+s8], $0x1, s2, s8, $0xb8;
	[tilespmem:$0x4400] =	vst v63  }
0x1d7: {  	s12 =	sld [smem:$0x7D8];
	s0 =	simm.s32 $0x3600  }
0x1d8: {  	[tilespmem:s0], [sflag:$0x1] =	stream.indirect.gather [hbm4b:s13+s8], $0x1, s2, s8, $0xb8;
	[tilespmem:$0x4400] =	vst v63  }
0x1d9: {  	s13 =	sld [smem:$0x7D9];
	s0 =	simm.s32 $0x3800  }
0x1da: {  	[tilespmem:s0], [sflag:$0x1] =	stream.indirect.gather [hbm4b:s12+s8], $0x1, s2, s8, $0xb8;
	[tilespmem:$0x4400] =	vst v63  }
0x1db: {  	s12 =	sld [smem:$0x7DA];
	s0 =	simm.s32 $0x3A00  }
0x1dc: {  	[tilespmem:s0], [sflag:$0x1] =	stream.indirect.gather [hbm4b:s13+s8], $0x1, s2, s8, $0xb8;
	[tilespmem:$0x4400] =	vst v63  }
0x1dd: {  	s13 =	sld [smem:$0x7DB];
	s0 =	simm.s32 $0x3C00  }
0x1de: {  	[tilespmem:s0], [sflag:$0x1] =	stream.indirect.gather [hbm4b:s12+s8], $0x1, s2, s8, $0xb8;
	[tilespmem:$0x4400] =	vst v63  }
0x1df: {  	s12 =	sld [smem:$0x7DC];
	s0 =	simm.s32 $0x3E00  }
0x1e0: {  	[tilespmem:s0], [sflag:$0x1] =	stream.indirect.gather [hbm4b:s13+s8], $0x1, s2, s8, $0xb8;
	[tilespmem:$0x4400] =	vst v63  }
0x1e1: {  	s13 =	simm.s32 $0x4000;
	s0 =	simm.s32 $0x2  }
0x1e2: {  	[tilespmem:s13], [sflag:$0x1] =	stream.indirect.gather [hbm4b:s12+s8], $0x1, s2, s8, $0xb8;
	[tilespmem:$0x4400] =	vst v63  }
0x1e3: {  	_ =	swait.ge [sflag:s0], $0x200  }
0x1e4: {  	s12 =	sld [smem:$0x7DD]  }
0x1e5: {  	[sflag:s0] =	ssyncset.done $0x0  }
0x1e6: {  	[sflag:s0] =	ssyncadd.s32 $0xFFFFFE00  }
0x1e7: {  	[hbm4b:s12+s2] =	stream.linear.scatter [tilespmem:s1], [sflag:$0x3], $0x200, $0x38;
	[tilespmem:$0x4400] =	vst v63  }
0x1e8: {  	_ =	swait.ge [sflag:s3], $0x200  }
0x1e9: {  	[sflag:s3] =	ssyncset.done $0x0  }
0x1ea: {  	[sflag:s3] =	ssyncadd.s32 $0xFFFFFE00  }
0x1eb: {  	_ =	swait.ge [sflag:s5], $0x200  }
0x1ec: {  	s0 =	sld [smem:$0x7DE]  }
0x1ed: {  	[sflag:s5] =	ssyncset.done $0x0  }
0x1ee: {  	[sflag:s5] =	ssyncadd.s32 $0xFFFFFE00  }
0x1ef: {  	[hbm4b:s0+s2] =	stream.linear.scatter [tilespmem:s8], [sflag:$0x3], $0x200, $0x38;
	[tilespmem:$0x4400] =	vst v63  }
0x1f0: {  	_ =	swait.ge [sflag:s3], $0x200  }
0x1f1: {  	[sflag:s3] =	ssyncset.done $0x0  }
0x1f2: {  	[sflag:s3] =	ssyncadd.s32 $0xFFFFFE00  }
0x1f3: {  	_ =	swait.ge [sflag:s5], $0x200  }
0x1f4: {  	s0 =	sld [smem:$0x7DF]  }
0x1f5: {  	[sflag:s5] =	ssyncset.done $0x0  }
0x1f6: {  	[sflag:s5] =	ssyncadd.s32 $0xFFFFFE00  }
0x1f7: {  	[hbm4b:s0+s2] =	stream.linear.scatter [tilespmem:s4], [sflag:$0x3], $0x200, $0x38;
	[tilespmem:$0x4400] =	vst v63  }
0x1f8: {  	_ =	swait.ge [sflag:s3], $0x200  }
0x1f9: {  	[sflag:s3] =	ssyncset.done $0x0  }
0x1fa: {  	[sflag:s3] =	ssyncadd.s32 $0xFFFFFE00  }
0x1fb: {  	_ =	swait.ge [sflag:s5], $0x200  }
0x1fc: {  	s0 =	sld [smem:$0x7E0]  }
0x1fd: {  	[sflag:s5] =	ssyncset.done $0x0  }
0x1fe: {  	[sflag:s5] =	ssyncadd.s32 $0xFFFFFE00  }
0x1ff: {  	[hbm4b:s0+s2] =	stream.linear.scatter [tilespmem:s29], [sflag:$0x3], $0x200, $0x38;
	[tilespmem:$0x4400] =	vst v63  }
0x200: {  	_ =	swait.ge [sflag:s3], $0x200  }
0x201: {  	[sflag:s3] =	ssyncset.done $0x0  }
0x202: {  	[sflag:s3] =	ssyncadd.s32 $0xFFFFFE00  }
0x203: {  	_ =	swait.ge [sflag:s5], $0x200  }
0x204: {  	s0 =	sld [smem:$0x7E1]  }
0x205: {  	[sflag:s5] =	ssyncset.done $0x0  }
0x206: {  	[sflag:s5] =	ssyncadd.s32 $0xFFFFFE00  }
0x207: {  	[hbm4b:s0+s2] =	stream.linear.scatter [tilespmem:s31], [sflag:$0x3], $0x200, $0x38;
	[tilespmem:$0x4400] =	vst v63  }
0x208: {  	_ =	swait.ge [sflag:s3], $0x200  }
0x209: {  	[sflag:s3] =	ssyncset.done $0x0  }
0x20a: {  	[sflag:s3] =	ssyncadd.s32 $0xFFFFFE00  }
0x20b: {  	_ =	swait.ge [sflag:s5], $0x200  }
0x20c: {  	s0 =	sld [smem:$0x7E2]  }
0x20d: {  	[sflag:s5] =	ssyncset.done $0x0  }
0x20e: {  	[sflag:s5] =	ssyncadd.s32 $0xFFFFFE00  }
0x20f: {  	[hbm4b:s0+s2] =	stream.linear.scatter [tilespmem:s9], [sflag:$0x3], $0x200, $0x38;
	[tilespmem:$0x4400] =	vst v63  }
0x210: {  	_ =	swait.ge [sflag:s3], $0x200  }
0x211: {  	[sflag:s3] =	ssyncset.done $0x0  }
0x212: {  	[sflag:s3] =	ssyncadd.s32 $0xFFFFFE00  }
0x213: {  	_ =	swait.ge [sflag:s5], $0x200  }
0x214: {  	s0 =	sld [smem:$0x7E3]  }
0x215: {  	[sflag:s5] =	ssyncset.done $0x0  }
0x216: {  	[sflag:s5] =	ssyncadd.s32 $0xFFFFFE00  }
0x217: {  	[hbm4b:s0+s2] =	stream.linear.scatter [tilespmem:s17], [sflag:$0x3], $0x200, $0x38;
	[tilespmem:$0x4400] =	vst v63  }
0x218: {  	_ =	swait.ge [sflag:s3], $0x200  }
0x219: {  	[sflag:s3] =	ssyncset.done $0x0  }
0x21a: {  	[sflag:s3] =	ssyncadd.s32 $0xFFFFFE00  }
0x21b: {  	_ =	swait.ge [sflag:s5], $0x200  }
0x21c: {  	s0 =	sld [smem:$0x7E4]  }
0x21d: {  	[sflag:s5] =	ssyncset.done $0x0  }
0x21e: {  	[sflag:s5] =	ssyncadd.s32 $0xFFFFFE00  }
0x21f: {  	[hbm4b:s0+s2] =	stream.linear.scatter [tilespmem:s7], [sflag:$0x3], $0x200, $0x38;
	[tilespmem:$0x4400] =	vst v63  }
0x220: {  	_ =	swait.ge [sflag:s3], $0x200  }
0x221: {  	[sflag:s3] =	ssyncset.done $0x0  }
0x222: {  	[sflag:s3] =	ssyncadd.s32 $0xFFFFFE00  }
0x223: {  	_ =	swait.ge [sflag:s5], $0x200  }
0x224: {  	s0 =	sld [smem:$0x7E5]  }
0x225: {  	[sflag:s5] =	ssyncset.done $0x0  }
0x226: {  	[sflag:s5] =	ssyncadd.s32 $0xFFFFFE00  }
0x227: {  	[hbm4b:s0+s2] =	stream.linear.scatter [tilespmem:s19], [sflag:$0x3], $0x200, $0x38;
	[tilespmem:$0x4400] =	vst v63  }
0x228: {  	_ =	swait.ge [sflag:s3], $0x200  }
0x229: {  	[sflag:s3] =	ssyncset.done $0x0  }
0x22a: {  	[sflag:s3] =	ssyncadd.s32 $0xFFFFFE00  }
0x22b: {  	_ =	swait.ge [sflag:s5], $0x200  }
0x22c: {  	s0 =	sld [smem:$0x7E6]  }
0x22d: {  	[sflag:s5] =	ssyncset.done $0x0  }
0x22e: {  	[sflag:s5] =	ssyncadd.s32 $0xFFFFFE00  }
0x22f: {  	[hbm4b:s0+s2] =	stream.linear.scatter [tilespmem:s6], [sflag:$0x3], $0x200, $0x38;
	[tilespmem:$0x4400] =	vst v63  }
0x230: {  	_ =	swait.ge [sflag:s3], $0x200  }
0x231: {  	[sflag:s3] =	ssyncset.done $0x0  }
0x232: {  	[sflag:s3] =	ssyncadd.s32 $0xFFFFFE00  }
0x233: {  	_ =	swait.ge [sflag:s5], $0x200  }
0x234: {  	s0 =	sld [smem:$0x7E7]  }
0x235: {  	[sflag:s5] =	ssyncset.done $0x0  }
0x236: {  	[sflag:s5] =	ssyncadd.s32 $0xFFFFFE00  }
0x237: {  	[hbm4b:s0+s2] =	stream.linear.scatter [tilespmem:s21], [sflag:$0x3], $0x200, $0x38;
	[tilespmem:$0x4400] =	vst v63  }
0x238: {  	_ =	swait.ge [sflag:s3], $0x200  }
0x239: {  	[sflag:s3] =	ssyncset.done $0x0  }
0x23a: {  	[sflag:s3] =	ssyncadd.s32 $0xFFFFFE00  }
0x23b: {  	_ =	swait.ge [sflag:s5], $0x200  }
0x23c: {  	s0 =	sld [smem:$0x7E8]  }
0x23d: {  	[sflag:s5] =	ssyncset.done $0x0  }
0x23e: {  	[sflag:s5] =	ssyncadd.s32 $0xFFFFFE00  }
0x23f: {  	[hbm4b:s0+s2] =	stream.linear.scatter [tilespmem:s30], [sflag:$0x3], $0x200, $0x38;
	[tilespmem:$0x4400] =	vst v63  }
0x240: {  	_ =	swait.ge [sflag:s3], $0x200  }
0x241: {  	[sflag:s3] =	ssyncset.done $0x0  }
0x242: {  	[sflag:s3] =	ssyncadd.s32 $0xFFFFFE00  }
0x243: {  	_ =	swait.ge [sflag:s5], $0x200  }
0x244: {  	s0 =	sld [smem:$0x7E9]  }
0x245: {  	[sflag:s5] =	ssyncset.done $0x0  }
0x246: {  	[sflag:s5] =	ssyncadd.s32 $0xFFFFFE00  }
0x247: {  	[hbm4b:s0+s2] =	stream.linear.scatter [tilespmem:s26], [sflag:$0x3], $0x200, $0x38;
	[tilespmem:$0x4400] =	vst v63  }
0x248: {  	_ =	swait.ge [sflag:s3], $0x200  }
0x249: {  	[sflag:s3] =	ssyncset.done $0x0  }
0x24a: {  	[sflag:s3] =	ssyncadd.s32 $0xFFFFFE00  }
0x24b: {  	_ =	swait.ge [sflag:s5], $0x200  }
0x24c: {  	s0 =	sld [smem:$0x7EA]  }
0x24d: {  	[sflag:s5] =	ssyncset.done $0x0  }
0x24e: {  	[sflag:s5] =	ssyncadd.s32 $0xFFFFFE00  }
0x24f: {  	[hbm4b:s0+s2] =	stream.linear.scatter [tilespmem:s10], [sflag:$0x3], $0x200, $0x38;
	[tilespmem:$0x4400] =	vst v63  }
0x250: {  	_ =	swait.ge [sflag:s3], $0x200  }
0x251: {  	[sflag:s3] =	ssyncset.done $0x0  }
0x252: {  	[sflag:s3] =	ssyncadd.s32 $0xFFFFFE00  }
0x253: {  	_ =	swait.ge [sflag:s5], $0x200  }
0x254: {  	s0 =	sld [smem:$0x7EB]  }
0x255: {  	[sflag:s5] =	ssyncset.done $0x0  }
0x256: {  	[sflag:s5] =	ssyncadd.s32 $0xFFFFFE00  }
0x257: {  	[hbm4b:s0+s2] =	stream.linear.scatter [tilespmem:s14], [sflag:$0x3], $0x200, $0x38;
	[tilespmem:$0x4400] =	vst v63  }
0x258: {  	_ =	swait.ge [sflag:s3], $0x200  }
0x259: {  	[sflag:s3] =	ssyncset.done $0x0  }
0x25a: {  	[sflag:s3] =	ssyncadd.s32 $0xFFFFFE00  }
0x25b: {  	_ =	swait.ge [sflag:s5], $0x200  }
0x25c: {  	s0 =	sld [smem:$0x7EC]  }
0x25d: {  	[sflag:s5] =	ssyncset.done $0x0  }
0x25e: {  	[sflag:s5] =	ssyncadd.s32 $0xFFFFFE00  }
0x25f: {  	[hbm4b:s0+s2] =	stream.linear.scatter [tilespmem:s23], [sflag:$0x3], $0x200, $0x38;
	[tilespmem:$0x4400] =	vst v63  }
0x260: {  	_ =	swait.ge [sflag:s3], $0x200  }
0x261: {  	[sflag:s3] =	ssyncset.done $0x0  }
0x262: {  	[sflag:s3] =	ssyncadd.s32 $0xFFFFFE00  }
0x263: {  	_ =	swait.ge [sflag:s5], $0x200  }
0x264: {  	s0 =	sld [smem:$0x7ED]  }
0x265: {  	[sflag:s5] =	ssyncset.done $0x0  }
0x266: {  	[sflag:s5] =	ssyncadd.s32 $0xFFFFFE00  }
0x267: {  	[hbm4b:s0+s2] =	stream.linear.scatter [tilespmem:s15], [sflag:$0x3], $0x200, $0x38;
	[tilespmem:$0x4400] =	vst v63  }
0x268: {  	_ =	swait.ge [sflag:s3], $0x200  }
0x269: {  	[sflag:s3] =	ssyncset.done $0x0  }
0x26a: {  	[sflag:s3] =	ssyncadd.s32 $0xFFFFFE00  }
0x26b: {  	_ =	swait.ge [sflag:s5], $0x200  }
0x26c: {  	s0 =	sld [smem:$0x7EE]  }
0x26d: {  	[sflag:s5] =	ssyncset.done $0x0  }
0x26e: {  	[sflag:s5] =	ssyncadd.s32 $0xFFFFFE00  }
0x26f: {  	[hbm4b:s0+s2] =	stream.linear.scatter [tilespmem:s18], [sflag:$0x3], $0x200, $0x38;
	[tilespmem:$0x4400] =	vst v63  }
0x270: {  	_ =	swait.ge [sflag:s3], $0x200  }
0x271: {  	[sflag:s3] =	ssyncset.done $0x0  }
0x272: {  	[sflag:s3] =	ssyncadd.s32 $0xFFFFFE00  }
0x273: {  	_ =	swait.ge [sflag:s5], $0x200  }
0x274: {  	s0 =	sld [smem:$0x7EF]  }
0x275: {  	[sflag:s5] =	ssyncset.done $0x0  }
0x276: {  	[sflag:s5] =	ssyncadd.s32 $0xFFFFFE00  }
0x277: {  	[hbm4b:s0+s2] =	stream.linear.scatter [tilespmem:s20], [sflag:$0x3], $0x200, $0x38;
	[tilespmem:$0x4400] =	vst v63  }
0x278: {  	_ =	swait.ge [sflag:s3], $0x200  }
0x279: {  	[sflag:s3] =	ssyncset.done $0x0  }
0x27a: {  	[sflag:s3] =	ssyncadd.s32 $0xFFFFFE00  }
0x27b: {  	_ =	swait.ge [sflag:s5], $0x200  }
0x27c: {  	s0 =	sld [smem:$0x7F0]  }
0x27d: {  	[sflag:s5] =	ssyncset.done $0x0  }
0x27e: {  	[sflag:s5] =	ssyncadd.s32 $0xFFFFFE00  }
0x27f: {  	[hbm4b:s0+s2] =	stream.linear.scatter [tilespmem:s16], [sflag:$0x3], $0x200, $0x38;
	[tilespmem:$0x4400] =	vst v63  }
0x280: {  	_ =	swait.ge [sflag:s3], $0x200  }
0x281: {  	[sflag:s3] =	ssyncset.done $0x0  }
0x282: {  	[sflag:s3] =	ssyncadd.s32 $0xFFFFFE00  }
0x283: {  	_ =	swait.ge [sflag:s5], $0x200  }
0x284: {  	s0 =	sld [smem:$0x7F1]  }
0x285: {  	[sflag:s5] =	ssyncset.done $0x0  }
0x286: {  	[sflag:s5] =	ssyncadd.s32 $0xFFFFFE00  }
0x287: {  	[hbm4b:s0+s2] =	stream.linear.scatter [tilespmem:s22], [sflag:$0x3], $0x200, $0x38;
	[tilespmem:$0x4400] =	vst v63  }
0x288: {  	_ =	swait.ge [sflag:s3], $0x200  }
0x289: {  	[sflag:s3] =	ssyncset.done $0x0  }
0x28a: {  	[sflag:s3] =	ssyncadd.s32 $0xFFFFFE00  }
0x28b: {  	_ =	swait.ge [sflag:s5], $0x200  }
0x28c: {  	s0 =	sld [smem:$0x7F2]  }
0x28d: {  	[sflag:s5] =	ssyncset.done $0x0  }
0x28e: {  	[sflag:s5] =	ssyncadd.s32 $0xFFFFFE00  }
0x28f: {  	[hbm4b:s0+s2] =	stream.linear.scatter [tilespmem:s24], [sflag:$0x3], $0x200, $0x38;
	[tilespmem:$0x4400] =	vst v63  }
0x290: {  	_ =	swait.ge [sflag:s3], $0x200  }
0x291: {  	[sflag:s3] =	ssyncset.done $0x0  }
0x292: {  	[sflag:s3] =	ssyncadd.s32 $0xFFFFFE00  }
0x293: {  	_ =	swait.ge [sflag:s5], $0x200  }
0x294: {  	s0 =	sld [smem:$0x7F3]  }
0x295: {  	[sflag:s5] =	ssyncset.done $0x0  }
0x296: {  	[sflag:s5] =	ssyncadd.s32 $0xFFFFFE00  }
0x297: {  	[hbm4b:s0+s2] =	stream.linear.scatter [tilespmem:s28], [sflag:$0x3], $0x200, $0x38;
	[tilespmem:$0x4400] =	vst v63  }
0x298: {  	_ =	swait.ge [sflag:s3], $0x200  }
0x299: {  	[sflag:s3] =	ssyncset.done $0x0  }
0x29a: {  	[sflag:s3] =	ssyncadd.s32 $0xFFFFFE00  }
0x29b: {  	_ =	swait.ge [sflag:s5], $0x200  }
0x29c: {  	s0 =	sld [smem:$0x7F4]  }
0x29d: {  	[sflag:s5] =	ssyncset.done $0x0  }
0x29e: {  	[sflag:s5] =	ssyncadd.s32 $0xFFFFFE00  }
0x29f: {  	[hbm4b:s0+s2] =	stream.linear.scatter [tilespmem:s25], [sflag:$0x3], $0x200, $0x38;
	[tilespmem:$0x4400] =	vst v63  }
0x2a0: {  	_ =	swait.ge [sflag:s3], $0x200  }
0x2a1: {  	[sflag:s3] =	ssyncset.done $0x0  }
0x2a2: {  	[sflag:s3] =	ssyncadd.s32 $0xFFFFFE00  }
0x2a3: {  	_ =	swait.ge [sflag:s5], $0x200  }
0x2a4: {  	s12 =	sld [smem:$0x7F5]  }
0x2a5: {  	[sflag:s5] =	ssyncset.done $0x0  }
0x2a6: {  	s0 =	simm.s32 $0x3000;
	[sflag:s5] =	ssyncadd.s32 $0xFFFFFE00  }
0x2a7: {  	[hbm4b:s12+s2] =	stream.linear.scatter [tilespmem:s0], [sflag:$0x3], $0x200, $0x38;
	[tilespmem:$0x4400] =	vst v63  }
0x2a8: {  	_ =	swait.ge [sflag:s3], $0x200  }
0x2a9: {  	[sflag:s3] =	ssyncset.done $0x0  }
0x2aa: {  	[sflag:s3] =	ssyncadd.s32 $0xFFFFFE00  }
0x2ab: {  	_ =	swait.ge [sflag:s5], $0x200  }
0x2ac: {  	s12 =	sld [smem:$0x7F6]  }
0x2ad: {  	[sflag:s5] =	ssyncset.done $0x0  }
0x2ae: {  	s0 =	simm.s32 $0x3200;
	[sflag:s5] =	ssyncadd.s32 $0xFFFFFE00  }
0x2af: {  	[hbm4b:s12+s2] =	stream.linear.scatter [tilespmem:s0], [sflag:$0x3], $0x200, $0x38;
	[tilespmem:$0x4400] =	vst v63  }
0x2b0: {  	_ =	swait.ge [sflag:s3], $0x200  }
0x2b1: {  	[sflag:s3] =	ssyncset.done $0x0  }
0x2b2: {  	[sflag:s3] =	ssyncadd.s32 $0xFFFFFE00  }
0x2b3: {  	_ =	swait.ge [sflag:s5], $0x200  }
0x2b4: {  	s12 =	sld [smem:$0x7F7]  }
0x2b5: {  	[sflag:s5] =	ssyncset.done $0x0  }
0x2b6: {  	s0 =	simm.s32 $0x3400;
	[sflag:s5] =	ssyncadd.s32 $0xFFFFFE00  }
0x2b7: {  	[hbm4b:s12+s2] =	stream.linear.scatter [tilespmem:s0], [sflag:$0x3], $0x200, $0x38;
	[tilespmem:$0x4400] =	vst v63  }
0x2b8: {  	_ =	swait.ge [sflag:s3], $0x200  }
0x2b9: {  	[sflag:s3] =	ssyncset.done $0x0  }
0x2ba: {  	[sflag:s3] =	ssyncadd.s32 $0xFFFFFE00  }
0x2bb: {  	_ =	swait.ge [sflag:s5], $0x200  }
0x2bc: {  	s12 =	sld [smem:$0x7F8]  }
0x2bd: {  	[sflag:s5] =	ssyncset.done $0x0  }
0x2be: {  	s0 =	simm.s32 $0x3600;
	[sflag:s5] =	ssyncadd.s32 $0xFFFFFE00  }
0x2bf: {  	[hbm4b:s12+s2] =	stream.linear.scatter [tilespmem:s0], [sflag:$0x3], $0x200, $0x38;
	[tilespmem:$0x4400] =	vst v63  }
0x2c0: {  	_ =	swait.ge [sflag:s3], $0x200  }
0x2c1: {  	[sflag:s3] =	ssyncset.done $0x0  }
0x2c2: {  	[sflag:s3] =	ssyncadd.s32 $0xFFFFFE00  }
0x2c3: {  	_ =	swait.ge [sflag:s5], $0x200  }
0x2c4: {  	s12 =	sld [smem:$0x7F9]  }
0x2c5: {  	[sflag:s5] =	ssyncset.done $0x0  }
0x2c6: {  	s0 =	simm.s32 $0x3800;
	[sflag:s5] =	ssyncadd.s32 $0xFFFFFE00  }
0x2c7: {  	[hbm4b:s12+s2] =	stream.linear.scatter [tilespmem:s0], [sflag:$0x3], $0x200, $0x38;
	[tilespmem:$0x4400] =	vst v63  }
0x2c8: {  	_ =	swait.ge [sflag:s3], $0x200  }
0x2c9: {  	[sflag:s3] =	ssyncset.done $0x0  }
0x2ca: {  	[sflag:s3] =	ssyncadd.s32 $0xFFFFFE00  }
0x2cb: {  	_ =	swait.ge [sflag:s5], $0x200  }
0x2cc: {  	s12 =	sld [smem:$0x7FA]  }
0x2cd: {  	[sflag:s5] =	ssyncset.done $0x0  }
0x2ce: {  	s0 =	simm.s32 $0x3A00;
	[sflag:s5] =	ssyncadd.s32 $0xFFFFFE00  }
0x2cf: {  	[hbm4b:s12+s2] =	stream.linear.scatter [tilespmem:s0], [sflag:$0x3], $0x200, $0x38;
	[tilespmem:$0x4400] =	vst v63  }
0x2d0: {  	_ =	swait.ge [sflag:s3], $0x200  }
0x2d1: {  	[sflag:s3] =	ssyncset.done $0x0  }
0x2d2: {  	[sflag:s3] =	ssyncadd.s32 $0xFFFFFE00  }
0x2d3: {  	_ =	swait.ge [sflag:s5], $0x200  }
0x2d4: {  	s12 =	sld [smem:$0x7FB]  }
0x2d5: {  	[sflag:s5] =	ssyncset.done $0x0  }
0x2d6: {  	s0 =	simm.s32 $0x3C00;
	[sflag:s5] =	ssyncadd.s32 $0xFFFFFE00  }
0x2d7: {  	[hbm4b:s12+s2] =	stream.linear.scatter [tilespmem:s0], [sflag:$0x3], $0x200, $0x38;
	[tilespmem:$0x4400] =	vst v63  }
0x2d8: {  	_ =	swait.ge [sflag:s3], $0x200  }
0x2d9: {  	[sflag:s3] =	ssyncset.done $0x0  }
0x2da: {  	[sflag:s3] =	ssyncadd.s32 $0xFFFFFE00  }
0x2db: {  	_ =	swait.ge [sflag:s5], $0x200  }
0x2dc: {  	s12 =	sld [smem:$0x7FC]  }
0x2dd: {  	[sflag:s5] =	ssyncset.done $0x0  }
0x2de: {  	s0 =	simm.s32 $0x3E00;
	[sflag:s5] =	ssyncadd.s32 $0xFFFFFE00  }
0x2df: {  	[hbm4b:s12+s2] =	stream.linear.scatter [tilespmem:s0], [sflag:$0x3], $0x200, $0x38;
	[tilespmem:$0x4400] =	vst v63  }
0x2e0: {  	_ =	swait.ge [sflag:s3], $0x200  }
0x2e1: {  	[sflag:s3] =	ssyncset.done $0x0  }
0x2e2: {  	[sflag:s3] =	ssyncadd.s32 $0xFFFFFE00  }
0x2e3: {  	_ =	swait.ge [sflag:s5], $0x200  }
0x2e4: {  	p1 =	sne.s32 s11, $0x1;
	s0 =	sld [smem:$0x7FD]  }
.Ltmp2:
0x2e5: {  	[sflag:s5] =	ssyncset.done $0x0;
	(pc) =	sbr.rel @p1 .LBB2_3-.Ltmp2, $4  }
0x2e6: {  	[sflag:s5] =	ssyncadd.s32 $0xFFFFFE00  }
0x2e7: {  	[hbm4b:s0+s2] =	stream.linear.scatter [tilespmem:s13], [sflag:$0x3], $0x200, $0x38;
	[tilespmem:$0x4400] =	vst v63  }
0x2e8: {  	_ =	swait.ge [sflag:s3], $0x200  }
0x2e9: {  	s11 =	sadd.s32 $0xFFFFFFFF, s11;
	s12 =	rddreg [dreg:$0x5];
	[sflag:s3] =	ssyncset.done $0x0  }
0x2ea: {  	s13 =	simm.s32 $0x1C00  }
0x2eb: {  	s4 =	simm.s32 $0x1A00;
	s7 =	rddreg [dreg:$0x1];
	s25 =	simm.s32 $0x2  }
.LBB2_5:
0x2ec: {  	[sflag:s3] =	ssyncadd.s32 @p0 $0xFFFFFE00  }
0x2ed: {  	[tilespmem:s2], [sflag:$0x3] =	stream.linear.gather [hbm4b:s12+s2], $0x200, $0x38;
	[tilespmem:$0x4400] =	vst v63  }
0x2ee: {  	_ =	swait.ge [sflag:s3], $0x200  }
0x2ef: {  	[sflag:s3] =	ssyncset.done $0x0  }
0x2f0: {  	s9 =	simm.s32 $0x4200;
	s11 =	rddreg [dreg:$0x4];
	[sflag:s3] =	ssyncadd.s32 $0xFFFFFE00  }
0x2f1: {  	[tilespmem:s9], [sflag:$0x2] =	stream.indirect.gather [hbm4b:s11+s8], $0x1, s2, s8, $0xb8;
	[tilespmem:$0x4400] =	vst v63  }
0x2f2: {  	s20 =	rddreg [dreg:$0x6]  }
0x2f3: {  	[tilespmem:s8], [sflag:$0x1] =	stream.indirect.gather [hbm4b:s7+s8], $0x1, s2, s8, $0xb8;
	[tilespmem:$0x4400] =	vst v63  }
0x2f4: {  	s21 =	rddreg [dreg:$0x7];
	s7 =	simm.s32 $0x400  }
0x2f5: {  	[tilespmem:s7], [sflag:$0x1] =	stream.indirect.gather [hbm4b:s20+s8], $0x1, s2, s8, $0xb8;
	[tilespmem:$0x4400] =	vst v63  }
0x2f6: {  	s6 =	simm.s32 $0x600;
	s22 =	rddreg [dreg:$0x8]  }
0x2f7: {  	[tilespmem:s6], [sflag:$0x1] =	stream.indirect.gather [hbm4b:s21+s8], $0x1, s2, s8, $0xb8;
	[tilespmem:$0x4400] =	vst v63  }
0x2f8: {  	s0 =	simm.s32 $0x800;
	s23 =	rddreg [dreg:$0x9]  }
0x2f9: {  	[tilespmem:s0], [sflag:$0x1] =	stream.indirect.gather [hbm4b:s22+s8], $0x1, s2, s8, $0xb8;
	[tilespmem:$0x4400] =	vst v63  }
0x2fa: {  	s1 =	simm.s32 $0xA00;
	s24 =	rddreg [dreg:$0xa]  }
0x2fb: {  	[tilespmem:s1], [sflag:$0x1] =	stream.indirect.gather [hbm4b:s23+s8], $0x1, s2, s8, $0xb8;
	[tilespmem:$0x4400] =	vst v63  }
0x2fc: {  	s14 =	simm.s32 $0xC00;
	s26 =	rddreg [dreg:$0xb]  }
0x2fd: {  	[tilespmem:s14], [sflag:$0x1] =	stream.indirect.gather [hbm4b:s24+s8], $0x1, s2, s8, $0xb8;
	[tilespmem:$0x4400] =	vst v63  }
0x2fe: {  	s15 =	simm.s32 $0xE00;
	s28 =	rddreg [dreg:$0xc]  }
0x2ff: {  	[tilespmem:s15], [sflag:$0x1] =	stream.indirect.gather [hbm4b:s26+s8], $0x1, s2, s8, $0xb8;
	[tilespmem:$0x4400] =	vst v63  }
0x300: {  	s16 =	simm.s32 $0x1000;
	s29 =	rddreg [dreg:$0xd]  }
0x301: {  	[tilespmem:s16], [sflag:$0x1] =	stream.indirect.gather [hbm4b:s28+s8], $0x1, s2, s8, $0xb8;
	[tilespmem:$0x4400] =	vst v63  }
0x302: {  	s17 =	simm.s32 $0x1200;
	s30 =	rddreg [dreg:$0xe]  }
0x303: {  	[tilespmem:s17], [sflag:$0x1] =	stream.indirect.gather [hbm4b:s29+s8], $0x1, s2, s8, $0xb8;
	[tilespmem:$0x4400] =	vst v63  }
0x304: {  	s18 =	simm.s32 $0x1400;
	s31 =	rddreg [dreg:$0xf]  }
0x305: {  	[tilespmem:s18], [sflag:$0x1] =	stream.indirect.gather [hbm4b:s30+s8], $0x1, s2, s8, $0xb8;
	[tilespmem:$0x4400] =	vst v63  }
0x306: {  	s19 =	simm.s32 $0x1600;
	s10 =	rddreg [dreg:$0x10]  }
0x307: {  	[tilespmem:s19], [sflag:$0x1] =	stream.indirect.gather [hbm4b:s31+s8], $0x1, s2, s8, $0xb8;
	[tilespmem:$0x4400] =	vst v63  }
0x308: {  	s12 =	rddreg [dreg:$0x1f];
	s20 =	simm.s32 $0x1800  }
0x309: {  	[tilespmem:s20], [sflag:$0x1] =	stream.indirect.gather [hbm4b:s10+s8], $0x1, s2, s8, $0xb8;
	[tilespmem:$0x4400] =	vst v63  }
0x30a: {  	s21 =	rddreg [dreg:$0x11]  }
0x30b: {  	[tilespmem:s4], [sflag:$0x1] =	stream.indirect.gather [hbm4b:s21+s8], $0x1, s2, s8, $0xb8;
	[tilespmem:$0x4400] =	vst v63  }
0x30c: {  	s22 =	rddreg [dreg:$0x12]  }
0x30d: {  	[tilespmem:s13], [sflag:$0x1] =	stream.indirect.gather [hbm4b:s22+s8], $0x1, s2, s8, $0xb8;
	[tilespmem:$0x4400] =	vst v63  }
0x30e: {  	s23 =	rddreg [dreg:$0x13];
	s13 =	simm.s32 $0x1E00  }
0x30f: {  	[tilespmem:s13], [sflag:$0x1] =	stream.indirect.gather [hbm4b:s23+s8], $0x1, s2, s8, $0xb8;
	[tilespmem:$0x4400] =	vst v63  }
0x310: {  	s24 =	rddreg [dreg:$0x14];
	s31 =	simm.s32 $0x2000  }
0x311: {  	[tilespmem:s31], [sflag:$0x1] =	stream.indirect.gather [hbm4b:s24+s8], $0x1, s2, s8, $0xb8;
	[tilespmem:$0x4400] =	vst v63  }
0x312: {  	s26 =	rddreg [dreg:$0x15];
	s30 =	simm.s32 $0x2200  }
0x313: {  	[tilespmem:s30], [sflag:$0x1] =	stream.indirect.gather [hbm4b:s26+s8], $0x1, s2, s8, $0xb8;
	[tilespmem:$0x4400] =	vst v63  }
0x314: {  	s28 =	rddreg [dreg:$0x16];
	s29 =	simm.s32 $0x2400  }
0x315: {  	[tilespmem:s29], [sflag:$0x1] =	stream.indirect.gather [hbm4b:s28+s8], $0x1, s2, s8, $0xb8;
	[tilespmem:$0x4400] =	vst v63  }
0x316: {  	s4 =	rddreg [dreg:$0x17];
	s28 =	simm.s32 $0x2600  }
0x317: {  	[tilespmem:s28], [sflag:$0x1] =	stream.indirect.gather [hbm4b:s4+s8], $0x1, s2, s8, $0xb8;
	[tilespmem:$0x4400] =	vst v63  }
0x318: {  	s10 =	rddreg [dreg:$0x18];
	s26 =	simm.s32 $0x2800  }
0x319: {  	[tilespmem:s26], [sflag:$0x1] =	stream.indirect.gather [hbm4b:s10+s8], $0x1, s2, s8, $0xb8;
	[tilespmem:$0x4400] =	vst v63  }
0x31a: {  	s21 =	rddreg [dreg:$0x19];
	s24 =	simm.s32 $0x2A00  }
0x31b: {  	[tilespmem:s24], [sflag:$0x1] =	stream.indirect.gather [hbm4b:s21+s8], $0x1, s2, s8, $0xb8;
	[tilespmem:$0x4400] =	vst v63  }
0x31c: {  	s22 =	rddreg [dreg:$0x1a];
	s23 =	simm.s32 $0x2C00  }
0x31d: {  	[tilespmem:s23], [sflag:$0x1] =	stream.indirect.gather [hbm4b:s22+s8], $0x1, s2, s8, $0xb8;
	[tilespmem:$0x4400] =	vst v63  }
0x31e: {  	s4 =	rddreg [dreg:$0x1b];
	s22 =	simm.s32 $0x2E00  }
0x31f: {  	[tilespmem:s22], [sflag:$0x1] =	stream.indirect.gather [hbm4b:s4+s8], $0x1, s2, s8, $0xb8;
	[tilespmem:$0x4400] =	vst v63  }
0x320: {  	s10 =	rddreg [dreg:$0x1c];
	s21 =	simm.s32 $0x3000  }
0x321: {  	[tilespmem:s21], [sflag:$0x1] =	stream.indirect.gather [hbm4b:s10+s8], $0x1, s2, s8, $0xb8;
	[tilespmem:$0x4400] =	vst v63  }
0x322: {  	s4 =	rddreg [dreg:$0x1d];
	s10 =	simm.s32 $0x3200  }
0x323: {  	[tilespmem:s10], [sflag:$0x1] =	stream.indirect.gather [hbm4b:s4+s8], $0x1, s2, s8, $0xb8;
	[tilespmem:$0x4400] =	vst v63  }
0x324: {  	s11 =	rddreg [dreg:$0x1e];
	s4 =	simm.s32 $0x3400  }
0x325: {  	[tilespmem:s4], [sflag:$0x1] =	stream.indirect.gather [hbm4b:s11+s8], $0x1, s2, s8, $0xb8;
	[tilespmem:$0x4400] =	vst v63  }
0x326: {  	s11 =	sld [smem:$0x7D8];
	s4 =	simm.s32 $0x3600  }
0x327: {  	[tilespmem:s4], [sflag:$0x1] =	stream.indirect.gather [hbm4b:s12+s8], $0x1, s2, s8, $0xb8;
	[tilespmem:$0x4400] =	vst v63  }
0x328: {  	s12 =	sld [smem:$0x7D9];
	s4 =	simm.s32 $0x3800  }
0x329: {  	[tilespmem:s4], [sflag:$0x1] =	stream.indirect.gather [hbm4b:s11+s8], $0x1, s2, s8, $0xb8;
	[tilespmem:$0x4400] =	vst v63  }
0x32a: {  	s11 =	sld [smem:$0x7DA];
	s4 =	simm.s32 $0x3A00  }
0x32b: {  	[tilespmem:s4], [sflag:$0x1] =	stream.indirect.gather [hbm4b:s12+s8], $0x1, s2, s8, $0xb8;
	[tilespmem:$0x4400] =	vst v63  }
0x32c: {  	s12 =	sld [smem:$0x7DB];
	s4 =	simm.s32 $0x3C00  }
0x32d: {  	[tilespmem:s4], [sflag:$0x1] =	stream.indirect.gather [hbm4b:s11+s8], $0x1, s2, s8, $0xb8;
	[tilespmem:$0x4400] =	vst v63  }
0x32e: {  	s11 =	sld [smem:$0x7DC];
	s4 =	simm.s32 $0x3E00  }
0x32f: {  	[tilespmem:s4], [sflag:$0x1] =	stream.indirect.gather [hbm4b:s12+s8], $0x1, s2, s8, $0xb8;
	[tilespmem:$0x4400] =	vst v63  }
0x330: {  	s12 =	simm.s32 $0x4000  }
0x331: {  	[tilespmem:s12], [sflag:$0x1] =	stream.indirect.gather [hbm4b:s11+s8], $0x1, s2, s8, $0xb8;
	[tilespmem:$0x4400] =	vst v63  }
0x332: {  	_ =	swait.ge [sflag:s25], $0x200  }
0x333: {  	s4 =	sld [smem:$0x7DD]  }
0x334: {  	[sflag:s25] =	ssyncset.done $0x0  }
0x335: {  	[sflag:s25] =	ssyncadd.s32 $0xFFFFFE00  }
0x336: {  	[hbm4b:s4+s2] =	stream.linear.scatter [tilespmem:s9], [sflag:$0x3], $0x200, $0x38;
	[tilespmem:$0x4400] =	vst v63  }
0x337: {  	_ =	swait.ge [sflag:s3], $0x200  }
0x338: {  	[sflag:s3] =	ssyncset.done $0x0  }
0x339: {  	[sflag:s3] =	ssyncadd.s32 $0xFFFFFE00  }
0x33a: {  	_ =	swait.ge [sflag:s5], $0x200  }
0x33b: {  	s4 =	sld [smem:$0x7DE]  }
0x33c: {  	[sflag:s5] =	ssyncset.done $0x0  }
0x33d: {  	[sflag:s5] =	ssyncadd.s32 $0xFFFFFE00  }
0x33e: {  	[hbm4b:s4+s2] =	stream.linear.scatter [tilespmem:s8], [sflag:$0x3], $0x200, $0x38;
	[tilespmem:$0x4400] =	vst v63  }
0x33f: {  	_ =	swait.ge [sflag:s3], $0x200  }
0x340: {  	[sflag:s3] =	ssyncset.done $0x0  }
0x341: {  	[sflag:s3] =	ssyncadd.s32 $0xFFFFFE00  }
0x342: {  	_ =	swait.ge [sflag:s5], $0x200  }
0x343: {  	s11 =	sld [smem:$0x7DF]  }
0x344: {  	[sflag:s5] =	ssyncset.done $0x0  }
0x345: {  	[sflag:s5] =	ssyncadd.s32 $0xFFFFFE00  }
0x346: {  	[hbm4b:s11+s2] =	stream.linear.scatter [tilespmem:s7], [sflag:$0x3], $0x200, $0x38;
	[tilespmem:$0x4400] =	vst v63  }
0x347: {  	_ =	swait.ge [sflag:s3], $0x200  }
0x348: {  	[sflag:s3] =	ssyncset.done $0x0  }
0x349: {  	[sflag:s3] =	ssyncadd.s32 $0xFFFFFE00  }
0x34a: {  	_ =	swait.ge [sflag:s5], $0x200  }
0x34b: {  	s25 =	sld [smem:$0x7E0]  }
0x34c: {  	[sflag:s5] =	ssyncset.done $0x0  }
0x34d: {  	[sflag:s5] =	ssyncadd.s32 $0xFFFFFE00  }
0x34e: {  	[hbm4b:s25+s2] =	stream.linear.scatter [tilespmem:s6], [sflag:$0x3], $0x200, $0x38;
	[tilespmem:$0x4400] =	vst v63  }
0x34f: {  	_ =	swait.ge [sflag:s3], $0x200  }
0x350: {  	[sflag:s3] =	ssyncset.done $0x0  }
0x351: {  	[sflag:s3] =	ssyncadd.s32 $0xFFFFFE00  }
0x352: {  	_ =	swait.ge [sflag:s5], $0x200  }
0x353: {  	s4 =	sld [smem:$0x7E1]  }
0x354: {  	[sflag:s5] =	ssyncset.done $0x0  }
0x355: {  	[sflag:s5] =	ssyncadd.s32 $0xFFFFFE00  }
0x356: {  	[hbm4b:s4+s2] =	stream.linear.scatter [tilespmem:s0], [sflag:$0x3], $0x200, $0x38;
	[tilespmem:$0x4400] =	vst v63  }
0x357: {  	_ =	swait.ge [sflag:s3], $0x200  }
0x358: {  	[sflag:s3] =	ssyncset.done $0x0  }
0x359: {  	[sflag:s3] =	ssyncadd.s32 $0xFFFFFE00  }
0x35a: {  	_ =	swait.ge [sflag:s5], $0x200  }
0x35b: {  	s7 =	sld [smem:$0x7E2]  }
0x35c: {  	[sflag:s5] =	ssyncset.done $0x0  }
0x35d: {  	[sflag:s5] =	ssyncadd.s32 $0xFFFFFE00  }
0x35e: {  	[hbm4b:s7+s2] =	stream.linear.scatter [tilespmem:s1], [sflag:$0x3], $0x200, $0x38;
	[tilespmem:$0x4400] =	vst v63  }
0x35f: {  	_ =	swait.ge [sflag:s3], $0x200  }
0x360: {  	[sflag:s3] =	ssyncset.done $0x0  }
0x361: {  	[sflag:s3] =	ssyncadd.s32 $0xFFFFFE00  }
0x362: {  	_ =	swait.ge [sflag:s5], $0x200  }
0x363: {  	s8 =	sld [smem:$0x7E3]  }
0x364: {  	[sflag:s5] =	ssyncset.done $0x0  }
0x365: {  	[sflag:s5] =	ssyncadd.s32 $0xFFFFFE00  }
0x366: {  	[hbm4b:s8+s2] =	stream.linear.scatter [tilespmem:s14], [sflag:$0x3], $0x200, $0x38;
	[tilespmem:$0x4400] =	vst v63  }
0x367: {  	_ =	swait.ge [sflag:s3], $0x200  }
0x368: {  	[sflag:s3] =	ssyncset.done $0x0  }
0x369: {  	[sflag:s3] =	ssyncadd.s32 $0xFFFFFE00  }
0x36a: {  	_ =	swait.ge [sflag:s5], $0x200  }
0x36b: {  	s9 =	sld [smem:$0x7E4]  }
0x36c: {  	[sflag:s5] =	ssyncset.done $0x0  }
0x36d: {  	[sflag:s5] =	ssyncadd.s32 $0xFFFFFE00  }
0x36e: {  	[hbm4b:s9+s2] =	stream.linear.scatter [tilespmem:s15], [sflag:$0x3], $0x200, $0x38;
	[tilespmem:$0x4400] =	vst v63  }
0x36f: {  	_ =	swait.ge [sflag:s3], $0x200  }
0x370: {  	[sflag:s3] =	ssyncset.done $0x0  }
0x371: {  	[sflag:s3] =	ssyncadd.s32 $0xFFFFFE00  }
0x372: {  	_ =	swait.ge [sflag:s5], $0x200  }
0x373: {  	s11 =	sld [smem:$0x7E5]  }
0x374: {  	[sflag:s5] =	ssyncset.done $0x0  }
0x375: {  	[sflag:s5] =	ssyncadd.s32 $0xFFFFFE00  }
0x376: {  	[hbm4b:s11+s2] =	stream.linear.scatter [tilespmem:s16], [sflag:$0x3], $0x200, $0x38;
	[tilespmem:$0x4400] =	vst v63  }
0x377: {  	_ =	swait.ge [sflag:s3], $0x200  }
0x378: {  	[sflag:s3] =	ssyncset.done $0x0  }
0x379: {  	[sflag:s3] =	ssyncadd.s32 $0xFFFFFE00  }
0x37a: {  	_ =	swait.ge [sflag:s5], $0x200  }
0x37b: {  	s14 =	sld [smem:$0x7E6]  }
0x37c: {  	[sflag:s5] =	ssyncset.done $0x0  }
0x37d: {  	[sflag:s5] =	ssyncadd.s32 $0xFFFFFE00  }
0x37e: {  	[hbm4b:s14+s2] =	stream.linear.scatter [tilespmem:s17], [sflag:$0x3], $0x200, $0x38;
	[tilespmem:$0x4400] =	vst v63  }
0x37f: {  	_ =	swait.ge [sflag:s3], $0x200  }
0x380: {  	[sflag:s3] =	ssyncset.done $0x0  }
0x381: {  	[sflag:s3] =	ssyncadd.s32 $0xFFFFFE00  }
0x382: {  	_ =	swait.ge [sflag:s5], $0x200  }
0x383: {  	s15 =	sld [smem:$0x7E7]  }
0x384: {  	[sflag:s5] =	ssyncset.done $0x0  }
0x385: {  	[sflag:s5] =	ssyncadd.s32 $0xFFFFFE00  }
0x386: {  	[hbm4b:s15+s2] =	stream.linear.scatter [tilespmem:s18], [sflag:$0x3], $0x200, $0x38;
	[tilespmem:$0x4400] =	vst v63  }
0x387: {  	_ =	swait.ge [sflag:s3], $0x200  }
0x388: {  	[sflag:s3] =	ssyncset.done $0x0  }
0x389: {  	[sflag:s3] =	ssyncadd.s32 $0xFFFFFE00  }
0x38a: {  	_ =	swait.ge [sflag:s5], $0x200  }
0x38b: {  	s16 =	sld [smem:$0x7E8]  }
0x38c: {  	[sflag:s5] =	ssyncset.done $0x0  }
0x38d: {  	[sflag:s5] =	ssyncadd.s32 $0xFFFFFE00  }
0x38e: {  	[hbm4b:s16+s2] =	stream.linear.scatter [tilespmem:s19], [sflag:$0x3], $0x200, $0x38;
	[tilespmem:$0x4400] =	vst v63  }
0x38f: {  	_ =	swait.ge [sflag:s3], $0x200  }
0x390: {  	[sflag:s3] =	ssyncset.done $0x0  }
0x391: {  	[sflag:s3] =	ssyncadd.s32 $0xFFFFFE00  }
0x392: {  	_ =	swait.ge [sflag:s5], $0x200  }
0x393: {  	s17 =	sld [smem:$0x7E9]  }
0x394: {  	[sflag:s5] =	ssyncset.done $0x0  }
0x395: {  	[sflag:s5] =	ssyncadd.s32 $0xFFFFFE00  }
0x396: {  	[hbm4b:s17+s2] =	stream.linear.scatter [tilespmem:s20], [sflag:$0x3], $0x200, $0x38;
	[tilespmem:$0x4400] =	vst v63  }
0x397: {  	_ =	swait.ge [sflag:s3], $0x200  }
0x398: {  	[sflag:s3] =	ssyncset.done $0x0  }
0x399: {  	[sflag:s3] =	ssyncadd.s32 $0xFFFFFE00  }
0x39a: {  	_ =	swait.ge [sflag:s5], $0x200  }
0x39b: {  	s18 =	sld [smem:$0x7EA]  }
0x39c: {  	[sflag:s5] =	ssyncset.done $0x0  }
0x39d: {  	s19 =	simm.s32 $0x1A00;
	[sflag:s5] =	ssyncadd.s32 $0xFFFFFE00  }
0x39e: {  	[hbm4b:s18+s2] =	stream.linear.scatter [tilespmem:s19], [sflag:$0x3], $0x200, $0x38;
	[tilespmem:$0x4400] =	vst v63  }
0x39f: {  	_ =	swait.ge [sflag:s3], $0x200  }
0x3a0: {  	[sflag:s3] =	ssyncset.done $0x0  }
0x3a1: {  	[sflag:s3] =	ssyncadd.s32 $0xFFFFFE00  }
0x3a2: {  	_ =	swait.ge [sflag:s5], $0x200  }
0x3a3: {  	s20 =	sld [smem:$0x7EB]  }
0x3a4: {  	[sflag:s5] =	ssyncset.done $0x0  }
0x3a5: {  	s25 =	simm.s32 $0x1C00;
	[sflag:s5] =	ssyncadd.s32 $0xFFFFFE00  }
0x3a6: {  	[hbm4b:s20+s2] =	stream.linear.scatter [tilespmem:s25], [sflag:$0x3], $0x200, $0x38;
	[tilespmem:$0x4400] =	vst v63  }
0x3a7: {  	_ =	swait.ge [sflag:s3], $0x200  }
0x3a8: {  	[sflag:s3] =	ssyncset.done $0x0  }
0x3a9: {  	[sflag:s3] =	ssyncadd.s32 $0xFFFFFE00  }
0x3aa: {  	_ =	swait.ge [sflag:s5], $0x200  }
0x3ab: {  	s1 =	sld [smem:$0x7EC]  }
0x3ac: {  	[sflag:s5] =	ssyncset.done $0x0  }
0x3ad: {  	[sflag:s5] =	ssyncadd.s32 $0xFFFFFE00  }
0x3ae: {  	[hbm4b:s1+s2] =	stream.linear.scatter [tilespmem:s13], [sflag:$0x3], $0x200, $0x38;
	[tilespmem:$0x4400] =	vst v63  }
0x3af: {  	_ =	swait.ge [sflag:s3], $0x200  }
0x3b0: {  	[sflag:s3] =	ssyncset.done $0x0  }
0x3b1: {  	[sflag:s3] =	ssyncadd.s32 $0xFFFFFE00  }
0x3b2: {  	_ =	swait.ge [sflag:s5], $0x200  }
0x3b3: {  	s4 =	sld [smem:$0x7ED]  }
0x3b4: {  	[sflag:s5] =	ssyncset.done $0x0  }
0x3b5: {  	[sflag:s5] =	ssyncadd.s32 $0xFFFFFE00  }
0x3b6: {  	[hbm4b:s4+s2] =	stream.linear.scatter [tilespmem:s31], [sflag:$0x3], $0x200, $0x38;
	[tilespmem:$0x4400] =	vst v63  }
0x3b7: {  	_ =	swait.ge [sflag:s3], $0x200  }
0x3b8: {  	[sflag:s3] =	ssyncset.done $0x0  }
0x3b9: {  	[sflag:s3] =	ssyncadd.s32 $0xFFFFFE00  }
0x3ba: {  	_ =	swait.ge [sflag:s5], $0x200  }
0x3bb: {  	s6 =	sld [smem:$0x7EE]  }
0x3bc: {  	[sflag:s5] =	ssyncset.done $0x0  }
0x3bd: {  	[sflag:s5] =	ssyncadd.s32 $0xFFFFFE00  }
0x3be: {  	[hbm4b:s6+s2] =	stream.linear.scatter [tilespmem:s30], [sflag:$0x3], $0x200, $0x38;
	[tilespmem:$0x4400] =	vst v63  }
0x3bf: {  	_ =	swait.ge [sflag:s3], $0x200  }
0x3c0: {  	[sflag:s3] =	ssyncset.done $0x0  }
0x3c1: {  	[sflag:s3] =	ssyncadd.s32 $0xFFFFFE00  }
0x3c2: {  	_ =	swait.ge [sflag:s5], $0x200  }
0x3c3: {  	s7 =	sld [smem:$0x7EF]  }
0x3c4: {  	[sflag:s5] =	ssyncset.done $0x0  }
0x3c5: {  	[sflag:s5] =	ssyncadd.s32 $0xFFFFFE00  }
0x3c6: {  	[hbm4b:s7+s2] =	stream.linear.scatter [tilespmem:s29], [sflag:$0x3], $0x200, $0x38;
	[tilespmem:$0x4400] =	vst v63  }
0x3c7: {  	_ =	swait.ge [sflag:s3], $0x200  }
0x3c8: {  	[sflag:s3] =	ssyncset.done $0x0  }
0x3c9: {  	[sflag:s3] =	ssyncadd.s32 $0xFFFFFE00  }
0x3ca: {  	_ =	swait.ge [sflag:s5], $0x200  }
0x3cb: {  	s8 =	sld [smem:$0x7F0]  }
0x3cc: {  	[sflag:s5] =	ssyncset.done $0x0  }
0x3cd: {  	[sflag:s5] =	ssyncadd.s32 $0xFFFFFE00  }
0x3ce: {  	[hbm4b:s8+s2] =	stream.linear.scatter [tilespmem:s28], [sflag:$0x3], $0x200, $0x38;
	[tilespmem:$0x4400] =	vst v63  }
0x3cf: {  	_ =	swait.ge [sflag:s3], $0x200  }
0x3d0: {  	[sflag:s3] =	ssyncset.done $0x0  }
0x3d1: {  	[sflag:s3] =	ssyncadd.s32 $0xFFFFFE00  }
0x3d2: {  	_ =	swait.ge [sflag:s5], $0x200  }
0x3d3: {  	s9 =	sld [smem:$0x7F1]  }
0x3d4: {  	[sflag:s5] =	ssyncset.done $0x0  }
0x3d5: {  	[sflag:s5] =	ssyncadd.s32 $0xFFFFFE00  }
0x3d6: {  	[hbm4b:s9+s2] =	stream.linear.scatter [tilespmem:s26], [sflag:$0x3], $0x200, $0x38;
	[tilespmem:$0x4400] =	vst v63  }
0x3d7: {  	_ =	swait.ge [sflag:s3], $0x200  }
0x3d8: {  	[sflag:s3] =	ssyncset.done $0x0  }
0x3d9: {  	[sflag:s3] =	ssyncadd.s32 $0xFFFFFE00  }
0x3da: {  	_ =	swait.ge [sflag:s5], $0x200  }
0x3db: {  	s11 =	sld [smem:$0x7F2]  }
0x3dc: {  	[sflag:s5] =	ssyncset.done $0x0  }
0x3dd: {  	[sflag:s5] =	ssyncadd.s32 $0xFFFFFE00  }
0x3de: {  	[hbm4b:s11+s2] =	stream.linear.scatter [tilespmem:s24], [sflag:$0x3], $0x200, $0x38;
	[tilespmem:$0x4400] =	vst v63  }
0x3df: {  	_ =	swait.ge [sflag:s3], $0x200  }
0x3e0: {  	[sflag:s3] =	ssyncset.done $0x0  }
0x3e1: {  	[sflag:s3] =	ssyncadd.s32 $0xFFFFFE00  }
0x3e2: {  	_ =	swait.ge [sflag:s5], $0x200  }
0x3e3: {  	s13 =	sld [smem:$0x7F3]  }
0x3e4: {  	[sflag:s5] =	ssyncset.done $0x0  }
0x3e5: {  	[sflag:s5] =	ssyncadd.s32 $0xFFFFFE00  }
0x3e6: {  	[hbm4b:s13+s2] =	stream.linear.scatter [tilespmem:s23], [sflag:$0x3], $0x200, $0x38;
	[tilespmem:$0x4400] =	vst v63  }
0x3e7: {  	_ =	swait.ge [sflag:s3], $0x200  }
0x3e8: {  	[sflag:s3] =	ssyncset.done $0x0  }
0x3e9: {  	[sflag:s3] =	ssyncadd.s32 $0xFFFFFE00  }
0x3ea: {  	_ =	swait.ge [sflag:s5], $0x200  }
0x3eb: {  	s14 =	sld [smem:$0x7F4]  }
0x3ec: {  	[sflag:s5] =	ssyncset.done $0x0  }
0x3ed: {  	[sflag:s5] =	ssyncadd.s32 $0xFFFFFE00  }
0x3ee: {  	[hbm4b:s14+s2] =	stream.linear.scatter [tilespmem:s22], [sflag:$0x3], $0x200, $0x38;
	[tilespmem:$0x4400] =	vst v63  }
0x3ef: {  	_ =	swait.ge [sflag:s3], $0x200  }
0x3f0: {  	[sflag:s3] =	ssyncset.done $0x0  }
0x3f1: {  	[sflag:s3] =	ssyncadd.s32 $0xFFFFFE00  }
0x3f2: {  	_ =	swait.ge [sflag:s5], $0x200  }
0x3f3: {  	s15 =	sld [smem:$0x7F5]  }
0x3f4: {  	[sflag:s5] =	ssyncset.done $0x0  }
0x3f5: {  	[sflag:s5] =	ssyncadd.s32 $0xFFFFFE00  }
0x3f6: {  	[hbm4b:s15+s2] =	stream.linear.scatter [tilespmem:s21], [sflag:$0x3], $0x200, $0x38;
	[tilespmem:$0x4400] =	vst v63  }
0x3f7: {  	_ =	swait.ge [sflag:s3], $0x200  }
0x3f8: {  	[sflag:s3] =	ssyncset.done $0x0  }
0x3f9: {  	[sflag:s3] =	ssyncadd.s32 $0xFFFFFE00  }
0x3fa: {  	_ =	swait.ge [sflag:s5], $0x200  }
0x3fb: {  	s16 =	sld [smem:$0x7F6]  }
0x3fc: {  	[sflag:s5] =	ssyncset.done $0x0  }
0x3fd: {  	[sflag:s5] =	ssyncadd.s32 $0xFFFFFE00  }
0x3fe: {  	[hbm4b:s16+s2] =	stream.linear.scatter [tilespmem:s10], [sflag:$0x3], $0x200, $0x38;
	[tilespmem:$0x4400] =	vst v63  }
0x3ff: {  	_ =	swait.ge [sflag:s3], $0x200  }
0x400: {  	[sflag:s3] =	ssyncset.done $0x0  }
0x401: {  	[sflag:s3] =	ssyncadd.s32 $0xFFFFFE00  }
0x402: {  	_ =	swait.ge [sflag:s5], $0x200  }
0x403: {  	s17 =	sld [smem:$0x7F7]  }
0x404: {  	[sflag:s5] =	ssyncset.done $0x0  }
0x405: {  	s18 =	simm.s32 $0x3400;
	[sflag:s5] =	ssyncadd.s32 $0xFFFFFE00  }
0x406: {  	[hbm4b:s17+s2] =	stream.linear.scatter [tilespmem:s18], [sflag:$0x3], $0x200, $0x38;
	[tilespmem:$0x4400] =	vst v63  }
0x407: {  	_ =	swait.ge [sflag:s3], $0x200  }
0x408: {  	[sflag:s3] =	ssyncset.done $0x0  }
0x409: {  	[sflag:s3] =	ssyncadd.s32 $0xFFFFFE00  }
0x40a: {  	_ =	swait.ge [sflag:s5], $0x200  }
0x40b: {  	s19 =	sld [smem:$0x7F8]  }
0x40c: {  	[sflag:s5] =	ssyncset.done $0x0  }
0x40d: {  	s20 =	simm.s32 $0x3600;
	[sflag:s5] =	ssyncadd.s32 $0xFFFFFE00  }
0x40e: {  	[hbm4b:s19+s2] =	stream.linear.scatter [tilespmem:s20], [sflag:$0x3], $0x200, $0x38;
	[tilespmem:$0x4400] =	vst v63  }
0x40f: {  	_ =	swait.ge [sflag:s3], $0x200  }
0x410: {  	[sflag:s3] =	ssyncset.done $0x0  }
0x411: {  	[sflag:s3] =	ssyncadd.s32 $0xFFFFFE00  }
0x412: {  	_ =	swait.ge [sflag:s5], $0x200  }
0x413: {  	s21 =	sld [smem:$0x7F9]  }
0x414: {  	[sflag:s5] =	ssyncset.done $0x0  }
0x415: {  	s22 =	simm.s32 $0x3800;
	[sflag:s5] =	ssyncadd.s32 $0xFFFFFE00  }
0x416: {  	[hbm4b:s21+s2] =	stream.linear.scatter [tilespmem:s22], [sflag:$0x3], $0x200, $0x38;
	[tilespmem:$0x4400] =	vst v63  }
0x417: {  	_ =	swait.ge [sflag:s3], $0x200  }
0x418: {  	[sflag:s3] =	ssyncset.done $0x0  }
0x419: {  	[sflag:s3] =	ssyncadd.s32 $0xFFFFFE00  }
0x41a: {  	_ =	swait.ge [sflag:s5], $0x200  }
0x41b: {  	s23 =	sld [smem:$0x7FA]  }
0x41c: {  	[sflag:s5] =	ssyncset.done $0x0  }
0x41d: {  	s24 =	simm.s32 $0x3A00;
	[sflag:s5] =	ssyncadd.s32 $0xFFFFFE00  }
0x41e: {  	[hbm4b:s23+s2] =	stream.linear.scatter [tilespmem:s24], [sflag:$0x3], $0x200, $0x38;
	[tilespmem:$0x4400] =	vst v63  }
0x41f: {  	_ =	swait.ge [sflag:s3], $0x200  }
0x420: {  	[sflag:s3] =	ssyncset.done $0x0  }
0x421: {  	[sflag:s3] =	ssyncadd.s32 $0xFFFFFE00  }
0x422: {  	_ =	swait.ge [sflag:s5], $0x200  }
0x423: {  	s25 =	sld [smem:$0x7FB]  }
0x424: {  	[sflag:s5] =	ssyncset.done $0x0  }
0x425: {  	s26 =	simm.s32 $0x3C00;
	[sflag:s5] =	ssyncadd.s32 $0xFFFFFE00  }
0x426: {  	[hbm4b:s25+s2] =	stream.linear.scatter [tilespmem:s26], [sflag:$0x3], $0x200, $0x38;
	[tilespmem:$0x4400] =	vst v63  }
0x427: {  	_ =	swait.ge [sflag:s3], $0x200  }
0x428: {  	[sflag:s3] =	ssyncset.done $0x0  }
0x429: {  	[sflag:s3] =	ssyncadd.s32 $0xFFFFFE00  }
0x42a: {  	_ =	swait.ge [sflag:s5], $0x200  }
0x42b: {  	s28 =	sld [smem:$0x7FC]  }
0x42c: {  	[sflag:s5] =	ssyncset.done $0x0  }
0x42d: {  	s29 =	simm.s32 $0x3E00;
	[sflag:s5] =	ssyncadd.s32 $0xFFFFFE00  }
0x42e: {  	[hbm4b:s28+s2] =	stream.linear.scatter [tilespmem:s29], [sflag:$0x3], $0x200, $0x38;
	[tilespmem:$0x4400] =	vst v63  }
0x42f: {  	_ =	swait.ge [sflag:s3], $0x200  }
0x430: {  	[sflag:s3] =	ssyncset.done $0x0  }
0x431: {  	[sflag:s3] =	ssyncadd.s32 $0xFFFFFE00  }
0x432: {  	_ =	swait.ge [sflag:s5], $0x200  }
0x433: {  	s30 =	sld [smem:$0x7FD]  }
0x434: {  	[sflag:s5] =	ssyncset.done $0x0  }
0x435: {  	[sflag:s5] =	ssyncadd.s32 $0xFFFFFE00  }
0x436: {  	[hbm4b:s30+s2] =	stream.linear.scatter [tilespmem:s12], [sflag:$0x3], $0x200, $0x38;
	[tilespmem:$0x4400] =	vst v63  }
0x437: {  	_ =	swait.ge [sflag:s3], $0x200  }
0x438: {  	[sflag:s3] =	ssyncset.done $0x0  }
0x439: {  	[sflag:s3] =	ssyncadd.s32 $0xFFFFFE00  }
0x43a: {  	_ =	sfence.sel $0x180000  }
0x43b: {  	[bflag:$0x0] =	sbarrier.arrive $0xFFFF  }
0x43c: {  	_ =	strace $0x90000047  }
0x43d: {  	s31 =	stileid.u32;
	[bflag:$0x2] =	sbarrier.arrive $0xFFFF  }
0x43e: {  	p0 =	sne.s32 s31, $0x0;
	s0 =	rddreg [dreg:$0x3]  }
0x43f: {  	s0 =	sadd.s32 @!p0 $0x100000, s0  }
0x440: {  	[sflag:s0] =	ssyncadd.tile.s32 @!p0 $0x1;
	_ =	shalt  }
.LBB2_6:
.Ltmp3:
0x441: {  	(pc) =	sbr.rel .LBB2_5-.Ltmp3, $3  }
0x442: {  	_ =	sdelay $0x1  }
0x443: {  	s13 =	simm.s32 $0x1C00  }
0x444: {  	s4 =	simm.s32 $0x1A00;
	s7 =	rddreg [dreg:$0x1];
	s25 =	simm.s32 $0x2  }
.Lfunc_end2:
_tile_overlayer_lowered:
.L_overlay_start_2:
0x445: {  	(tag) =	ssettag $0x2  }
0x446: {  	s0 =	rddreg [dreg:$0x0];
	s2 =	stileid.u32  }
0x447: {  	s1 =	rddreg [dreg:$0x1];
	p0 =	sne.s32 s2, $0x0  }
0x448: {  	s3 =	rddreg [dreg:$0x2];
	[bflag:$0x3] =	sbarrier.arrive $0xFFFF;
	s2 =	simm.s32 @!p0 $0x1C03  }
0x449: {  	[timem:s3], [sflag:s2] =	dma.local @!p0 [hbm:s0], s1  }
0x44a: {  	s0 =	simm.s32 @!p0 $0x3  }
0x44b: {  	_ =	swait.ge @!p0 [sflag:s0], s1  }
0x44c: {  	s1 =	ssub.s32 @!p0 $0x0, s1;
	[sflag:s0] =	ssyncset.done @!p0 $0x0  }
0x44d: {  	[sflag:s0] =	ssyncadd.s32 @!p0 s1  }
0x44e: {  	[bflag:$0x3] =	sbarrier.arrive $0xFFFF  }
0x44f: {  	_ =	shalt  }

</sc_bundles>
